<compile_context>
chip_gen: v7x
topology: tpu7x:2x2x1
jax: 0.10.2.dev20260603
libtpu: 0.0.44.dev20260713+nightly
codegen_flags: <defaults>
</compile_context>

<pallas_src>
import functools

import jax
import jax.numpy as jnp
from jax import lax
from jax.experimental import pallas as pl
from jax.experimental.pallas import tpu as pltpu
from jax.experimental.pallas import tpu_sc as plsc

N = 10000
D = 128
E = 320000
CB = 80
NC, NS = 2, 16
NW = NC * NS
CHUNKS_PER_TILE = E // (NW * CB)
GROUPS = 5
CPG = CHUNKS_PER_TILE // GROUPS
NP = 10240
ROWS_PER_TILE = NP // NS
ZR = 32
NB = 3
LA = NB - 1
R = 1000


@functools.cache
def _make_sc_agg(with_counts):
    out_type = [jax.ShapeDtypeStruct((NC, NP, D), jnp.float32)]
    scratch = [
        pltpu.VMEM_SHARED((NP, D), jnp.float32),
        pltpu.VMEM((CPG, CB), jnp.int32),
        pltpu.VMEM((CPG, CB), jnp.int32),
        pltpu.VMEM((NB, CB, D), jnp.float32),
        pltpu.VMEM((ZR, D), jnp.float32),
        pltpu.SemaphoreType.DMA,
        pltpu.SemaphoreType.DMA,
    ]
    if with_counts:
        out_type.append(jax.ShapeDtypeStruct((NC, NP), jnp.float32))
        scratch += [
            pltpu.VMEM_SHARED((NP,), jnp.float32),
            pltpu.VMEM((ROWS_PER_TILE,), jnp.float32),
            pltpu.SemaphoreType.DMA,
        ]
    mesh = plsc.VectorSubcoreMesh(core_axis_name="c", subcore_axis_name="s")

    @functools.partial(
        pl.kernel,
        out_type=out_type,
        mesh=mesh,
        scratch_types=scratch,
        compiler_params=pltpu.CompilerParams(use_tc_tiling_on_sc=False),
    )
    def agg(table_hbm, edge_hbm, out_hbm, *rest):
        if with_counts:
            cnt_hbm, acc_sh, idx_src, idx_dst, rows, zbuf, gsem, ssem, \
                cnt_sh, vec1, csem = rest
        else:
            acc_sh, idx_src, idx_dst, rows, zbuf, gsem, ssem = rest
        c = lax.axis_index("c")
        s = lax.axis_index("s")

        zvec = jnp.zeros((16,), jnp.float32)

        def zrow(r, carry):
            def zcol(q, carry2):
                zbuf[r, pl.ds(q * 16, 16)] = zvec
                return carry2
            return lax.fori_loop(0, D // 16, zcol, carry)

        lax.fori_loop(0, ZR, zrow, 0)
        for t in range(ROWS_PER_TILE // ZR):
            pltpu.async_copy(
                zbuf, acc_sh.at[pl.ds(s * ROWS_PER_TILE + t * ZR, ZR), :],
                ssem)
        if with_counts:
            def zc(r, carry):
                vec1[pl.ds(r * 16, 16)] = zvec
                return carry
            lax.fori_loop(0, ROWS_PER_TILE // 16, zc, 0)
            pltpu.sync_copy(vec1,
                            cnt_sh.at[pl.ds(s * ROWS_PER_TILE,
                                            ROWS_PER_TILE)])
        for t in range(ROWS_PER_TILE // ZR):
            pltpu.make_async_copy(
                zbuf, acc_sh.at[pl.ds(s * ROWS_PER_TILE + t * ZR, ZR), :],
                ssem).wait()
        plsc.subcore_barrier()
        if with_counts:
            ovec = jnp.full((16,), 1.0, jnp.float32)

            def oc(r, carry):
                vec1[pl.ds(r * 16, 16)] = ovec
                return carry
            lax.fori_loop(0, CB // 16, oc, 0)

        tile0 = (c * NS + s) * CHUNKS_PER_TILE

        def g_issue(j, b):
            pltpu.async_copy(table_hbm.at[idx_src.at[j]], rows.at[b], gsem)

        def g_wait(j, b):
            pltpu.make_async_copy(table_hbm.at[idx_src.at[j]], rows.at[b],
                                  gsem).wait()

        def s_issue(j, b):
            pltpu.async_copy(rows.at[b], acc_sh.at[idx_dst.at[j]], ssem,
                             add=True)
            if with_counts:
                pltpu.async_copy(vec1.at[pl.ds(0, CB)],
                                 cnt_sh.at[idx_dst.at[j]], csem, add=True)

        def s_drain():
            pltpu.make_async_copy(rows.at[0], acc_sh.at[idx_dst.at[0]],
                                  ssem).wait()

        def group(g, carry):
            row0 = tile0 + g * CPG
            pltpu.sync_copy(edge_hbm.at[0, pl.ds(row0, CPG), :], idx_src)
            pltpu.sync_copy(edge_hbm.at[1, pl.ds(row0, CPG), :], idx_dst)

            for j in range(LA):
                g_issue(j, j)
            g_wait(0, 0)
            s_issue(0, 0)
            g_issue(LA, LA)

            def chunk(j, carry2):
                b = j % NB
                g_wait(j, b)
                s_issue(j, b)
                s_drain()
                g_issue(j + LA, (j + LA) % NB)
                return carry2

            lax.fori_loop(1, CPG - LA, chunk, carry)

            for j in range(CPG - LA, CPG):
                b = j % NB
                g_wait(j, b)
                s_issue(j, b)
                s_drain()
            s_drain()

            if with_counts:
                def cdrain(j, carry2):
                    pltpu.make_async_copy(vec1.at[pl.ds(0, CB)],
                                          cnt_sh.at[idx_dst.at[0]],
                                          csem).wait()
                    return carry2
                lax.fori_loop(0, CPG, cdrain, carry)
            return carry

        lax.fori_loop(0, GROUPS, group, 0)
        plsc.subcore_barrier()

        pltpu.sync_copy(
            acc_sh.at[pl.ds(s * ROWS_PER_TILE, ROWS_PER_TILE), :],
            out_hbm.at[c, pl.ds(s * ROWS_PER_TILE, ROWS_PER_TILE), :])
        if with_counts:
            pltpu.sync_copy(
                cnt_sh.at[pl.ds(s * ROWS_PER_TILE, ROWS_PER_TILE)],
                cnt_hbm.at[c, pl.ds(s * ROWS_PER_TILE, ROWS_PER_TILE)])

    return agg


_DN = (((1,), (1,)), ((), ()))


def _tc_self_body(x_ref, w_ref, b_ref, o_ref):
    o_ref[...] = lax.dot_general(
        x_ref[...], w_ref[...], _DN,
        preferred_element_type=jnp.float32) + b_ref[...]


def _tc_mix1_body(P_ref, C_ref, s_ref, wl_ref, h_ref, ic_ref):
    acc = P_ref[0] + P_ref[1]
    cnt = C_ref[0] + C_ref[1]
    inv = 1.0 / jnp.maximum(cnt, 1.0)
    h = lax.dot_general(acc * inv, wl_ref[...], _DN,
                        preferred_element_type=jnp.float32) + s_ref[...]
    h_ref[...] = jnp.maximum(h, 0.0)
    ic_ref[...] = inv


def _tc_mix2_body(P_ref, s_ref, ic_ref, wl_ref, out_ref):
    acc = P_ref[0] + P_ref[1]
    out_ref[...] = lax.dot_general(
        acc * ic_ref[...], wl_ref[...], _DN,
        preferred_element_type=jnp.float32) + s_ref[...]


def _tc_self(x, w, b):
    return pl.pallas_call(
        _tc_self_body,
        grid=(N // R,),
        in_specs=[
            pl.BlockSpec((R, D), lambda i: (i, 0)),
            pl.BlockSpec((D, D), lambda i: (0, 0)),
            pl.BlockSpec((1, D), lambda i: (0, 0)),
        ],
        out_specs=pl.BlockSpec((R, D), lambda i: (i, 0)),
        out_shape=jax.ShapeDtypeStruct((N, D), jnp.float32),
    )(x, w, b)


def _tc_mix1(P, C3, s, wl):
    return pl.pallas_call(
        _tc_mix1_body,
        grid=(N // R,),
        in_specs=[
            pl.BlockSpec((NC, R, D), lambda i: (0, i, 0)),
            pl.BlockSpec((NC, R, 1), lambda i: (0, i, 0)),
            pl.BlockSpec((R, D), lambda i: (i, 0)),
            pl.BlockSpec((D, D), lambda i: (0, 0)),
        ],
        out_specs=[
            pl.BlockSpec((R, D), lambda i: (i, 0)),
            pl.BlockSpec((R, 1), lambda i: (i, 0)),
        ],
        out_shape=[
            jax.ShapeDtypeStruct((N, D), jnp.float32),
            jax.ShapeDtypeStruct((N, 1), jnp.float32),
        ],
    )(P, C3, s, wl)


def _tc_mix2(P, s, ic, wl):
    return pl.pallas_call(
        _tc_mix2_body,
        grid=(N // R,),
        in_specs=[
            pl.BlockSpec((NC, R, D), lambda i: (0, i, 0)),
            pl.BlockSpec((R, D), lambda i: (i, 0)),
            pl.BlockSpec((R, 1), lambda i: (i, 0)),
            pl.BlockSpec((D, D), lambda i: (0, 0)),
        ],
        out_specs=pl.BlockSpec((R, D), lambda i: (i, 0)),
        out_shape=jax.ShapeDtypeStruct((N, D), jnp.float32),
    )(P, s, ic, wl)


def kernel(x, edge_index, W1_l, b1_l, W1_r, W2_l, b2_l, W2_r):
    edge3 = edge_index.reshape(2, E // CB, CB)
    s1 = _tc_self(x, W1_r, b1_l.reshape(1, D))
    P1, C1 = _make_sc_agg(True)(x, edge3)
    h, ic = _tc_mix1(P1, C1.reshape(NC, NP, 1), s1, W1_l)
    s2 = _tc_self(h, W2_r, b2_l.reshape(1, D))
    P2, = _make_sc_agg(False)(h, edge3)
    return _tc_mix2(P2, s2, ic, W2_l)

# --- scband reference (transcript-rebuilt; emitter-appended) ---
"""Pipeline reference for scband-graph-sage-29308856828029 (READ-ONLY COPY).

The authoritative reference and input builder live on the scoring server;
editing this copy changes nothing except your own understanding.
"""

import jax, jax.numpy as jnp
import numpy as np

N_NODES = 10000
N_EDGES = 320000
D_IN = 128
D_HID = 128
D_OUT = 128


def setup_inputs(seed: int = 0) -> dict:
    key = jax.random.key(seed)
    ks = jax.random.split(key, 8)
    x = jax.random.normal(ks[0], (N_NODES, D_IN), dtype=jnp.float32)
    edge_index = jax.random.randint(ks[1], (2, N_EDGES), 0, N_NODES, dtype=jnp.int64 if jax.config.jax_enable_x64 else jnp.int32).astype(jnp.int32)
    # SAGEConv layer 1 params (PyG convention: lin_l applied to aggregated neighbors with bias,
    # lin_r applied to root/self features without bias)
    W1_l = jax.random.normal(ks[2], (D_HID, D_IN), dtype=jnp.float32) * (1.0 / np.sqrt(D_IN))
    b1_l = jnp.zeros((D_HID,), dtype=jnp.float32)
    W1_r = jax.random.normal(ks[3], (D_HID, D_IN), dtype=jnp.float32) * (1.0 / np.sqrt(D_IN))
    # SAGEConv layer 2 params
    W2_l = jax.random.normal(ks[4], (D_OUT, D_HID), dtype=jnp.float32) * (1.0 / np.sqrt(D_HID))
    b2_l = jnp.zeros((D_OUT,), dtype=jnp.float32)
    W2_r = jax.random.normal(ks[5], (D_OUT, D_HID), dtype=jnp.float32) * (1.0 / np.sqrt(D_HID))
    return {"x": x, "edge_index": edge_index, "W1_l": W1_l, "b1_l": b1_l, "W1_r": W1_r,
            "W2_l": W2_l, "b2_l": b2_l, "W2_r": W2_r}


def _sage_conv(x, edge_index, W_l, b_l, W_r):
    src = edge_index[0]
    dst = edge_index[1]
    msgs = jnp.take(x, src, axis=0)                      # gather: [E, d]
    summed = jax.ops.segment_sum(msgs, dst, num_segments=x.shape[0])
    cnt = jax.ops.segment_sum(jnp.ones((edge_index.shape[1],), dtype=x.dtype), dst,
                              num_segments=x.shape[0])
    mean = summed / jnp.clip(cnt, 1.0, None)[:, None]    # mean aggregation
    return mean @ W_l.T + b_l + x @ W_r.T


def reference(x, edge_index, W1_l, b1_l, W1_r, W2_l, b2_l, W2_r):
    h = _sage_conv(x, edge_index, W1_l, b1_l, W1_r)
    h = jax.nn.relu(h)
    # dropout p=0.1 -> identity in eval/reference mode
    out = _sage_conv(h, edge_index, W2_l, b2_l, W2_r)
    return out

if __name__ == "__main__":
    import jax
    _d = setup_inputs()
    print(jax.jit(kernel)(*tuple(_d.values())))

</pallas_src>

<mosaic_0001>
#map = affine_map<(d0, d1) -> (0, 0)>
#map1 = affine_map<(d0, d1) -> (0, 0, 0)>
module attributes {stable_mosaic.version = 14 : i64} {
  func.func @agg(%arg0: i32, %arg1: i32, %arg2: memref<10000x128xf32, #tpu.memory_space<hbm>>, %arg3: memref<2x4000x80xi32, #tpu.memory_space<hbm>>, %arg4: memref<2x10240x128xf32, #tpu.memory_space<hbm>>, %arg5: memref<10240x128xf32, #tpu.memory_space<vmem_shared>>, %arg6: memref<25x80xi32, #tpu.memory_space<vmem>>, %arg7: memref<25x80xi32, #tpu.memory_space<vmem>>, %arg8: memref<3x80x128xf32, #tpu.memory_space<vmem>>, %arg9: memref<32x128xf32, #tpu.memory_space<vmem>>, %arg10: memref<!tpu.dma_semaphore, #tpu.memory_space<semaphore_mem>>, %arg11: memref<!tpu.dma_semaphore, #tpu.memory_space<semaphore_mem>>) attributes {dimension_semantics = [#tpu.dimension_semantics<core_parallel>, #tpu.dimension_semantics<subcore_parallel>], iteration_bounds = array<i64: 2, 16>, scalar_prefetch = 0 : i64, scratch_operands = 7 : i64, tpu.core_type = #tpu.core_type<sc_vector_subcore>, window_params = [{transform_indices = #map}, {transform_indices = #map1}, {transform_indices = #map1}]} {
    %broadcast_in_dim3A = arith.constant 0.000000e+00 : f32
    %broadcast_in_dim3A_0 = vector.broadcast %broadcast_in_dim3A : f32 to vector<16xf32>
    %scan3A = arith.constant 0 : i32
    %scan3A_1 = arith.constant 0 : i32
    %scan3A_2 = arith.constant 32 : i32
    %scan3A_3 = arith.addi %scan3A_1, %scan3A_2 : i32
    %scan3A_4 = arith.constant 1 : i32
    scf.for %scan3A_338 = %scan3A_1 to %scan3A_3 step %scan3A_4  : i32 {
      %scan3A_339 = arith.constant 0 : i32
      %scan3A_340 = arith.constant 8 : i32
      %scan3A_341 = arith.addi %scan3A_339, %scan3A_340 : i32
      %scan3A_342 = arith.constant 1 : i32
      scf.for %scan3A_344 = %scan3A_339 to %scan3A_341 step %scan3A_342  : i32 {
        %mul3A_345 = arith.constant 16 : i32
        %mul3A_346 = arith.muli %scan3A_344, %mul3A_345 : i32
        %swap3A = arith.index_cast %scan3A_338 : i32 to index
        %swap3A_347 = arith.index_cast %mul3A_346 : i32 to index
        %swap3A_348 = tpu.vector_load %arg9[%swap3A, %swap3A_347] {strides = array<i32>} : memref<32x128xf32, #tpu.memory_space<vmem>>, vector<1x16xf32>,
        %swap3A_349 = vector.shape_cast %swap3A_348 : vector<1x16xf32> to vector<16xf32>
        %swap3A_350 = vector.shape_cast %broadcast_in_dim3A_0 : vector<16xf32> to vector<1x16xf32>
        tpu.vector_store %arg9[%swap3A, %swap3A_347], %swap3A_350 {strides = array<i32>} : memref<32x128xf32, #tpu.memory_space<vmem>>, vector<1x16xf32>,
      }
      %scan3A_343 = arith.constant 8 : i32
    }
    %scan3A_5 = arith.constant 32 : i32
    %mul3A = arith.constant 640 : i32
    %mul3A_6 = arith.muli %arg1, %mul3A : i32
    %add3A = arith.constant 0 : i32
    %add3A_7 = arith.addi %mul3A_6, %add3A : i32
    %dma_start3A = arith.constant 0 : i32
    %dma_start3A_8 = tpu.memref_slice %arg5[%add3A_7, %dma_start3A] : memref<10240x128xf32, #tpu.memory_space<vmem_shared>> -> memref<32x128xf32, #tpu.memory_space<vmem_shared>>
    %dma_start3A_9 = arith.constant 0 : i32
    %dma_start3A_10 = tpu.memref_slice %arg5[%add3A_7, %dma_start3A_9] : memref<10240x128xf32, #tpu.memory_space<vmem_shared>> -> memref<32x128xf32, #tpu.memory_space<vmem_shared>>
    tpu.enqueue_dma source(%arg9 : memref<32x128xf32, #tpu.memory_space<vmem>>) target(%dma_start3A_10 : memref<32x128xf32, #tpu.memory_space<vmem_shared>>) target_semaphore(%arg11 : memref<!tpu.dma_semaphore, #tpu.memory_space<semaphore_mem>>)
    %mul3A_11 = arith.constant 640 : i32
    %mul3A_12 = arith.muli %arg1, %mul3A_11 : i32
    %add3A_13 = arith.constant 32 : i32
    %add3A_14 = arith.addi %mul3A_12, %add3A_13 : i32
    %dma_start3A_15 = arith.constant 0 : i32
    %dma_start3A_16 = tpu.memref_slice %arg5[%add3A_14, %dma_start3A_15] : memref<10240x128xf32, #tpu.memory_space<vmem_shared>> -> memref<32x128xf32, #tpu.memory_space<vmem_shared>>
    %dma_start3A_17 = arith.constant 0 : i32
    %dma_start3A_18 = tpu.memref_slice %arg5[%add3A_14, %dma_start3A_17] : memref<10240x128xf32, #tpu.memory_space<vmem_shared>> -> memref<32x128xf32, #tpu.memory_space<vmem_shared>>
    tpu.enqueue_dma source(%arg9 : memref<32x128xf32, #tpu.memory_space<vmem>>) target(%dma_start3A_18 : memref<32x128xf32, #tpu.memory_space<vmem_shared>>) target_semaphore(%arg11 : memref<!tpu.dma_semaphore, #tpu.memory_space<semaphore_mem>>)
    %mul3A_19 = arith.constant 640 : i32
    %mul3A_20 = arith.muli %arg1, %mul3A_19 : i32
    %add3A_21 = arith.constant 64 : i32
    %add3A_22 = arith.addi %mul3A_20, %add3A_21 : i32
    %dma_start3A_23 = arith.constant 0 : i32
    %dma_start3A_24 = tpu.memref_slice %arg5[%add3A_22, %dma_start3A_23] : memref<10240x128xf32, #tpu.memory_space<vmem_shared>> -> memref<32x128xf32, #tpu.memory_space<vmem_shared>>
    %dma_start3A_25 = arith.constant 0 : i32
    %dma_start3A_26 = tpu.memref_slice %arg5[%add3A_22, %dma_start3A_25] : memref<10240x128xf32, #tpu.memory_space<vmem_shared>> -> memref<32x128xf32, #tpu.memory_space<vmem_shared>>
    tpu.enqueue_dma source(%arg9 : memref<32x128xf32, #tpu.memory_space<vmem>>) target(%dma_start3A_26 : memref<32x128xf32, #tpu.memory_space<vmem_shared>>) target_semaphore(%arg11 : memref<!tpu.dma_semaphore, #tpu.memory_space<semaphore_mem>>)
    %mul3A_27 = arith.constant 640 : i32
    %mul3A_28 = arith.muli %arg1, %mul3A_27 : i32
    %add3A_29 = arith.constant 96 : i32
    %add3A_30 = arith.addi %mul3A_28, %add3A_29 : i32
    %dma_start3A_31 = arith.constant 0 : i32
    %dma_start3A_32 = tpu.memref_slice %arg5[%add3A_30, %dma_start3A_31] : memref<10240x128xf32, #tpu.memory_space<vmem_shared>> -> memref<32x128xf32, #tpu.memory_space<vmem_shared>>
    %dma_start3A_33 = arith.constant 0 : i32
    %dma_start3A_34 = tpu.memref_slice %arg5[%add3A_30, %dma_start3A_33] : memref<10240x128xf32, #tpu.memory_space<vmem_shared>> -> memref<32x128xf32, #tpu.memory_space<vmem_shared>>
    tpu.enqueue_dma source(%arg9 : memref<32x128xf32, #tpu.memory_space<vmem>>) target(%dma_start3A_34 : memref<32x128xf32, #tpu.memory_space<vmem_shared>>) target_semaphore(%arg11 : memref<!tpu.dma_semaphore, #tpu.memory_space<semaphore_mem>>)
    %mul3A_35 = arith.constant 640 : i32
    %mul3A_36 = arith.muli %arg1, %mul3A_35 : i32
    %add3A_37 = arith.constant 128 : i32
    %add3A_38 = arith.addi %mul3A_36, %add3A_37 : i32
    %dma_start3A_39 = arith.constant 0 : i32
    %dma_start3A_40 = tpu.memref_slice %arg5[%add3A_38, %dma_start3A_39] : memref<10240x128xf32, #tpu.memory_space<vmem_shared>> -> memref<32x128xf32, #tpu.memory_space<vmem_shared>>
    %dma_start3A_41 = arith.constant 0 : i32
    %dma_start3A_42 = tpu.memref_slice %arg5[%add3A_38, %dma_start3A_41] : memref<10240x128xf32, #tpu.memory_space<vmem_shared>> -> memref<32x128xf32, #tpu.memory_space<vmem_shared>>
    tpu.enqueue_dma source(%arg9 : memref<32x128xf32, #tpu.memory_space<vmem>>) target(%dma_start3A_42 : memref<32x128xf32, #tpu.memory_space<vmem_shared>>) target_semaphore(%arg11 : memref<!tpu.dma_semaphore, #tpu.memory_space<semaphore_mem>>)
    %mul3A_43 = arith.constant 640 : i32
    %mul3A_44 = arith.muli %arg1, %mul3A_43 : i32
    %add3A_45 = arith.constant 160 : i32
    %add3A_46 = arith.addi %mul3A_44, %add3A_45 : i32
    %dma_start3A_47 = arith.constant 0 : i32
    %dma_start3A_48 = tpu.memref_slice %arg5[%add3A_46, %dma_start3A_47] : memref<10240x128xf32, #tpu.memory_space<vmem_shared>> -> memref<32x128xf32, #tpu.memory_space<vmem_shared>>
    %dma_start3A_49 = arith.constant 0 : i32
    %dma_start3A_50 = tpu.memref_slice %arg5[%add3A_46, %dma_start3A_49] : memref<10240x128xf32, #tpu.memory_space<vmem_shared>> -> memref<32x128xf32, #tpu.memory_space<vmem_shared>>
    tpu.enqueue_dma source(%arg9 : memref<32x128xf32, #tpu.memory_space<vmem>>) target(%dma_start3A_50 : memref<32x128xf32, #tpu.memory_space<vmem_shared>>) target_semaphore(%arg11 : memref<!tpu.dma_semaphore, #tpu.memory_space<semaphore_mem>>)
    %mul3A_51 = arith.constant 640 : i32
    %mul3A_52 = arith.muli %arg1, %mul3A_51 : i32
    %add3A_53 = arith.constant 192 : i32
    %add3A_54 = arith.addi %mul3A_52, %add3A_53 : i32
    %dma_start3A_55 = arith.constant 0 : i32
    %dma_start3A_56 = tpu.memref_slice %arg5[%add3A_54, %dma_start3A_55] : memref<10240x128xf32, #tpu.memory_space<vmem_shared>> -> memref<32x128xf32, #tpu.memory_space<vmem_shared>>
    %dma_start3A_57 = arith.constant 0 : i32
    %dma_start3A_58 = tpu.memref_slice %arg5[%add3A_54, %dma_start3A_57] : memref<10240x128xf32, #tpu.memory_space<vmem_shared>> -> memref<32x128xf32, #tpu.memory_space<vmem_shared>>
    tpu.enqueue_dma source(%arg9 : memref<32x128xf32, #tpu.memory_space<vmem>>) target(%dma_start3A_58 : memref<32x128xf32, #tpu.memory_space<vmem_shared>>) target_semaphore(%arg11 : memref<!tpu.dma_semaphore, #tpu.memory_space<semaphore_mem>>)
    %mul3A_59 = arith.constant 640 : i32
    %mul3A_60 = arith.muli %arg1, %mul3A_59 : i32
    %add3A_61 = arith.constant 224 : i32
    %add3A_62 = arith.addi %mul3A_60, %add3A_61 : i32
    %dma_start3A_63 = arith.constant 0 : i32
    %dma_start3A_64 = tpu.memref_slice %arg5[%add3A_62, %dma_start3A_63] : memref<10240x128xf32, #tpu.memory_space<vmem_shared>> -> memref<32x128xf32, #tpu.memory_space<vmem_shared>>
    %dma_start3A_65 = arith.constant 0 : i32
    %dma_start3A_66 = tpu.memref_slice %arg5[%add3A_62, %dma_start3A_65] : memref<10240x128xf32, #tpu.memory_space<vmem_shared>> -> memref<32x128xf32, #tpu.memory_space<vmem_shared>>
    tpu.enqueue_dma source(%arg9 : memref<32x128xf32, #tpu.memory_space<vmem>>) target(%dma_start3A_66 : memref<32x128xf32, #tpu.memory_space<vmem_shared>>) target_semaphore(%arg11 : memref<!tpu.dma_semaphore, #tpu.memory_space<semaphore_mem>>)
    %mul3A_67 = arith.constant 640 : i32
    %mul3A_68 = arith.muli %arg1, %mul3A_67 : i32
    %add3A_69 = arith.constant 256 : i32
    %add3A_70 = arith.addi %mul3A_68, %add3A_69 : i32
    %dma_start3A_71 = arith.constant 0 : i32
    %dma_start3A_72 = tpu.memref_slice %arg5[%add3A_70, %dma_start3A_71] : memref<10240x128xf32, #tpu.memory_space<vmem_shared>> -> memref<32x128xf32, #tpu.memory_space<vmem_shared>>
    %dma_start3A_73 = arith.constant 0 : i32
    %dma_start3A_74 = tpu.memref_slice %arg5[%add3A_70, %dma_start3A_73] : memref<10240x128xf32, #tpu.memory_space<vmem_shared>> -> memref<32x128xf32, #tpu.memory_space<vmem_shared>>
    tpu.enqueue_dma source(%arg9 : memref<32x128xf32, #tpu.memory_space<vmem>>) target(%dma_start3A_74 : memref<32x128xf32, #tpu.memory_space<vmem_shared>>) target_semaphore(%arg11 : memref<!tpu.dma_semaphore, #tpu.memory_space<semaphore_mem>>)
    %mul3A_75 = arith.constant 640 : i32
    %mul3A_76 = arith.muli %arg1, %mul3A_75 : i32
    %add3A_77 = arith.constant 288 : i32
    %add3A_78 = arith.addi %mul3A_76, %add3A_77 : i32
    %dma_start3A_79 = arith.constant 0 : i32
    %dma_start3A_80 = tpu.memref_slice %arg5[%add3A_78, %dma_start3A_79] : memref<10240x128xf32, #tpu.memory_space<vmem_shared>> -> memref<32x128xf32, #tpu.memory_space<vmem_shared>>
    %dma_start3A_81 = arith.constant 0 : i32
    %dma_start3A_82 = tpu.memref_slice %arg5[%add3A_78, %dma_start3A_81] : memref<10240x128xf32, #tpu.memory_space<vmem_shared>> -> memref<32x128xf32, #tpu.memory_space<vmem_shared>>
    tpu.enqueue_dma source(%arg9 : memref<32x128xf32, #tpu.memory_space<vmem>>) target(%dma_start3A_82 : memref<32x128xf32, #tpu.memory_space<vmem_shared>>) target_semaphore(%arg11 : memref<!tpu.dma_semaphore, #tpu.memory_space<semaphore_mem>>)
    %mul3A_83 = arith.constant 640 : i32
    %mul3A_84 = arith.muli %arg1, %mul3A_83 : i32
    %add3A_85 = arith.constant 320 : i32
    %add3A_86 = arith.addi %mul3A_84, %add3A_85 : i32
    %dma_start3A_87 = arith.constant 0 : i32
    %dma_start3A_88 = tpu.memref_slice %arg5[%add3A_86, %dma_start3A_87] : memref<10240x128xf32, #tpu.memory_space<vmem_shared>> -> memref<32x128xf32, #tpu.memory_space<vmem_shared>>
    %dma_start3A_89 = arith.constant 0 : i32
    %dma_start3A_90 = tpu.memref_slice %arg5[%add3A_86, %dma_start3A_89] : memref<10240x128xf32, #tpu.memory_space<vmem_shared>> -> memref<32x128xf32, #tpu.memory_space<vmem_shared>>
    tpu.enqueue_dma source(%arg9 : memref<32x128xf32, #tpu.memory_space<vmem>>) target(%dma_start3A_90 : memref<32x128xf32, #tpu.memory_space<vmem_shared>>) target_semaphore(%arg11 : memref<!tpu.dma_semaphore, #tpu.memory_space<semaphore_mem>>)
    %mul3A_91 = arith.constant 640 : i32
    %mul3A_92 = arith.muli %arg1, %mul3A_91 : i32
    %add3A_93 = arith.constant 352 : i32
    %add3A_94 = arith.addi %mul3A_92, %add3A_93 : i32
    %dma_start3A_95 = arith.constant 0 : i32
    %dma_start3A_96 = tpu.memref_slice %arg5[%add3A_94, %dma_start3A_95] : memref<10240x128xf32, #tpu.memory_space<vmem_shared>> -> memref<32x128xf32, #tpu.memory_space<vmem_shared>>
    %dma_start3A_97 = arith.constant 0 : i32
    %dma_start3A_98 = tpu.memref_slice %arg5[%add3A_94, %dma_start3A_97] : memref<10240x128xf32, #tpu.memory_space<vmem_shared>> -> memref<32x128xf32, #tpu.memory_space<vmem_shared>>
    tpu.enqueue_dma source(%arg9 : memref<32x128xf32, #tpu.memory_space<vmem>>) target(%dma_start3A_98 : memref<32x128xf32, #tpu.memory_space<vmem_shared>>) target_semaphore(%arg11 : memref<!tpu.dma_semaphore, #tpu.memory_space<semaphore_mem>>)
    %mul3A_99 = arith.constant 640 : i32
    %mul3A_100 = arith.muli %arg1, %mul3A_99 : i32
    %add3A_101 = arith.constant 384 : i32
    %add3A_102 = arith.addi %mul3A_100, %add3A_101 : i32
    %dma_start3A_103 = arith.constant 0 : i32
    %dma_start3A_104 = tpu.memref_slice %arg5[%add3A_102, %dma_start3A_103] : memref<10240x128xf32, #tpu.memory_space<vmem_shared>> -> memref<32x128xf32, #tpu.memory_space<vmem_shared>>
    %dma_start3A_105 = arith.constant 0 : i32
    %dma_start3A_106 = tpu.memref_slice %arg5[%add3A_102, %dma_start3A_105] : memref<10240x128xf32, #tpu.memory_space<vmem_shared>> -> memref<32x128xf32, #tpu.memory_space<vmem_shared>>
    tpu.enqueue_dma source(%arg9 : memref<32x128xf32, #tpu.memory_space<vmem>>) target(%dma_start3A_106 : memref<32x128xf32, #tpu.memory_space<vmem_shared>>) target_semaphore(%arg11 : memref<!tpu.dma_semaphore, #tpu.memory_space<semaphore_mem>>)
    %mul3A_107 = arith.constant 640 : i32
    %mul3A_108 = arith.muli %arg1, %mul3A_107 : i32
    %add3A_109 = arith.constant 416 : i32
    %add3A_110 = arith.addi %mul3A_108, %add3A_109 : i32
    %dma_start3A_111 = arith.constant 0 : i32
    %dma_start3A_112 = tpu.memref_slice %arg5[%add3A_110, %dma_start3A_111] : memref<10240x128xf32, #tpu.memory_space<vmem_shared>> -> memref<32x128xf32, #tpu.memory_space<vmem_shared>>
    %dma_start3A_113 = arith.constant 0 : i32
    %dma_start3A_114 = tpu.memref_slice %arg5[%add3A_110, %dma_start3A_113] : memref<10240x128xf32, #tpu.memory_space<vmem_shared>> -> memref<32x128xf32, #tpu.memory_space<vmem_shared>>
    tpu.enqueue_dma source(%arg9 : memref<32x128xf32, #tpu.memory_space<vmem>>) target(%dma_start3A_114 : memref<32x128xf32, #tpu.memory_space<vmem_shared>>) target_semaphore(%arg11 : memref<!tpu.dma_semaphore, #tpu.memory_space<semaphore_mem>>)
    %mul3A_115 = arith.constant 640 : i32
    %mul3A_116 = arith.muli %arg1, %mul3A_115 : i32
    %add3A_117 = arith.constant 448 : i32
    %add3A_118 = arith.addi %mul3A_116, %add3A_117 : i32
    %dma_start3A_119 = arith.constant 0 : i32
    %dma_start3A_120 = tpu.memref_slice %arg5[%add3A_118, %dma_start3A_119] : memref<10240x128xf32, #tpu.memory_space<vmem_shared>> -> memref<32x128xf32, #tpu.memory_space<vmem_shared>>
    %dma_start3A_121 = arith.constant 0 : i32
    %dma_start3A_122 = tpu.memref_slice %arg5[%add3A_118, %dma_start3A_121] : memref<10240x128xf32, #tpu.memory_space<vmem_shared>> -> memref<32x128xf32, #tpu.memory_space<vmem_shared>>
    tpu.enqueue_dma source(%arg9 : memref<32x128xf32, #tpu.memory_space<vmem>>) target(%dma_start3A_122 : memref<32x128xf32, #tpu.memory_space<vmem_shared>>) target_semaphore(%arg11 : memref<!tpu.dma_semaphore, #tpu.memory_space<semaphore_mem>>)
    %mul3A_123 = arith.constant 640 : i32
    %mul3A_124 = arith.muli %arg1, %mul3A_123 : i32
    %add3A_125 = arith.constant 480 : i32
    %add3A_126 = arith.addi %mul3A_124, %add3A_125 : i32
    %dma_start3A_127 = arith.constant 0 : i32
    %dma_start3A_128 = tpu.memref_slice %arg5[%add3A_126, %dma_start3A_127] : memref<10240x128xf32, #tpu.memory_space<vmem_shared>> -> memref<32x128xf32, #tpu.memory_space<vmem_shared>>
    %dma_start3A_129 = arith.constant 0 : i32
    %dma_start3A_130 = tpu.memref_slice %arg5[%add3A_126, %dma_start3A_129] : memref<10240x128xf32, #tpu.memory_space<vmem_shared>> -> memref<32x128xf32, #tpu.memory_space<vmem_shared>>
    tpu.enqueue_dma source(%arg9 : memref<32x128xf32, #tpu.memory_space<vmem>>) target(%dma_start3A_130 : memref<32x128xf32, #tpu.memory_space<vmem_shared>>) target_semaphore(%arg11 : memref<!tpu.dma_semaphore, #tpu.memory_space<semaphore_mem>>)
    %mul3A_131 = arith.constant 640 : i32
    %mul3A_132 = arith.muli %arg1, %mul3A_131 : i32
    %add3A_133 = arith.constant 512 : i32
    %add3A_134 = arith.addi %mul3A_132, %add3A_133 : i32
    %dma_start3A_135 = arith.constant 0 : i32
    %dma_start3A_136 = tpu.memref_slice %arg5[%add3A_134, %dma_start3A_135] : memref<10240x128xf32, #tpu.memory_space<vmem_shared>> -> memref<32x128xf32, #tpu.memory_space<vmem_shared>>
    %dma_start3A_137 = arith.constant 0 : i32
    %dma_start3A_138 = tpu.memref_slice %arg5[%add3A_134, %dma_start3A_137] : memref<10240x128xf32, #tpu.memory_space<vmem_shared>> -> memref<32x128xf32, #tpu.memory_space<vmem_shared>>
    tpu.enqueue_dma source(%arg9 : memref<32x128xf32, #tpu.memory_space<vmem>>) target(%dma_start3A_138 : memref<32x128xf32, #tpu.memory_space<vmem_shared>>) target_semaphore(%arg11 : memref<!tpu.dma_semaphore, #tpu.memory_space<semaphore_mem>>)
    %mul3A_139 = arith.constant 640 : i32
    %mul3A_140 = arith.muli %arg1, %mul3A_139 : i32
    %add3A_141 = arith.constant 544 : i32
    %add3A_142 = arith.addi %mul3A_140, %add3A_141 : i32
    %dma_start3A_143 = arith.constant 0 : i32
    %dma_start3A_144 = tpu.memref_slice %arg5[%add3A_142, %dma_start3A_143] : memref<10240x128xf32, #tpu.memory_space<vmem_shared>> -> memref<32x128xf32, #tpu.memory_space<vmem_shared>>
    %dma_start3A_145 = arith.constant 0 : i32
    %dma_start3A_146 = tpu.memref_slice %arg5[%add3A_142, %dma_start3A_145] : memref<10240x128xf32, #tpu.memory_space<vmem_shared>> -> memref<32x128xf32, #tpu.memory_space<vmem_shared>>
    tpu.enqueue_dma source(%arg9 : memref<32x128xf32, #tpu.memory_space<vmem>>) target(%dma_start3A_146 : memref<32x128xf32, #tpu.memory_space<vmem_shared>>) target_semaphore(%arg11 : memref<!tpu.dma_semaphore, #tpu.memory_space<semaphore_mem>>)
    %mul3A_147 = arith.constant 640 : i32
    %mul3A_148 = arith.muli %arg1, %mul3A_147 : i32
    %add3A_149 = arith.constant 576 : i32
    %add3A_150 = arith.addi %mul3A_148, %add3A_149 : i32
    %dma_start3A_151 = arith.constant 0 : i32
    %dma_start3A_152 = tpu.memref_slice %arg5[%add3A_150, %dma_start3A_151] : memref<10240x128xf32, #tpu.memory_space<vmem_shared>> -> memref<32x128xf32, #tpu.memory_space<vmem_shared>>
    %dma_start3A_153 = arith.constant 0 : i32
    %dma_start3A_154 = tpu.memref_slice %arg5[%add3A_150, %dma_start3A_153] : memref<10240x128xf32, #tpu.memory_space<vmem_shared>> -> memref<32x128xf32, #tpu.memory_space<vmem_shared>>
    tpu.enqueue_dma source(%arg9 : memref<32x128xf32, #tpu.memory_space<vmem>>) target(%dma_start3A_154 : memref<32x128xf32, #tpu.memory_space<vmem_shared>>) target_semaphore(%arg11 : memref<!tpu.dma_semaphore, #tpu.memory_space<semaphore_mem>>)
    %mul3A_155 = arith.constant 640 : i32
    %mul3A_156 = arith.muli %arg1, %mul3A_155 : i32
    %add3A_157 = arith.constant 608 : i32
    %add3A_158 = arith.addi %mul3A_156, %add3A_157 : i32
    %dma_start3A_159 = arith.constant 0 : i32
    %dma_start3A_160 = tpu.memref_slice %arg5[%add3A_158, %dma_start3A_159] : memref<10240x128xf32, #tpu.memory_space<vmem_shared>> -> memref<32x128xf32, #tpu.memory_space<vmem_shared>>
    %dma_start3A_161 = arith.constant 0 : i32
    %dma_start3A_162 = tpu.memref_slice %arg5[%add3A_158, %dma_start3A_161] : memref<10240x128xf32, #tpu.memory_space<vmem_shared>> -> memref<32x128xf32, #tpu.memory_space<vmem_shared>>
    tpu.enqueue_dma source(%arg9 : memref<32x128xf32, #tpu.memory_space<vmem>>) target(%dma_start3A_162 : memref<32x128xf32, #tpu.memory_space<vmem_shared>>) target_semaphore(%arg11 : memref<!tpu.dma_semaphore, #tpu.memory_space<semaphore_mem>>)
    %mul3A_163 = arith.constant 640 : i32
    %mul3A_164 = arith.muli %arg1, %mul3A_163 : i32
    %add3A_165 = arith.constant 0 : i32
    %add3A_166 = arith.addi %mul3A_164, %add3A_165 : i32
    %dma_wait3A = arith.constant 0 : i32
    %dma_wait3A_167 = tpu.memref_slice %arg5[%add3A_166, %dma_wait3A] : memref<10240x128xf32, #tpu.memory_space<vmem_shared>> -> memref<32x128xf32, #tpu.memory_space<vmem_shared>>
    %dma_wait3A_168 = arith.constant 0 : i32
    %dma_wait3A_169 = tpu.memref_slice %arg5[%add3A_166, %dma_wait3A_168] : memref<10240x128xf32, #tpu.memory_space<vmem_shared>> -> memref<32x128xf32, #tpu.memory_space<vmem_shared>>
    tpu.wait_dma2 semaphore(%arg11 : memref<!tpu.dma_semaphore, #tpu.memory_space<semaphore_mem>>) src(%arg9 : memref<32x128xf32, #tpu.memory_space<vmem>>) dst(%dma_wait3A_169 : memref<32x128xf32, #tpu.memory_space<vmem_shared>>)
    %mul3A_170 = arith.constant 640 : i32
    %mul3A_171 = arith.muli %arg1, %mul3A_170 : i32
    %add3A_172 = arith.constant 32 : i32
    %add3A_173 = arith.addi %mul3A_171, %add3A_172 : i32
    %dma_wait3A_174 = arith.constant 0 : i32
    %dma_wait3A_175 = tpu.memref_slice %arg5[%add3A_173, %dma_wait3A_174] : memref<10240x128xf32, #tpu.memory_space<vmem_shared>> -> memref<32x128xf32, #tpu.memory_space<vmem_shared>>
    %dma_wait3A_176 = arith.constant 0 : i32
    %dma_wait3A_177 = tpu.memref_slice %arg5[%add3A_173, %dma_wait3A_176] : memref<10240x128xf32, #tpu.memory_space<vmem_shared>> -> memref<32x128xf32, #tpu.memory_space<vmem_shared>>
    tpu.wait_dma2 semaphore(%arg11 : memref<!tpu.dma_semaphore, #tpu.memory_space<semaphore_mem>>) src(%arg9 : memref<32x128xf32, #tpu.memory_space<vmem>>) dst(%dma_wait3A_177 : memref<32x128xf32, #tpu.memory_space<vmem_shared>>)
    %mul3A_178 = arith.constant 640 : i32
    %mul3A_179 = arith.muli %arg1, %mul3A_178 : i32
    %add3A_180 = arith.constant 64 : i32
    %add3A_181 = arith.addi %mul3A_179, %add3A_180 : i32
    %dma_wait3A_182 = arith.constant 0 : i32
    %dma_wait3A_183 = tpu.memref_slice %arg5[%add3A_181, %dma_wait3A_182] : memref<10240x128xf32, #tpu.memory_space<vmem_shared>> -> memref<32x128xf32, #tpu.memory_space<vmem_shared>>
    %dma_wait3A_184 = arith.constant 0 : i32
    %dma_wait3A_185 = tpu.memref_slice %arg5[%add3A_181, %dma_wait3A_184] : memref<10240x128xf32, #tpu.memory_space<vmem_shared>> -> memref<32x128xf32, #tpu.memory_space<vmem_shared>>
    tpu.wait_dma2 semaphore(%arg11 : memref<!tpu.dma_semaphore, #tpu.memory_space<semaphore_mem>>) src(%arg9 : memref<32x128xf32, #tpu.memory_space<vmem>>) dst(%dma_wait3A_185 : memref<32x128xf32, #tpu.memory_space<vmem_shared>>)
    %mul3A_186 = arith.constant 640 : i32
    %mul3A_187 = arith.muli %arg1, %mul3A_186 : i32
    %add3A_188 = arith.constant 96 : i32
    %add3A_189 = arith.addi %mul3A_187, %add3A_188 : i32
    %dma_wait3A_190 = arith.constant 0 : i32
    %dma_wait3A_191 = tpu.memref_slice %arg5[%add3A_189, %dma_wait3A_190] : memref<10240x128xf32, #tpu.memory_space<vmem_shared>> -> memref<32x128xf32, #tpu.memory_space<vmem_shared>>
    %dma_wait3A_192 = arith.constant 0 : i32
    %dma_wait3A_193 = tpu.memref_slice %arg5[%add3A_189, %dma_wait3A_192] : memref<10240x128xf32, #tpu.memory_space<vmem_shared>> -> memref<32x128xf32, #tpu.memory_space<vmem_shared>>
    tpu.wait_dma2 semaphore(%arg11 : memref<!tpu.dma_semaphore, #tpu.memory_space<semaphore_mem>>) src(%arg9 : memref<32x128xf32, #tpu.memory_space<vmem>>) dst(%dma_wait3A_193 : memref<32x128xf32, #tpu.memory_space<vmem_shared>>)
    %mul3A_194 = arith.constant 640 : i32
    %mul3A_195 = arith.muli %arg1, %mul3A_194 : i32
    %add3A_196 = arith.constant 128 : i32
    %add3A_197 = arith.addi %mul3A_195, %add3A_196 : i32
    %dma_wait3A_198 = arith.constant 0 : i32
    %dma_wait3A_199 = tpu.memref_slice %arg5[%add3A_197, %dma_wait3A_198] : memref<10240x128xf32, #tpu.memory_space<vmem_shared>> -> memref<32x128xf32, #tpu.memory_space<vmem_shared>>
    %dma_wait3A_200 = arith.constant 0 : i32
    %dma_wait3A_201 = tpu.memref_slice %arg5[%add3A_197, %dma_wait3A_200] : memref<10240x128xf32, #tpu.memory_space<vmem_shared>> -> memref<32x128xf32, #tpu.memory_space<vmem_shared>>
    tpu.wait_dma2 semaphore(%arg11 : memref<!tpu.dma_semaphore, #tpu.memory_space<semaphore_mem>>) src(%arg9 : memref<32x128xf32, #tpu.memory_space<vmem>>) dst(%dma_wait3A_201 : memref<32x128xf32, #tpu.memory_space<vmem_shared>>)
    %mul3A_202 = arith.constant 640 : i32
    %mul3A_203 = arith.muli %arg1, %mul3A_202 : i32
    %add3A_204 = arith.constant 160 : i32
    %add3A_205 = arith.addi %mul3A_203, %add3A_204 : i32
    %dma_wait3A_206 = arith.constant 0 : i32
    %dma_wait3A_207 = tpu.memref_slice %arg5[%add3A_205, %dma_wait3A_206] : memref<10240x128xf32, #tpu.memory_space<vmem_shared>> -> memref<32x128xf32, #tpu.memory_space<vmem_shared>>
    %dma_wait3A_208 = arith.constant 0 : i32
    %dma_wait3A_209 = tpu.memref_slice %arg5[%add3A_205, %dma_wait3A_208] : memref<10240x128xf32, #tpu.memory_space<vmem_shared>> -> memref<32x128xf32, #tpu.memory_space<vmem_shared>>
    tpu.wait_dma2 semaphore(%arg11 : memref<!tpu.dma_semaphore, #tpu.memory_space<semaphore_mem>>) src(%arg9 : memref<32x128xf32, #tpu.memory_space<vmem>>) dst(%dma_wait3A_209 : memref<32x128xf32, #tpu.memory_space<vmem_shared>>)
    %mul3A_210 = arith.constant 640 : i32
    %mul3A_211 = arith.muli %arg1, %mul3A_210 : i32
    %add3A_212 = arith.constant 192 : i32
    %add3A_213 = arith.addi %mul3A_211, %add3A_212 : i32
    %dma_wait3A_214 = arith.constant 0 : i32
    %dma_wait3A_215 = tpu.memref_slice %arg5[%add3A_213, %dma_wait3A_214] : memref<10240x128xf32, #tpu.memory_space<vmem_shared>> -> memref<32x128xf32, #tpu.memory_space<vmem_shared>>
    %dma_wait3A_216 = arith.constant 0 : i32
    %dma_wait3A_217 = tpu.memref_slice %arg5[%add3A_213, %dma_wait3A_216] : memref<10240x128xf32, #tpu.memory_space<vmem_shared>> -> memref<32x128xf32, #tpu.memory_space<vmem_shared>>
    tpu.wait_dma2 semaphore(%arg11 : memref<!tpu.dma_semaphore, #tpu.memory_space<semaphore_mem>>) src(%arg9 : memref<32x128xf32, #tpu.memory_space<vmem>>) dst(%dma_wait3A_217 : memref<32x128xf32, #tpu.memory_space<vmem_shared>>)
    %mul3A_218 = arith.constant 640 : i32
    %mul3A_219 = arith.muli %arg1, %mul3A_218 : i32
    %add3A_220 = arith.constant 224 : i32
    %add3A_221 = arith.addi %mul3A_219, %add3A_220 : i32
    %dma_wait3A_222 = arith.constant 0 : i32
    %dma_wait3A_223 = tpu.memref_slice %arg5[%add3A_221, %dma_wait3A_222] : memref<10240x128xf32, #tpu.memory_space<vmem_shared>> -> memref<32x128xf32, #tpu.memory_space<vmem_shared>>
    %dma_wait3A_224 = arith.constant 0 : i32
    %dma_wait3A_225 = tpu.memref_slice %arg5[%add3A_221, %dma_wait3A_224] : memref<10240x128xf32, #tpu.memory_space<vmem_shared>> -> memref<32x128xf32, #tpu.memory_space<vmem_shared>>
    tpu.wait_dma2 semaphore(%arg11 : memref<!tpu.dma_semaphore, #tpu.memory_space<semaphore_mem>>) src(%arg9 : memref<32x128xf32, #tpu.memory_space<vmem>>) dst(%dma_wait3A_225 : memref<32x128xf32, #tpu.memory_space<vmem_shared>>)
    %mul3A_226 = arith.constant 640 : i32
    %mul3A_227 = arith.muli %arg1, %mul3A_226 : i32
    %add3A_228 = arith.constant 256 : i32
    %add3A_229 = arith.addi %mul3A_227, %add3A_228 : i32
    %dma_wait3A_230 = arith.constant 0 : i32
    %dma_wait3A_231 = tpu.memref_slice %arg5[%add3A_229, %dma_wait3A_230] : memref<10240x128xf32, #tpu.memory_space<vmem_shared>> -> memref<32x128xf32, #tpu.memory_space<vmem_shared>>
    %dma_wait3A_232 = arith.constant 0 : i32
    %dma_wait3A_233 = tpu.memref_slice %arg5[%add3A_229, %dma_wait3A_232] : memref<10240x128xf32, #tpu.memory_space<vmem_shared>> -> memref<32x128xf32, #tpu.memory_space<vmem_shared>>
    tpu.wait_dma2 semaphore(%arg11 : memref<!tpu.dma_semaphore, #tpu.memory_space<semaphore_mem>>) src(%arg9 : memref<32x128xf32, #tpu.memory_space<vmem>>) dst(%dma_wait3A_233 : memref<32x128xf32, #tpu.memory_space<vmem_shared>>)
    %mul3A_234 = arith.constant 640 : i32
    %mul3A_235 = arith.muli %arg1, %mul3A_234 : i32
    %add3A_236 = arith.constant 288 : i32
    %add3A_237 = arith.addi %mul3A_235, %add3A_236 : i32
    %dma_wait3A_238 = arith.constant 0 : i32
    %dma_wait3A_239 = tpu.memref_slice %arg5[%add3A_237, %dma_wait3A_238] : memref<10240x128xf32, #tpu.memory_space<vmem_shared>> -> memref<32x128xf32, #tpu.memory_space<vmem_shared>>
    %dma_wait3A_240 = arith.constant 0 : i32
    %dma_wait3A_241 = tpu.memref_slice %arg5[%add3A_237, %dma_wait3A_240] : memref<10240x128xf32, #tpu.memory_space<vmem_shared>> -> memref<32x128xf32, #tpu.memory_space<vmem_shared>>
    tpu.wait_dma2 semaphore(%arg11 : memref<!tpu.dma_semaphore, #tpu.memory_space<semaphore_mem>>) src(%arg9 : memref<32x128xf32, #tpu.memory_space<vmem>>) dst(%dma_wait3A_241 : memref<32x128xf32, #tpu.memory_space<vmem_shared>>)
    %mul3A_242 = arith.constant 640 : i32
    %mul3A_243 = arith.muli %arg1, %mul3A_242 : i32
    %add3A_244 = arith.constant 320 : i32
    %add3A_245 = arith.addi %mul3A_243, %add3A_244 : i32
    %dma_wait3A_246 = arith.constant 0 : i32
    %dma_wait3A_247 = tpu.memref_slice %arg5[%add3A_245, %dma_wait3A_246] : memref<10240x128xf32, #tpu.memory_space<vmem_shared>> -> memref<32x128xf32, #tpu.memory_space<vmem_shared>>
    %dma_wait3A_248 = arith.constant 0 : i32
    %dma_wait3A_249 = tpu.memref_slice %arg5[%add3A_245, %dma_wait3A_248] : memref<10240x128xf32, #tpu.memory_space<vmem_shared>> -> memref<32x128xf32, #tpu.memory_space<vmem_shared>>
    tpu.wait_dma2 semaphore(%arg11 : memref<!tpu.dma_semaphore, #tpu.memory_space<semaphore_mem>>) src(%arg9 : memref<32x128xf32, #tpu.memory_space<vmem>>) dst(%dma_wait3A_249 : memref<32x128xf32, #tpu.memory_space<vmem_shared>>)
    %mul3A_250 = arith.constant 640 : i32
    %mul3A_251 = arith.muli %arg1, %mul3A_250 : i32
    %add3A_252 = arith.constant 352 : i32
    %add3A_253 = arith.addi %mul3A_251, %add3A_252 : i32
    %dma_wait3A_254 = arith.constant 0 : i32
    %dma_wait3A_255 = tpu.memref_slice %arg5[%add3A_253, %dma_wait3A_254] : memref<10240x128xf32, #tpu.memory_space<vmem_shared>> -> memref<32x128xf32, #tpu.memory_space<vmem_shared>>
    %dma_wait3A_256 = arith.constant 0 : i32
    %dma_wait3A_257 = tpu.memref_slice %arg5[%add3A_253, %dma_wait3A_256] : memref<10240x128xf32, #tpu.memory_space<vmem_shared>> -> memref<32x128xf32, #tpu.memory_space<vmem_shared>>
    tpu.wait_dma2 semaphore(%arg11 : memref<!tpu.dma_semaphore, #tpu.memory_space<semaphore_mem>>) src(%arg9 : memref<32x128xf32, #tpu.memory_space<vmem>>) dst(%dma_wait3A_257 : memref<32x128xf32, #tpu.memory_space<vmem_shared>>)
    %mul3A_258 = arith.constant 640 : i32
    %mul3A_259 = arith.muli %arg1, %mul3A_258 : i32
    %add3A_260 = arith.constant 384 : i32
    %add3A_261 = arith.addi %mul3A_259, %add3A_260 : i32
    %dma_wait3A_262 = arith.constant 0 : i32
    %dma_wait3A_263 = tpu.memref_slice %arg5[%add3A_261, %dma_wait3A_262] : memref<10240x128xf32, #tpu.memory_space<vmem_shared>> -> memref<32x128xf32, #tpu.memory_space<vmem_shared>>
    %dma_wait3A_264 = arith.constant 0 : i32
    %dma_wait3A_265 = tpu.memref_slice %arg5[%add3A_261, %dma_wait3A_264] : memref<10240x128xf32, #tpu.memory_space<vmem_shared>> -> memref<32x128xf32, #tpu.memory_space<vmem_shared>>
    tpu.wait_dma2 semaphore(%arg11 : memref<!tpu.dma_semaphore, #tpu.memory_space<semaphore_mem>>) src(%arg9 : memref<32x128xf32, #tpu.memory_space<vmem>>) dst(%dma_wait3A_265 : memref<32x128xf32, #tpu.memory_space<vmem_shared>>)
    %mul3A_266 = arith.constant 640 : i32
    %mul3A_267 = arith.muli %arg1, %mul3A_266 : i32
    %add3A_268 = arith.constant 416 : i32
    %add3A_269 = arith.addi %mul3A_267, %add3A_268 : i32
    %dma_wait3A_270 = arith.constant 0 : i32
    %dma_wait3A_271 = tpu.memref_slice %arg5[%add3A_269, %dma_wait3A_270] : memref<10240x128xf32, #tpu.memory_space<vmem_shared>> -> memref<32x128xf32, #tpu.memory_space<vmem_shared>>
    %dma_wait3A_272 = arith.constant 0 : i32
    %dma_wait3A_273 = tpu.memref_slice %arg5[%add3A_269, %dma_wait3A_272] : memref<10240x128xf32, #tpu.memory_space<vmem_shared>> -> memref<32x128xf32, #tpu.memory_space<vmem_shared>>
    tpu.wait_dma2 semaphore(%arg11 : memref<!tpu.dma_semaphore, #tpu.memory_space<semaphore_mem>>) src(%arg9 : memref<32x128xf32, #tpu.memory_space<vmem>>) dst(%dma_wait3A_273 : memref<32x128xf32, #tpu.memory_space<vmem_shared>>)
    %mul3A_274 = arith.constant 640 : i32
    %mul3A_275 = arith.muli %arg1, %mul3A_274 : i32
    %add3A_276 = arith.constant 448 : i32
    %add3A_277 = arith.addi %mul3A_275, %add3A_276 : i32
    %dma_wait3A_278 = arith.constant 0 : i32
    %dma_wait3A_279 = tpu.memref_slice %arg5[%add3A_277, %dma_wait3A_278] : memref<10240x128xf32, #tpu.memory_space<vmem_shared>> -> memref<32x128xf32, #tpu.memory_space<vmem_shared>>
    %dma_wait3A_280 = arith.constant 0 : i32
    %dma_wait3A_281 = tpu.memref_slice %arg5[%add3A_277, %dma_wait3A_280] : memref<10240x128xf32, #tpu.memory_space<vmem_shared>> -> memref<32x128xf32, #tpu.memory_space<vmem_shared>>
    tpu.wait_dma2 semaphore(%arg11 : memref<!tpu.dma_semaphore, #tpu.memory_space<semaphore_mem>>) src(%arg9 : memref<32x128xf32, #tpu.memory_space<vmem>>) dst(%dma_wait3A_281 : memref<32x128xf32, #tpu.memory_space<vmem_shared>>)
    %mul3A_282 = arith.constant 640 : i32
    %mul3A_283 = arith.muli %arg1, %mul3A_282 : i32
    %add3A_284 = arith.constant 480 : i32
    %add3A_285 = arith.addi %mul3A_283, %add3A_284 : i32
    %dma_wait3A_286 = arith.constant 0 : i32
    %dma_wait3A_287 = tpu.memref_slice %arg5[%add3A_285, %dma_wait3A_286] : memref<10240x128xf32, #tpu.memory_space<vmem_shared>> -> memref<32x128xf32, #tpu.memory_space<vmem_shared>>
    %dma_wait3A_288 = arith.constant 0 : i32
    %dma_wait3A_289 = tpu.memref_slice %arg5[%add3A_285, %dma_wait3A_288] : memref<10240x128xf32, #tpu.memory_space<vmem_shared>> -> memref<32x128xf32, #tpu.memory_space<vmem_shared>>
    tpu.wait_dma2 semaphore(%arg11 : memref<!tpu.dma_semaphore, #tpu.memory_space<semaphore_mem>>) src(%arg9 : memref<32x128xf32, #tpu.memory_space<vmem>>) dst(%dma_wait3A_289 : memref<32x128xf32, #tpu.memory_space<vmem_shared>>)
    %mul3A_290 = arith.constant 640 : i32
    %mul3A_291 = arith.muli %arg1, %mul3A_290 : i32
    %add3A_292 = arith.constant 512 : i32
    %add3A_293 = arith.addi %mul3A_291, %add3A_292 : i32
    %dma_wait3A_294 = arith.constant 0 : i32
    %dma_wait3A_295 = tpu.memref_slice %arg5[%add3A_293, %dma_wait3A_294] : memref<10240x128xf32, #tpu.memory_space<vmem_shared>> -> memref<32x128xf32, #tpu.memory_space<vmem_shared>>
    %dma_wait3A_296 = arith.constant 0 : i32
    %dma_wait3A_297 = tpu.memref_slice %arg5[%add3A_293, %dma_wait3A_296] : memref<10240x128xf32, #tpu.memory_space<vmem_shared>> -> memref<32x128xf32, #tpu.memory_space<vmem_shared>>
    tpu.wait_dma2 semaphore(%arg11 : memref<!tpu.dma_semaphore, #tpu.memory_space<semaphore_mem>>) src(%arg9 : memref<32x128xf32, #tpu.memory_space<vmem>>) dst(%dma_wait3A_297 : memref<32x128xf32, #tpu.memory_space<vmem_shared>>)
    %mul3A_298 = arith.constant 640 : i32
    %mul3A_299 = arith.muli %arg1, %mul3A_298 : i32
    %add3A_300 = arith.constant 544 : i32
    %add3A_301 = arith.addi %mul3A_299, %add3A_300 : i32
    %dma_wait3A_302 = arith.constant 0 : i32
    %dma_wait3A_303 = tpu.memref_slice %arg5[%add3A_301, %dma_wait3A_302] : memref<10240x128xf32, #tpu.memory_space<vmem_shared>> -> memref<32x128xf32, #tpu.memory_space<vmem_shared>>
    %dma_wait3A_304 = arith.constant 0 : i32
    %dma_wait3A_305 = tpu.memref_slice %arg5[%add3A_301, %dma_wait3A_304] : memref<10240x128xf32, #tpu.memory_space<vmem_shared>> -> memref<32x128xf32, #tpu.memory_space<vmem_shared>>
    tpu.wait_dma2 semaphore(%arg11 : memref<!tpu.dma_semaphore, #tpu.memory_space<semaphore_mem>>) src(%arg9 : memref<32x128xf32, #tpu.memory_space<vmem>>) dst(%dma_wait3A_305 : memref<32x128xf32, #tpu.memory_space<vmem_shared>>)
    %mul3A_306 = arith.constant 640 : i32
    %mul3A_307 = arith.muli %arg1, %mul3A_306 : i32
    %add3A_308 = arith.constant 576 : i32
    %add3A_309 = arith.addi %mul3A_307, %add3A_308 : i32
    %dma_wait3A_310 = arith.constant 0 : i32
    %dma_wait3A_311 = tpu.memref_slice %arg5[%add3A_309, %dma_wait3A_310] : memref<10240x128xf32, #tpu.memory_space<vmem_shared>> -> memref<32x128xf32, #tpu.memory_space<vmem_shared>>
    %dma_wait3A_312 = arith.constant 0 : i32
    %dma_wait3A_313 = tpu.memref_slice %arg5[%add3A_309, %dma_wait3A_312] : memref<10240x128xf32, #tpu.memory_space<vmem_shared>> -> memref<32x128xf32, #tpu.memory_space<vmem_shared>>
    tpu.wait_dma2 semaphore(%arg11 : memref<!tpu.dma_semaphore, #tpu.memory_space<semaphore_mem>>) src(%arg9 : memref<32x128xf32, #tpu.memory_space<vmem>>) dst(%dma_wait3A_313 : memref<32x128xf32, #tpu.memory_space<vmem_shared>>)
    %mul3A_314 = arith.constant 640 : i32
    %mul3A_315 = arith.muli %arg1, %mul3A_314 : i32
    %add3A_316 = arith.constant 608 : i32
    %add3A_317 = arith.addi %mul3A_315, %add3A_316 : i32
    %dma_wait3A_318 = arith.constant 0 : i32
    %dma_wait3A_319 = tpu.memref_slice %arg5[%add3A_317, %dma_wait3A_318] : memref<10240x128xf32, #tpu.memory_space<vmem_shared>> -> memref<32x128xf32, #tpu.memory_space<vmem_shared>>
    %dma_wait3A_320 = arith.constant 0 : i32
    %dma_wait3A_321 = tpu.memref_slice %arg5[%add3A_317, %dma_wait3A_320] : memref<10240x128xf32, #tpu.memory_space<vmem_shared>> -> memref<32x128xf32, #tpu.memory_space<vmem_shared>>
    tpu.wait_dma2 semaphore(%arg11 : memref<!tpu.dma_semaphore, #tpu.memory_space<semaphore_mem>>) src(%arg9 : memref<32x128xf32, #tpu.memory_space<vmem>>) dst(%dma_wait3A_321 : memref<32x128xf32, #tpu.memory_space<vmem_shared>>)
    %barrier3A = arith.constant 0 : index
    tpu.barrier barrier_id(%barrier3A)
    %mul3A_322 = arith.constant 16 : i32
    %mul3A_323 = arith.muli %arg0, %mul3A_322 : i32
    %add3A_324 = arith.addi %mul3A_323, %arg1 : i32
    %mul3A_325 = arith.constant 125 : i32
    %mul3A_326 = arith.muli %add3A_324, %mul3A_325 : i32
    %scan3A_327 = arith.constant 0 : i32
    %scan3A_328 = arith.constant 0 : i32
    %scan3A_329 = arith.constant 5 : i32
    %scan3A_330 = arith.addi %scan3A_328, %scan3A_329 : i32
    %scan3A_331 = arith.constant 1 : i32
    scf.for %scan3A_338 = %scan3A_328 to %scan3A_330 step %scan3A_331  : i32 {
      %mul3A_339 = arith.constant 25 : i32
      %mul3A_340 = arith.muli %scan3A_338, %mul3A_339 : i32
      %add3A_341 = arith.addi %mul3A_326, %mul3A_340 : i32
      %run_scoped3A = arith.constant 0 : i32
      "tpu.region"() ({
        %run_scoped3A_492 = tpu.sem_alloc : memref<!tpu.dma_semaphore, #tpu.memory_space<semaphore_mem>>
        %dma_start3A_493 = arith.constant 0 : i32
        %dma_start3A_494 = tpu.memref_slice %arg3[%run_scoped3A, %add3A_341, %dma_start3A_493] : memref<2x4000x80xi32, #tpu.memory_space<hbm>> -> memref<1x25x80xi32, #tpu.memory_space<hbm>>
        %dma_start3A_495 = tpu.memref_squeeze %dma_start3A_494 : memref<1x25x80xi32, #tpu.memory_space<hbm>> -> memref<25x80xi32, #tpu.memory_space<hbm>>
        %dma_start3A_496 = arith.constant 0 : i32
        %dma_start3A_497 = tpu.memref_slice %arg3[%run_scoped3A, %add3A_341, %dma_start3A_496] : memref<2x4000x80xi32, #tpu.memory_space<hbm>> -> memref<1x25x80xi32, #tpu.memory_space<hbm>>
        %dma_start3A_498 = tpu.memref_squeeze %dma_start3A_497 : memref<1x25x80xi32, #tpu.memory_space<hbm>> -> memref<25x80xi32, #tpu.memory_space<hbm>>
        tpu.enqueue_dma source(%dma_start3A_498 : memref<25x80xi32, #tpu.memory_space<hbm>>) target(%arg6 : memref<25x80xi32, #tpu.memory_space<vmem>>) target_semaphore(%run_scoped3A_492 : memref<!tpu.dma_semaphore, #tpu.memory_space<semaphore_mem>>)
        %dma_wait3A_499 = arith.constant 0 : i32
        %dma_wait3A_500 = tpu.memref_slice %arg3[%run_scoped3A, %add3A_341, %dma_wait3A_499] : memref<2x4000x80xi32, #tpu.memory_space<hbm>> -> memref<1x25x80xi32, #tpu.memory_space<hbm>>
        %dma_wait3A_501 = tpu.memref_squeeze %dma_wait3A_500 : memref<1x25x80xi32, #tpu.memory_space<hbm>> -> memref<25x80xi32, #tpu.memory_space<hbm>>
        %dma_wait3A_502 = arith.constant 0 : i32
        %dma_wait3A_503 = tpu.memref_slice %arg3[%run_scoped3A, %add3A_341, %dma_wait3A_502] : memref<2x4000x80xi32, #tpu.memory_space<hbm>> -> memref<1x25x80xi32, #tpu.memory_space<hbm>>
        %dma_wait3A_504 = tpu.memref_squeeze %dma_wait3A_503 : memref<1x25x80xi32, #tpu.memory_space<hbm>> -> memref<25x80xi32, #tpu.memory_space<hbm>>
        tpu.wait_dma2 semaphore(%run_scoped3A_492 : memref<!tpu.dma_semaphore, #tpu.memory_space<semaphore_mem>>) src(%dma_wait3A_504 : memref<25x80xi32, #tpu.memory_space<hbm>>) dst(%arg6 : memref<25x80xi32, #tpu.memory_space<vmem>>)
        tpu.yield
      }) : () -> ()
      %run_scoped3A_342 = arith.constant 1 : i32
      "tpu.region"() ({
        %run_scoped3A_492 = tpu.sem_alloc : memref<!tpu.dma_semaphore, #tpu.memory_space<semaphore_mem>>
        %dma_start3A_493 = arith.constant 0 : i32
        %dma_start3A_494 = tpu.memref_slice %arg3[%run_scoped3A_342, %add3A_341, %dma_start3A_493] : memref<2x4000x80xi32, #tpu.memory_space<hbm>> -> memref<1x25x80xi32, #tpu.memory_space<hbm>>
        %dma_start3A_495 = tpu.memref_squeeze %dma_start3A_494 : memref<1x25x80xi32, #tpu.memory_space<hbm>> -> memref<25x80xi32, #tpu.memory_space<hbm>>
        %dma_start3A_496 = arith.constant 0 : i32
        %dma_start3A_497 = tpu.memref_slice %arg3[%run_scoped3A_342, %add3A_341, %dma_start3A_496] : memref<2x4000x80xi32, #tpu.memory_space<hbm>> -> memref<1x25x80xi32, #tpu.memory_space<hbm>>
        %dma_start3A_498 = tpu.memref_squeeze %dma_start3A_497 : memref<1x25x80xi32, #tpu.memory_space<hbm>> -> memref<25x80xi32, #tpu.memory_space<hbm>>
        tpu.enqueue_dma source(%dma_start3A_498 : memref<25x80xi32, #tpu.memory_space<hbm>>) target(%arg7 : memref<25x80xi32, #tpu.memory_space<vmem>>) target_semaphore(%run_scoped3A_492 : memref<!tpu.dma_semaphore, #tpu.memory_space<semaphore_mem>>)
        %dma_wait3A_499 = arith.constant 0 : i32
        %dma_wait3A_500 = tpu.memref_slice %arg3[%run_scoped3A_342, %add3A_341, %dma_wait3A_499] : memref<2x4000x80xi32, #tpu.memory_space<hbm>> -> memref<1x25x80xi32, #tpu.memory_space<hbm>>
        %dma_wait3A_501 = tpu.memref_squeeze %dma_wait3A_500 : memref<1x25x80xi32, #tpu.memory_space<hbm>> -> memref<25x80xi32, #tpu.memory_space<hbm>>
        %dma_wait3A_502 = arith.constant 0 : i32
        %dma_wait3A_503 = tpu.memref_slice %arg3[%run_scoped3A_342, %add3A_341, %dma_wait3A_502] : memref<2x4000x80xi32, #tpu.memory_space<hbm>> -> memref<1x25x80xi32, #tpu.memory_space<hbm>>
        %dma_wait3A_504 = tpu.memref_squeeze %dma_wait3A_503 : memref<1x25x80xi32, #tpu.memory_space<hbm>> -> memref<25x80xi32, #tpu.memory_space<hbm>>
        tpu.wait_dma2 semaphore(%run_scoped3A_492 : memref<!tpu.dma_semaphore, #tpu.memory_space<semaphore_mem>>) src(%dma_wait3A_504 : memref<25x80xi32, #tpu.memory_space<hbm>>) dst(%arg7 : memref<25x80xi32, #tpu.memory_space<vmem>>)
        tpu.yield
      }) : () -> ()
      %dma_start3A_343 = arith.constant 0 : i32
      %dma_start3A_344 = arith.constant 0 : i32
      %dma_start3A_345 = arith.constant 0 : i32
      %dma_start3A_346 = arith.constant 0 : i32
      %dma_start3A_347 = tpu.memref_slice %arg8[%dma_start3A_344, %dma_start3A_345, %dma_start3A_346] : memref<3x80x128xf32, #tpu.memory_space<vmem>> -> memref<1x80x128xf32, #tpu.memory_space<vmem>>
      %dma_start3A_348 = tpu.memref_squeeze %dma_start3A_347 : memref<1x80x128xf32, #tpu.memory_space<vmem>> -> memref<80x128xf32, #tpu.memory_space<vmem>>
      %dma_start3A_349 = arith.constant 0 : i32
      %dma_start3A_350 = tpu.memref_slice %arg6[%dma_start3A_343, %dma_start3A_349] : memref<25x80xi32, #tpu.memory_space<vmem>> -> memref<1x80xi32, #tpu.memory_space<vmem>>
      %dma_start3A_351 = tpu.memref_squeeze %dma_start3A_350 : memref<1x80xi32, #tpu.memory_space<vmem>> -> memref<80xi32, #tpu.memory_space<vmem>>
      %dma_start3A_352 = arith.constant 0 : i32
      %dma_start3A_353 = arith.constant 0 : i32
      %dma_start3A_354 = tpu.memref_slice %arg2[%dma_start3A_352, %dma_start3A_353] : memref<10000x128xf32, #tpu.memory_space<hbm>> -> memref<10000x128xf32, #tpu.memory_space<hbm>>
      tpu.enqueue_indirect_dma source(%dma_start3A_354 : memref<10000x128xf32, #tpu.memory_space<hbm>>) target(%dma_start3A_348 : memref<80x128xf32, #tpu.memory_space<vmem>>) offsets(%dma_start3A_351 : memref<80xi32, #tpu.memory_space<vmem>>) semaphore(%arg10 : memref<!tpu.dma_semaphore, #tpu.memory_space<semaphore_mem>>)
      %dma_start3A_355 = arith.constant 1 : i32
      %dma_start3A_356 = arith.constant 1 : i32
      %dma_start3A_357 = arith.constant 0 : i32
      %dma_start3A_358 = arith.constant 0 : i32
      %dma_start3A_359 = tpu.memref_slice %arg8[%dma_start3A_356, %dma_start3A_357, %dma_start3A_358] : memref<3x80x128xf32, #tpu.memory_space<vmem>> -> memref<1x80x128xf32, #tpu.memory_space<vmem>>
      %dma_start3A_360 = tpu.memref_squeeze %dma_start3A_359 : memref<1x80x128xf32, #tpu.memory_space<vmem>> -> memref<80x128xf32, #tpu.memory_space<vmem>>
      %dma_start3A_361 = arith.constant 0 : i32
      %dma_start3A_362 = tpu.memref_slice %arg6[%dma_start3A_355, %dma_start3A_361] : memref<25x80xi32, #tpu.memory_space<vmem>> -> memref<1x80xi32, #tpu.memory_space<vmem>>
      %dma_start3A_363 = tpu.memref_squeeze %dma_start3A_362 : memref<1x80xi32, #tpu.memory_space<vmem>> -> memref<80xi32, #tpu.memory_space<vmem>>
      %dma_start3A_364 = arith.constant 0 : i32
      %dma_start3A_365 = arith.constant 0 : i32
      %dma_start3A_366 = tpu.memref_slice %arg2[%dma_start3A_364, %dma_start3A_365] : memref<10000x128xf32, #tpu.memory_space<hbm>> -> memref<10000x128xf32, #tpu.memory_space<hbm>>
      tpu.enqueue_indirect_dma source(%dma_start3A_366 : memref<10000x128xf32, #tpu.memory_space<hbm>>) target(%dma_start3A_360 : memref<80x128xf32, #tpu.memory_space<vmem>>) offsets(%dma_start3A_363 : memref<80xi32, #tpu.memory_space<vmem>>) semaphore(%arg10 : memref<!tpu.dma_semaphore, #tpu.memory_space<semaphore_mem>>)
      %dma_wait3A_367 = arith.constant 0 : i32
      %dma_wait3A_368 = arith.constant 0 : i32
      %dma_wait3A_369 = arith.constant 0 : i32
      %dma_wait3A_370 = arith.constant 0 : i32
      %dma_wait3A_371 = tpu.memref_slice %arg8[%dma_wait3A_368, %dma_wait3A_369, %dma_wait3A_370] : memref<3x80x128xf32, #tpu.memory_space<vmem>> -> memref<1x80x128xf32, #tpu.memory_space<vmem>>
      %dma_wait3A_372 = tpu.memref_squeeze %dma_wait3A_371 : memref<1x80x128xf32, #tpu.memory_space<vmem>> -> memref<80x128xf32, #tpu.memory_space<vmem>>
      %dma_wait3A_373 = arith.constant 0 : i32
      %dma_wait3A_374 = tpu.memref_slice %arg6[%dma_wait3A_367, %dma_wait3A_373] : memref<25x80xi32, #tpu.memory_space<vmem>> -> memref<1x80xi32, #tpu.memory_space<vmem>>
      %dma_wait3A_375 = tpu.memref_squeeze %dma_wait3A_374 : memref<1x80xi32, #tpu.memory_space<vmem>> -> memref<80xi32, #tpu.memory_space<vmem>>
      %dma_wait3A_376 = arith.constant 0 : i32
      %dma_wait3A_377 = arith.constant 0 : i32
      %dma_wait3A_378 = tpu.memref_slice %arg2[%dma_wait3A_376, %dma_wait3A_377] : memref<10000x128xf32, #tpu.memory_space<hbm>> -> memref<10000x128xf32, #tpu.memory_space<hbm>>
      tpu.wait_indirect_dma semaphore(%arg10 : memref<!tpu.dma_semaphore, #tpu.memory_space<semaphore_mem>>) src(%dma_wait3A_378 : memref<10000x128xf32, #tpu.memory_space<hbm>>) dst(%dma_wait3A_372 : memref<80x128xf32, #tpu.memory_space<vmem>>)
      %dma_start3A_379 = arith.constant 0 : i32
      %dma_start3A_380 = arith.constant 0 : i32
      %dma_start3A_381 = arith.constant 0 : i32
      %dma_start3A_382 = arith.constant 0 : i32
      %dma_start3A_383 = tpu.memref_slice %arg8[%dma_start3A_379, %dma_start3A_381, %dma_start3A_382] : memref<3x80x128xf32, #tpu.memory_space<vmem>> -> memref<1x80x128xf32, #tpu.memory_space<vmem>>
      %dma_start3A_384 = tpu.memref_squeeze %dma_start3A_383 : memref<1x80x128xf32, #tpu.memory_space<vmem>> -> memref<80x128xf32, #tpu.memory_space<vmem>>
      %dma_start3A_385 = arith.constant 0 : i32
      %dma_start3A_386 = tpu.memref_slice %arg7[%dma_start3A_380, %dma_start3A_385] : memref<25x80xi32, #tpu.memory_space<vmem>> -> memref<1x80xi32, #tpu.memory_space<vmem>>
      %dma_start3A_387 = tpu.memref_squeeze %dma_start3A_386 : memref<1x80xi32, #tpu.memory_space<vmem>> -> memref<80xi32, #tpu.memory_space<vmem>>
      %dma_start3A_388 = arith.constant 0 : i32
      %dma_start3A_389 = arith.constant 0 : i32
      %dma_start3A_390 = tpu.memref_slice %arg5[%dma_start3A_388, %dma_start3A_389] : memref<10240x128xf32, #tpu.memory_space<vmem_shared>> -> memref<10240x128xf32, #tpu.memory_space<vmem_shared>>
      tpu.enqueue_indirect_dma source(%dma_start3A_384 : memref<80x128xf32, #tpu.memory_space<vmem>>) target(%dma_start3A_390 : memref<10240x128xf32, #tpu.memory_space<vmem_shared>>) offsets(%dma_start3A_387 : memref<80xi32, #tpu.memory_space<vmem>>) semaphore(%arg11 : memref<!tpu.dma_semaphore, #tpu.memory_space<semaphore_mem>>) {add = true}
      %dma_start3A_391 = arith.constant 2 : i32
      %dma_start3A_392 = arith.constant 2 : i32
      %dma_start3A_393 = arith.constant 0 : i32
      %dma_start3A_394 = arith.constant 0 : i32
      %dma_start3A_395 = tpu.memref_slice %arg8[%dma_start3A_392, %dma_start3A_393, %dma_start3A_394] : memref<3x80x128xf32, #tpu.memory_space<vmem>> -> memref<1x80x128xf32, #tpu.memory_space<vmem>>
      %dma_start3A_396 = tpu.memref_squeeze %dma_start3A_395 : memref<1x80x128xf32, #tpu.memory_space<vmem>> -> memref<80x128xf32, #tpu.memory_space<vmem>>
      %dma_start3A_397 = arith.constant 0 : i32
      %dma_start3A_398 = tpu.memref_slice %arg6[%dma_start3A_391, %dma_start3A_397] : memref<25x80xi32, #tpu.memory_space<vmem>> -> memref<1x80xi32, #tpu.memory_space<vmem>>
      %dma_start3A_399 = tpu.memref_squeeze %dma_start3A_398 : memref<1x80xi32, #tpu.memory_space<vmem>> -> memref<80xi32, #tpu.memory_space<vmem>>
      %dma_start3A_400 = arith.constant 0 : i32
      %dma_start3A_401 = arith.constant 0 : i32
      %dma_start3A_402 = tpu.memref_slice %arg2[%dma_start3A_400, %dma_start3A_401] : memref<10000x128xf32, #tpu.memory_space<hbm>> -> memref<10000x128xf32, #tpu.memory_space<hbm>>
      tpu.enqueue_indirect_dma source(%dma_start3A_402 : memref<10000x128xf32, #tpu.memory_space<hbm>>) target(%dma_start3A_396 : memref<80x128xf32, #tpu.memory_space<vmem>>) offsets(%dma_start3A_399 : memref<80xi32, #tpu.memory_space<vmem>>) semaphore(%arg10 : memref<!tpu.dma_semaphore, #tpu.memory_space<semaphore_mem>>)
      %scan3A_403 = arith.constant 1 : i32
      %scan3A_404 = arith.constant 22 : i32
      %scan3A_405 = arith.addi %scan3A_403, %scan3A_404 : i32
      %scan3A_406 = arith.constant 1 : i32
      scf.for %scan3A_492 = %scan3A_403 to %scan3A_405 step %scan3A_406  : i32 {
        %jit3A = arith.constant 3 : i32
        %eq3A = arith.constant 0 : i32
        %eq3A_493 = arith.cmpi eq, %jit3A, %eq3A : i32
        %jit3A_494 = arith.constant 1 : i32
        %select_n3A = arith.select %eq3A_493, %jit3A_494, %jit3A : i32
        %rem3A = arith.remsi %scan3A_492, %select_n3A : i32
        %ne3A = arith.constant 0 : i32
        %ne3A_495 = arith.cmpi ne, %rem3A, %ne3A : i32
        %lt3A = arith.constant 0 : i32
        %lt3A_496 = arith.cmpi slt, %rem3A, %lt3A : i32
        %lt3A_497 = arith.constant 0 : i32
        %lt3A_498 = arith.cmpi slt, %select_n3A, %lt3A_497 : i32
        %ne3A_499 = arith.xori %lt3A_496, %lt3A_498 : i1
        %and3A = arith.andi %ne3A_499, %ne3A_495 : i1
        %add3A_500 = arith.addi %rem3A, %select_n3A : i32
        %select_n3A_501 = arith.select %and3A, %add3A_500, %rem3A : i32
        %dma_wait3A_502 = arith.constant 0 : i32
        %dma_wait3A_503 = arith.constant 0 : i32
        %dma_wait3A_504 = tpu.memref_slice %arg8[%select_n3A_501, %dma_wait3A_502, %dma_wait3A_503] : memref<3x80x128xf32, #tpu.memory_space<vmem>> -> memref<1x80x128xf32, #tpu.memory_space<vmem>>
        %dma_wait3A_505 = tpu.memref_squeeze %dma_wait3A_504 : memref<1x80x128xf32, #tpu.memory_space<vmem>> -> memref<80x128xf32, #tpu.memory_space<vmem>>
        %dma_wait3A_506 = arith.constant 0 : i32
        %dma_wait3A_507 = tpu.memref_slice %arg6[%scan3A_492, %dma_wait3A_506] : memref<25x80xi32, #tpu.memory_space<vmem>> -> memref<1x80xi32, #tpu.memory_space<vmem>>
        %dma_wait3A_508 = tpu.memref_squeeze %dma_wait3A_507 : memref<1x80xi32, #tpu.memory_space<vmem>> -> memref<80xi32, #tpu.memory_space<vmem>>
        %dma_wait3A_509 = arith.constant 0 : i32
        %dma_wait3A_510 = arith.constant 0 : i32
        %dma_wait3A_511 = tpu.memref_slice %arg2[%dma_wait3A_509, %dma_wait3A_510] : memref<10000x128xf32, #tpu.memory_space<hbm>> -> memref<10000x128xf32, #tpu.memory_space<hbm>>
        tpu.wait_indirect_dma semaphore(%arg10 : memref<!tpu.dma_semaphore, #tpu.memory_space<semaphore_mem>>) src(%dma_wait3A_511 : memref<10000x128xf32, #tpu.memory_space<hbm>>) dst(%dma_wait3A_505 : memref<80x128xf32, #tpu.memory_space<vmem>>)
        %dma_start3A_512 = arith.constant 0 : i32
        %dma_start3A_513 = arith.constant 0 : i32
        %dma_start3A_514 = tpu.memref_slice %arg8[%select_n3A_501, %dma_start3A_512, %dma_start3A_513] : memref<3x80x128xf32, #tpu.memory_space<vmem>> -> memref<1x80x128xf32, #tpu.memory_space<vmem>>
        %dma_start3A_515 = tpu.memref_squeeze %dma_start3A_514 : memref<1x80x128xf32, #tpu.memory_space<vmem>> -> memref<80x128xf32, #tpu.memory_space<vmem>>
        %dma_start3A_516 = arith.constant 0 : i32
        %dma_start3A_517 = tpu.memref_slice %arg7[%scan3A_492, %dma_start3A_516] : memref<25x80xi32, #tpu.memory_space<vmem>> -> memref<1x80xi32, #tpu.memory_space<vmem>>
        %dma_start3A_518 = tpu.memref_squeeze %dma_start3A_517 : memref<1x80xi32, #tpu.memory_space<vmem>> -> memref<80xi32, #tpu.memory_space<vmem>>
        %dma_start3A_519 = arith.constant 0 : i32
        %dma_start3A_520 = arith.constant 0 : i32
        %dma_start3A_521 = tpu.memref_slice %arg5[%dma_start3A_519, %dma_start3A_520] : memref<10240x128xf32, #tpu.memory_space<vmem_shared>> -> memref<10240x128xf32, #tpu.memory_space<vmem_shared>>
        tpu.enqueue_indirect_dma source(%dma_start3A_515 : memref<80x128xf32, #tpu.memory_space<vmem>>) target(%dma_start3A_521 : memref<10240x128xf32, #tpu.memory_space<vmem_shared>>) offsets(%dma_start3A_518 : memref<80xi32, #tpu.memory_space<vmem>>) semaphore(%arg11 : memref<!tpu.dma_semaphore, #tpu.memory_space<semaphore_mem>>) {add = true}
        %dma_wait3A_522 = arith.constant 0 : i32
        %dma_wait3A_523 = arith.constant 0 : i32
        %dma_wait3A_524 = arith.constant 0 : i32
        %dma_wait3A_525 = arith.constant 0 : i32
        %dma_wait3A_526 = tpu.memref_slice %arg8[%dma_wait3A_522, %dma_wait3A_524, %dma_wait3A_525] : memref<3x80x128xf32, #tpu.memory_space<vmem>> -> memref<1x80x128xf32, #tpu.memory_space<vmem>>
        %dma_wait3A_527 = tpu.memref_squeeze %dma_wait3A_526 : memref<1x80x128xf32, #tpu.memory_space<vmem>> -> memref<80x128xf32, #tpu.memory_space<vmem>>
        %dma_wait3A_528 = arith.constant 0 : i32
        %dma_wait3A_529 = tpu.memref_slice %arg7[%dma_wait3A_523, %dma_wait3A_528] : memref<25x80xi32, #tpu.memory_space<vmem>> -> memref<1x80xi32, #tpu.memory_space<vmem>>
        %dma_wait3A_530 = tpu.memref_squeeze %dma_wait3A_529 : memref<1x80xi32, #tpu.memory_space<vmem>> -> memref<80xi32, #tpu.memory_space<vmem>>
        %dma_wait3A_531 = arith.constant 0 : i32
        %dma_wait3A_532 = arith.constant 0 : i32
        %dma_wait3A_533 = tpu.memref_slice %arg5[%dma_wait3A_531, %dma_wait3A_532] : memref<10240x128xf32, #tpu.memory_space<vmem_shared>> -> memref<10240x128xf32, #tpu.memory_space<vmem_shared>>
        tpu.wait_indirect_dma semaphore(%arg11 : memref<!tpu.dma_semaphore, #tpu.memory_space<semaphore_mem>>) src(%dma_wait3A_527 : memref<80x128xf32, #tpu.memory_space<vmem>>) dst(%dma_wait3A_533 : memref<10240x128xf32, #tpu.memory_space<vmem_shared>>)
        %add3A_534 = arith.constant 2 : i32
        %add3A_535 = arith.addi %scan3A_492, %add3A_534 : i32
        %add3A_536 = arith.constant 2 : i32
        %add3A_537 = arith.addi %scan3A_492, %add3A_536 : i32
        %jit3A_538 = arith.constant 3 : i32
        %eq3A_539 = arith.constant 0 : i32
        %eq3A_540 = arith.cmpi eq, %jit3A_538, %eq3A_539 : i32
        %jit3A_541 = arith.constant 1 : i32
        %select_n3A_542 = arith.select %eq3A_540, %jit3A_541, %jit3A_538 : i32
        %rem3A_543 = arith.remsi %add3A_537, %select_n3A_542 : i32
        %ne3A_544 = arith.constant 0 : i32
        %ne3A_545 = arith.cmpi ne, %rem3A_543, %ne3A_544 : i32
        %lt3A_546 = arith.constant 0 : i32
        %lt3A_547 = arith.cmpi slt, %rem3A_543, %lt3A_546 : i32
        %lt3A_548 = arith.constant 0 : i32
        %lt3A_549 = arith.cmpi slt, %select_n3A_542, %lt3A_548 : i32
        %ne3A_550 = arith.xori %lt3A_547, %lt3A_549 : i1
        %and3A_551 = arith.andi %ne3A_550, %ne3A_545 : i1
        %add3A_552 = arith.addi %rem3A_543, %select_n3A_542 : i32
        %select_n3A_553 = arith.select %and3A_551, %add3A_552, %rem3A_543 : i32
        %dma_start3A_554 = arith.constant 0 : i32
        %dma_start3A_555 = arith.constant 0 : i32
        %dma_start3A_556 = tpu.memref_slice %arg8[%select_n3A_553, %dma_start3A_554, %dma_start3A_555] : memref<3x80x128xf32, #tpu.memory_space<vmem>> -> memref<1x80x128xf32, #tpu.memory_space<vmem>>
        %dma_start3A_557 = tpu.memref_squeeze %dma_start3A_556 : memref<1x80x128xf32, #tpu.memory_space<vmem>> -> memref<80x128xf32, #tpu.memory_space<vmem>>
        %dma_start3A_558 = arith.constant 0 : i32
        %dma_start3A_559 = tpu.memref_slice %arg6[%add3A_535, %dma_start3A_558] : memref<25x80xi32, #tpu.memory_space<vmem>> -> memref<1x80xi32, #tpu.memory_space<vmem>>
        %dma_start3A_560 = tpu.memref_squeeze %dma_start3A_559 : memref<1x80xi32, #tpu.memory_space<vmem>> -> memref<80xi32, #tpu.memory_space<vmem>>
        %dma_start3A_561 = arith.constant 0 : i32
        %dma_start3A_562 = arith.constant 0 : i32
        %dma_start3A_563 = tpu.memref_slice %arg2[%dma_start3A_561, %dma_start3A_562] : memref<10000x128xf32, #tpu.memory_space<hbm>> -> memref<10000x128xf32, #tpu.memory_space<hbm>>
        tpu.enqueue_indirect_dma source(%dma_start3A_563 : memref<10000x128xf32, #tpu.memory_space<hbm>>) target(%dma_start3A_557 : memref<80x128xf32, #tpu.memory_space<vmem>>) offsets(%dma_start3A_560 : memref<80xi32, #tpu.memory_space<vmem>>) semaphore(%arg10 : memref<!tpu.dma_semaphore, #tpu.memory_space<semaphore_mem>>)
      }
      %scan3A_407 = arith.constant 22 : i32
      %dma_wait3A_408 = arith.constant 23 : i32
      %dma_wait3A_409 = arith.constant 2 : i32
      %dma_wait3A_410 = arith.constant 0 : i32
      %dma_wait3A_411 = arith.constant 0 : i32
      %dma_wait3A_412 = tpu.memref_slice %arg8[%dma_wait3A_409, %dma_wait3A_410, %dma_wait3A_411] : memref<3x80x128xf32, #tpu.memory_space<vmem>> -> memref<1x80x128xf32, #tpu.memory_space<vmem>>
      %dma_wait3A_413 = tpu.memref_squeeze %dma_wait3A_412 : memref<1x80x128xf32, #tpu.memory_space<vmem>> -> memref<80x128xf32, #tpu.memory_space<vmem>>
      %dma_wait3A_414 = arith.constant 0 : i32
      %dma_wait3A_415 = tpu.memref_slice %arg6[%dma_wait3A_408, %dma_wait3A_414] : memref<25x80xi32, #tpu.memory_space<vmem>> -> memref<1x80xi32, #tpu.memory_space<vmem>>
      %dma_wait3A_416 = tpu.memref_squeeze %dma_wait3A_415 : memref<1x80xi32, #tpu.memory_space<vmem>> -> memref<80xi32, #tpu.memory_space<vmem>>
      %dma_wait3A_417 = arith.constant 0 : i32
      %dma_wait3A_418 = arith.constant 0 : i32
      %dma_wait3A_419 = tpu.memref_slice %arg2[%dma_wait3A_417, %dma_wait3A_418] : memref<10000x128xf32, #tpu.memory_space<hbm>> -> memref<10000x128xf32, #tpu.memory_space<hbm>>
      tpu.wait_indirect_dma semaphore(%arg10 : memref<!tpu.dma_semaphore, #tpu.memory_space<semaphore_mem>>) src(%dma_wait3A_419 : memref<10000x128xf32, #tpu.memory_space<hbm>>) dst(%dma_wait3A_413 : memref<80x128xf32, #tpu.memory_space<vmem>>)
      %dma_start3A_420 = arith.constant 2 : i32
      %dma_start3A_421 = arith.constant 23 : i32
      %dma_start3A_422 = arith.constant 0 : i32
      %dma_start3A_423 = arith.constant 0 : i32
      %dma_start3A_424 = tpu.memref_slice %arg8[%dma_start3A_420, %dma_start3A_422, %dma_start3A_423] : memref<3x80x128xf32, #tpu.memory_space<vmem>> -> memref<1x80x128xf32, #tpu.memory_space<vmem>>
      %dma_start3A_425 = tpu.memref_squeeze %dma_start3A_424 : memref<1x80x128xf32, #tpu.memory_space<vmem>> -> memref<80x128xf32, #tpu.memory_space<vmem>>
      %dma_start3A_426 = arith.constant 0 : i32
      %dma_start3A_427 = tpu.memref_slice %arg7[%dma_start3A_421, %dma_start3A_426] : memref<25x80xi32, #tpu.memory_space<vmem>> -> memref<1x80xi32, #tpu.memory_space<vmem>>
      %dma_start3A_428 = tpu.memref_squeeze %dma_start3A_427 : memref<1x80xi32, #tpu.memory_space<vmem>> -> memref<80xi32, #tpu.memory_space<vmem>>
      %dma_start3A_429 = arith.constant 0 : i32
      %dma_start3A_430 = arith.constant 0 : i32
      %dma_start3A_431 = tpu.memref_slice %arg5[%dma_start3A_429, %dma_start3A_430] : memref<10240x128xf32, #tpu.memory_space<vmem_shared>> -> memref<10240x128xf32, #tpu.memory_space<vmem_shared>>
      tpu.enqueue_indirect_dma source(%dma_start3A_425 : memref<80x128xf32, #tpu.memory_space<vmem>>) target(%dma_start3A_431 : memref<10240x128xf32, #tpu.memory_space<vmem_shared>>) offsets(%dma_start3A_428 : memref<80xi32, #tpu.memory_space<vmem>>) semaphore(%arg11 : memref<!tpu.dma_semaphore, #tpu.memory_space<semaphore_mem>>) {add = true}
      %dma_wait3A_432 = arith.constant 0 : i32
      %dma_wait3A_433 = arith.constant 0 : i32
      %dma_wait3A_434 = arith.constant 0 : i32
      %dma_wait3A_435 = arith.constant 0 : i32
      %dma_wait3A_436 = tpu.memref_slice %arg8[%dma_wait3A_432, %dma_wait3A_434, %dma_wait3A_435] : memref<3x80x128xf32, #tpu.memory_space<vmem>> -> memref<1x80x128xf32, #tpu.memory_space<vmem>>
      %dma_wait3A_437 = tpu.memref_squeeze %dma_wait3A_436 : memref<1x80x128xf32, #tpu.memory_space<vmem>> -> memref<80x128xf32, #tpu.memory_space<vmem>>
      %dma_wait3A_438 = arith.constant 0 : i32
      %dma_wait3A_439 = tpu.memref_slice %arg7[%dma_wait3A_433, %dma_wait3A_438] : memref<25x80xi32, #tpu.memory_space<vmem>> -> memref<1x80xi32, #tpu.memory_space<vmem>>
      %dma_wait3A_440 = tpu.memref_squeeze %dma_wait3A_439 : memref<1x80xi32, #tpu.memory_space<vmem>> -> memref<80xi32, #tpu.memory_space<vmem>>
      %dma_wait3A_441 = arith.constant 0 : i32
      %dma_wait3A_442 = arith.constant 0 : i32
      %dma_wait3A_443 = tpu.memref_slice %arg5[%dma_wait3A_441, %dma_wait3A_442] : memref<10240x128xf32, #tpu.memory_space<vmem_shared>> -> memref<10240x128xf32, #tpu.memory_space<vmem_shared>>
      tpu.wait_indirect_dma semaphore(%arg11 : memref<!tpu.dma_semaphore, #tpu.memory_space<semaphore_mem>>) src(%dma_wait3A_437 : memref<80x128xf32, #tpu.memory_space<vmem>>) dst(%dma_wait3A_443 : memref<10240x128xf32, #tpu.memory_space<vmem_shared>>)
      %dma_wait3A_444 = arith.constant 24 : i32
      %dma_wait3A_445 = arith.constant 0 : i32
      %dma_wait3A_446 = arith.constant 0 : i32
      %dma_wait3A_447 = arith.constant 0 : i32
      %dma_wait3A_448 = tpu.memref_slice %arg8[%dma_wait3A_445, %dma_wait3A_446, %dma_wait3A_447] : memref<3x80x128xf32, #tpu.memory_space<vmem>> -> memref<1x80x128xf32, #tpu.memory_space<vmem>>
      %dma_wait3A_449 = tpu.memref_squeeze %dma_wait3A_448 : memref<1x80x128xf32, #tpu.memory_space<vmem>> -> memref<80x128xf32, #tpu.memory_space<vmem>>
      %dma_wait3A_450 = arith.constant 0 : i32
      %dma_wait3A_451 = tpu.memref_slice %arg6[%dma_wait3A_444, %dma_wait3A_450] : memref<25x80xi32, #tpu.memory_space<vmem>> -> memref<1x80xi32, #tpu.memory_space<vmem>>
      %dma_wait3A_452 = tpu.memref_squeeze %dma_wait3A_451 : memref<1x80xi32, #tpu.memory_space<vmem>> -> memref<80xi32, #tpu.memory_space<vmem>>
      %dma_wait3A_453 = arith.constant 0 : i32
      %dma_wait3A_454 = arith.constant 0 : i32
      %dma_wait3A_455 = tpu.memref_slice %arg2[%dma_wait3A_453, %dma_wait3A_454] : memref<10000x128xf32, #tpu.memory_space<hbm>> -> memref<10000x128xf32, #tpu.memory_space<hbm>>
      tpu.wait_indirect_dma semaphore(%arg10 : memref<!tpu.dma_semaphore, #tpu.memory_space<semaphore_mem>>) src(%dma_wait3A_455 : memref<10000x128xf32, #tpu.memory_space<hbm>>) dst(%dma_wait3A_449 : memref<80x128xf32, #tpu.memory_space<vmem>>)
      %dma_start3A_456 = arith.constant 0 : i32
      %dma_start3A_457 = arith.constant 24 : i32
      %dma_start3A_458 = arith.constant 0 : i32
      %dma_start3A_459 = arith.constant 0 : i32
      %dma_start3A_460 = tpu.memref_slice %arg8[%dma_start3A_456, %dma_start3A_458, %dma_start3A_459] : memref<3x80x128xf32, #tpu.memory_space<vmem>> -> memref<1x80x128xf32, #tpu.memory_space<vmem>>
      %dma_start3A_461 = tpu.memref_squeeze %dma_start3A_460 : memref<1x80x128xf32, #tpu.memory_space<vmem>> -> memref<80x128xf32, #tpu.memory_space<vmem>>
      %dma_start3A_462 = arith.constant 0 : i32
      %dma_start3A_463 = tpu.memref_slice %arg7[%dma_start3A_457, %dma_start3A_462] : memref<25x80xi32, #tpu.memory_space<vmem>> -> memref<1x80xi32, #tpu.memory_space<vmem>>
      %dma_start3A_464 = tpu.memref_squeeze %dma_start3A_463 : memref<1x80xi32, #tpu.memory_space<vmem>> -> memref<80xi32, #tpu.memory_space<vmem>>
      %dma_start3A_465 = arith.constant 0 : i32
      %dma_start3A_466 = arith.constant 0 : i32
      %dma_start3A_467 = tpu.memref_slice %arg5[%dma_start3A_465, %dma_start3A_466] : memref<10240x128xf32, #tpu.memory_space<vmem_shared>> -> memref<10240x128xf32, #tpu.memory_space<vmem_shared>>
      tpu.enqueue_indirect_dma source(%dma_start3A_461 : memref<80x128xf32, #tpu.memory_space<vmem>>) target(%dma_start3A_467 : memref<10240x128xf32, #tpu.memory_space<vmem_shared>>) offsets(%dma_start3A_464 : memref<80xi32, #tpu.memory_space<vmem>>) semaphore(%arg11 : memref<!tpu.dma_semaphore, #tpu.memory_space<semaphore_mem>>) {add = true}
      %dma_wait3A_468 = arith.constant 0 : i32
      %dma_wait3A_469 = arith.constant 0 : i32
      %dma_wait3A_470 = arith.constant 0 : i32
      %dma_wait3A_471 = arith.constant 0 : i32
      %dma_wait3A_472 = tpu.memref_slice %arg8[%dma_wait3A_468, %dma_wait3A_470, %dma_wait3A_471] : memref<3x80x128xf32, #tpu.memory_space<vmem>> -> memref<1x80x128xf32, #tpu.memory_space<vmem>>
      %dma_wait3A_473 = tpu.memref_squeeze %dma_wait3A_472 : memref<1x80x128xf32, #tpu.memory_space<vmem>> -> memref<80x128xf32, #tpu.memory_space<vmem>>
      %dma_wait3A_474 = arith.constant 0 : i32
      %dma_wait3A_475 = tpu.memref_slice %arg7[%dma_wait3A_469, %dma_wait3A_474] : memref<25x80xi32, #tpu.memory_space<vmem>> -> memref<1x80xi32, #tpu.memory_space<vmem>>
      %dma_wait3A_476 = tpu.memref_squeeze %dma_wait3A_475 : memref<1x80xi32, #tpu.memory_space<vmem>> -> memref<80xi32, #tpu.memory_space<vmem>>
      %dma_wait3A_477 = arith.constant 0 : i32
      %dma_wait3A_478 = arith.constant 0 : i32
      %dma_wait3A_479 = tpu.memref_slice %arg5[%dma_wait3A_477, %dma_wait3A_478] : memref<10240x128xf32, #tpu.memory_space<vmem_shared>> -> memref<10240x128xf32, #tpu.memory_space<vmem_shared>>
      tpu.wait_indirect_dma semaphore(%arg11 : memref<!tpu.dma_semaphore, #tpu.memory_space<semaphore_mem>>) src(%dma_wait3A_473 : memref<80x128xf32, #tpu.memory_space<vmem>>) dst(%dma_wait3A_479 : memref<10240x128xf32, #tpu.memory_space<vmem_shared>>)
      %dma_wait3A_480 = arith.constant 0 : i32
      %dma_wait3A_481 = arith.constant 0 : i32
      %dma_wait3A_482 = arith.constant 0 : i32
      %dma_wait3A_483 = arith.constant 0 : i32
      %dma_wait3A_484 = tpu.memref_slice %arg8[%dma_wait3A_480, %dma_wait3A_482, %dma_wait3A_483] : memref<3x80x128xf32, #tpu.memory_space<vmem>> -> memref<1x80x128xf32, #tpu.memory_space<vmem>>
      %dma_wait3A_485 = tpu.memref_squeeze %dma_wait3A_484 : memref<1x80x128xf32, #tpu.memory_space<vmem>> -> memref<80x128xf32, #tpu.memory_space<vmem>>
      %dma_wait3A_486 = arith.constant 0 : i32
      %dma_wait3A_487 = tpu.memref_slice %arg7[%dma_wait3A_481, %dma_wait3A_486] : memref<25x80xi32, #tpu.memory_space<vmem>> -> memref<1x80xi32, #tpu.memory_space<vmem>>
      %dma_wait3A_488 = tpu.memref_squeeze %dma_wait3A_487 : memref<1x80xi32, #tpu.memory_space<vmem>> -> memref<80xi32, #tpu.memory_space<vmem>>
      %dma_wait3A_489 = arith.constant 0 : i32
      %dma_wait3A_490 = arith.constant 0 : i32
      %dma_wait3A_491 = tpu.memref_slice %arg5[%dma_wait3A_489, %dma_wait3A_490] : memref<10240x128xf32, #tpu.memory_space<vmem_shared>> -> memref<10240x128xf32, #tpu.memory_space<vmem_shared>>
      tpu.wait_indirect_dma semaphore(%arg11 : memref<!tpu.dma_semaphore, #tpu.memory_space<semaphore_mem>>) src(%dma_wait3A_485 : memref<80x128xf32, #tpu.memory_space<vmem>>) dst(%dma_wait3A_491 : memref<10240x128xf32, #tpu.memory_space<vmem_shared>>)
    }
    %scan3A_332 = arith.constant 5 : i32
    %barrier3A_333 = arith.constant 0 : index
    tpu.barrier barrier_id(%barrier3A_333)
    %mul3A_334 = arith.constant 640 : i32
    %mul3A_335 = arith.muli %arg1, %mul3A_334 : i32
    %mul3A_336 = arith.constant 640 : i32
    %mul3A_337 = arith.muli %arg1, %mul3A_336 : i32
    "tpu.region"() ({
      %run_scoped3A = tpu.sem_alloc : memref<!tpu.dma_semaphore, #tpu.memory_space<semaphore_mem>>
      %dma_start3A_338 = arith.constant 0 : i32
      %dma_start3A_339 = tpu.memref_slice %arg4[%arg0, %mul3A_337, %dma_start3A_338] : memref<2x10240x128xf32, #tpu.memory_space<hbm>> -> memref<1x640x128xf32, #tpu.memory_space<hbm>>
      %dma_start3A_340 = tpu.memref_squeeze %dma_start3A_339 : memref<1x640x128xf32, #tpu.memory_space<hbm>> -> memref<640x128xf32, #tpu.memory_space<hbm>>
      %dma_start3A_341 = arith.constant 0 : i32
      %dma_start3A_342 = tpu.memref_slice %arg5[%mul3A_335, %dma_start3A_341] : memref<10240x128xf32, #tpu.memory_space<vmem_shared>> -> memref<640x128xf32, #tpu.memory_space<vmem_shared>>
      tpu.enqueue_dma source(%dma_start3A_342 : memref<640x128xf32, #tpu.memory_space<vmem_shared>>) target(%dma_start3A_340 : memref<640x128xf32, #tpu.memory_space<hbm>>) target_semaphore(%run_scoped3A : memref<!tpu.dma_semaphore, #tpu.memory_space<semaphore_mem>>)
      %dma_wait3A_343 = arith.constant 0 : i32
      %dma_wait3A_344 = tpu.memref_slice %arg4[%arg0, %mul3A_337, %dma_wait3A_343] : memref<2x10240x128xf32, #tpu.memory_space<hbm>> -> memref<1x640x128xf32, #tpu.memory_space<hbm>>
      %dma_wait3A_345 = tpu.memref_squeeze %dma_wait3A_344 : memref<1x640x128xf32, #tpu.memory_space<hbm>> -> memref<640x128xf32, #tpu.memory_space<hbm>>
      %dma_wait3A_346 = arith.constant 0 : i32
      %dma_wait3A_347 = tpu.memref_slice %arg5[%mul3A_335, %dma_wait3A_346] : memref<10240x128xf32, #tpu.memory_space<vmem_shared>> -> memref<640x128xf32, #tpu.memory_space<vmem_shared>>
      tpu.wait_dma2 semaphore(%run_scoped3A : memref<!tpu.dma_semaphore, #tpu.memory_space<semaphore_mem>>) src(%dma_wait3A_347 : memref<640x128xf32, #tpu.memory_space<vmem_shared>>) dst(%dma_wait3A_345 : memref<640x128xf32, #tpu.memory_space<hbm>>)
      tpu.yield
    }) : () -> ()
    return
  }
}

#map = affine_map<(d0, d1) -> (0, 0)>
#map1 = affine_map<(d0, d1) -> (0, 0, 0)>
module attributes {stable_mosaic.version = 14 : i64} {
  func.func @agg(%arg0: i32, %arg1: i32, %arg2: memref<10000x128xf32, #tpu.memory_space<hbm>>, %arg3: memref<2x4000x80xi32, #tpu.memory_space<hbm>>, %arg4: memref<2x10240x128xf32, #tpu.memory_space<hbm>>, %arg5: memref<2x10240xf32, #tpu.memory_space<hbm>>, %arg6: memref<10240x128xf32, #tpu.memory_space<vmem_shared>>, %arg7: memref<25x80xi32, #tpu.memory_space<vmem>>, %arg8: memref<25x80xi32, #tpu.memory_space<vmem>>, %arg9: memref<3x80x128xf32, #tpu.memory_space<vmem>>, %arg10: memref<32x128xf32, #tpu.memory_space<vmem>>, %arg11: memref<!tpu.dma_semaphore, #tpu.memory_space<semaphore_mem>>, %arg12: memref<!tpu.dma_semaphore, #tpu.memory_space<semaphore_mem>>, %arg13: memref<10240xf32, #tpu.memory_space<vmem_shared>>, %arg14: memref<640xf32, #tpu.memory_space<vmem>>, %arg15: memref<!tpu.dma_semaphore, #tpu.memory_space<semaphore_mem>>) attributes {dimension_semantics = [#tpu.dimension_semantics<core_parallel>, #tpu.dimension_semantics<subcore_parallel>], iteration_bounds = array<i64: 2, 16>, scalar_prefetch = 0 : i64, scratch_operands = 10 : i64, tpu.core_type = #tpu.core_type<sc_vector_subcore>, window_params = [{transform_indices = #map}, {transform_indices = #map1}, {transform_indices = #map1}, {transform_indices = #map}]} {
    %broadcast_in_dim3A = arith.constant 0.000000e+00 : f32
    %broadcast_in_dim3A_0 = vector.broadcast %broadcast_in_dim3A : f32 to vector<16xf32>
    %scan3A = arith.constant 0 : i32
    %scan3A_1 = arith.constant 0 : i32
    %scan3A_2 = arith.constant 32 : i32
    %scan3A_3 = arith.addi %scan3A_1, %scan3A_2 : i32
    %scan3A_4 = arith.constant 1 : i32
    scf.for %scan3A_358 = %scan3A_1 to %scan3A_3 step %scan3A_4  : i32 {
      %scan3A_359 = arith.constant 0 : i32
      %scan3A_360 = arith.constant 8 : i32
      %scan3A_361 = arith.addi %scan3A_359, %scan3A_360 : i32
      %scan3A_362 = arith.constant 1 : i32
      scf.for %scan3A_364 = %scan3A_359 to %scan3A_361 step %scan3A_362  : i32 {
        %mul3A_365 = arith.constant 16 : i32
        %mul3A_366 = arith.muli %scan3A_364, %mul3A_365 : i32
        %swap3A = arith.index_cast %scan3A_358 : i32 to index
        %swap3A_367 = arith.index_cast %mul3A_366 : i32 to index
        %swap3A_368 = tpu.vector_load %arg10[%swap3A, %swap3A_367] {strides = array<i32>} : memref<32x128xf32, #tpu.memory_space<vmem>>, vector<1x16xf32>,
        %swap3A_369 = vector.shape_cast %swap3A_368 : vector<1x16xf32> to vector<16xf32>
        %swap3A_370 = vector.shape_cast %broadcast_in_dim3A_0 : vector<16xf32> to vector<1x16xf32>
        tpu.vector_store %arg10[%swap3A, %swap3A_367], %swap3A_370 {strides = array<i32>} : memref<32x128xf32, #tpu.memory_space<vmem>>, vector<1x16xf32>,
      }
      %scan3A_363 = arith.constant 8 : i32
    }
    %scan3A_5 = arith.constant 32 : i32
    %mul3A = arith.constant 640 : i32
    %mul3A_6 = arith.muli %arg1, %mul3A : i32
    %add3A = arith.constant 0 : i32
    %add3A_7 = arith.addi %mul3A_6, %add3A : i32
    %dma_start3A = arith.constant 0 : i32
    %dma_start3A_8 = tpu.memref_slice %arg6[%add3A_7, %dma_start3A] : memref<10240x128xf32, #tpu.memory_space<vmem_shared>> -> memref<32x128xf32, #tpu.memory_space<vmem_shared>>
    %dma_start3A_9 = arith.constant 0 : i32
    %dma_start3A_10 = tpu.memref_slice %arg6[%add3A_7, %dma_start3A_9] : memref<10240x128xf32, #tpu.memory_space<vmem_shared>> -> memref<32x128xf32, #tpu.memory_space<vmem_shared>>
    tpu.enqueue_dma source(%arg10 : memref<32x128xf32, #tpu.memory_space<vmem>>) target(%dma_start3A_10 : memref<32x128xf32, #tpu.memory_space<vmem_shared>>) target_semaphore(%arg12 : memref<!tpu.dma_semaphore, #tpu.memory_space<semaphore_mem>>)
    %mul3A_11 = arith.constant 640 : i32
    %mul3A_12 = arith.muli %arg1, %mul3A_11 : i32
    %add3A_13 = arith.constant 32 : i32
    %add3A_14 = arith.addi %mul3A_12, %add3A_13 : i32
    %dma_start3A_15 = arith.constant 0 : i32
    %dma_start3A_16 = tpu.memref_slice %arg6[%add3A_14, %dma_start3A_15] : memref<10240x128xf32, #tpu.memory_space<vmem_shared>> -> memref<32x128xf32, #tpu.memory_space<vmem_shared>>
    %dma_start3A_17 = arith.constant 0 : i32
    %dma_start3A_18 = tpu.memref_slice %arg6[%add3A_14, %dma_start3A_17] : memref<10240x128xf32, #tpu.memory_space<vmem_shared>> -> memref<32x128xf32, #tpu.memory_space<vmem_shared>>
    tpu.enqueue_dma source(%arg10 : memref<32x128xf32, #tpu.memory_space<vmem>>) target(%dma_start3A_18 : memref<32x128xf32, #tpu.memory_space<vmem_shared>>) target_semaphore(%arg12 : memref<!tpu.dma_semaphore, #tpu.memory_space<semaphore_mem>>)
    %mul3A_19 = arith.constant 640 : i32
    %mul3A_20 = arith.muli %arg1, %mul3A_19 : i32
    %add3A_21 = arith.constant 64 : i32
    %add3A_22 = arith.addi %mul3A_20, %add3A_21 : i32
    %dma_start3A_23 = arith.constant 0 : i32
    %dma_start3A_24 = tpu.memref_slice %arg6[%add3A_22, %dma_start3A_23] : memref<10240x128xf32, #tpu.memory_space<vmem_shared>> -> memref<32x128xf32, #tpu.memory_space<vmem_shared>>
    %dma_start3A_25 = arith.constant 0 : i32
    %dma_start3A_26 = tpu.memref_slice %arg6[%add3A_22, %dma_start3A_25] : memref<10240x128xf32, #tpu.memory_space<vmem_shared>> -> memref<32x128xf32, #tpu.memory_space<vmem_shared>>
    tpu.enqueue_dma source(%arg10 : memref<32x128xf32, #tpu.memory_space<vmem>>) target(%dma_start3A_26 : memref<32x128xf32, #tpu.memory_space<vmem_shared>>) target_semaphore(%arg12 : memref<!tpu.dma_semaphore, #tpu.memory_space<semaphore_mem>>)
    %mul3A_27 = arith.constant 640 : i32
    %mul3A_28 = arith.muli %arg1, %mul3A_27 : i32
    %add3A_29 = arith.constant 96 : i32
    %add3A_30 = arith.addi %mul3A_28, %add3A_29 : i32
    %dma_start3A_31 = arith.constant 0 : i32
    %dma_start3A_32 = tpu.memref_slice %arg6[%add3A_30, %dma_start3A_31] : memref<10240x128xf32, #tpu.memory_space<vmem_shared>> -> memref<32x128xf32, #tpu.memory_space<vmem_shared>>
    %dma_start3A_33 = arith.constant 0 : i32
    %dma_start3A_34 = tpu.memref_slice %arg6[%add3A_30, %dma_start3A_33] : memref<10240x128xf32, #tpu.memory_space<vmem_shared>> -> memref<32x128xf32, #tpu.memory_space<vmem_shared>>
    tpu.enqueue_dma source(%arg10 : memref<32x128xf32, #tpu.memory_space<vmem>>) target(%dma_start3A_34 : memref<32x128xf32, #tpu.memory_space<vmem_shared>>) target_semaphore(%arg12 : memref<!tpu.dma_semaphore, #tpu.memory_space<semaphore_mem>>)
    %mul3A_35 = arith.constant 640 : i32
    %mul3A_36 = arith.muli %arg1, %mul3A_35 : i32
    %add3A_37 = arith.constant 128 : i32
    %add3A_38 = arith.addi %mul3A_36, %add3A_37 : i32
    %dma_start3A_39 = arith.constant 0 : i32
    %dma_start3A_40 = tpu.memref_slice %arg6[%add3A_38, %dma_start3A_39] : memref<10240x128xf32, #tpu.memory_space<vmem_shared>> -> memref<32x128xf32, #tpu.memory_space<vmem_shared>>
    %dma_start3A_41 = arith.constant 0 : i32
    %dma_start3A_42 = tpu.memref_slice %arg6[%add3A_38, %dma_start3A_41] : memref<10240x128xf32, #tpu.memory_space<vmem_shared>> -> memref<32x128xf32, #tpu.memory_space<vmem_shared>>
    tpu.enqueue_dma source(%arg10 : memref<32x128xf32, #tpu.memory_space<vmem>>) target(%dma_start3A_42 : memref<32x128xf32, #tpu.memory_space<vmem_shared>>) target_semaphore(%arg12 : memref<!tpu.dma_semaphore, #tpu.memory_space<semaphore_mem>>)
    %mul3A_43 = arith.constant 640 : i32
    %mul3A_44 = arith.muli %arg1, %mul3A_43 : i32
    %add3A_45 = arith.constant 160 : i32
    %add3A_46 = arith.addi %mul3A_44, %add3A_45 : i32
    %dma_start3A_47 = arith.constant 0 : i32
    %dma_start3A_48 = tpu.memref_slice %arg6[%add3A_46, %dma_start3A_47] : memref<10240x128xf32, #tpu.memory_space<vmem_shared>> -> memref<32x128xf32, #tpu.memory_space<vmem_shared>>
    %dma_start3A_49 = arith.constant 0 : i32
    %dma_start3A_50 = tpu.memref_slice %arg6[%add3A_46, %dma_start3A_49] : memref<10240x128xf32, #tpu.memory_space<vmem_shared>> -> memref<32x128xf32, #tpu.memory_space<vmem_shared>>
    tpu.enqueue_dma source(%arg10 : memref<32x128xf32, #tpu.memory_space<vmem>>) target(%dma_start3A_50 : memref<32x128xf32, #tpu.memory_space<vmem_shared>>) target_semaphore(%arg12 : memref<!tpu.dma_semaphore, #tpu.memory_space<semaphore_mem>>)
    %mul3A_51 = arith.constant 640 : i32
    %mul3A_52 = arith.muli %arg1, %mul3A_51 : i32
    %add3A_53 = arith.constant 192 : i32
    %add3A_54 = arith.addi %mul3A_52, %add3A_53 : i32
    %dma_start3A_55 = arith.constant 0 : i32
    %dma_start3A_56 = tpu.memref_slice %arg6[%add3A_54, %dma_start3A_55] : memref<10240x128xf32, #tpu.memory_space<vmem_shared>> -> memref<32x128xf32, #tpu.memory_space<vmem_shared>>
    %dma_start3A_57 = arith.constant 0 : i32
    %dma_start3A_58 = tpu.memref_slice %arg6[%add3A_54, %dma_start3A_57] : memref<10240x128xf32, #tpu.memory_space<vmem_shared>> -> memref<32x128xf32, #tpu.memory_space<vmem_shared>>
    tpu.enqueue_dma source(%arg10 : memref<32x128xf32, #tpu.memory_space<vmem>>) target(%dma_start3A_58 : memref<32x128xf32, #tpu.memory_space<vmem_shared>>) target_semaphore(%arg12 : memref<!tpu.dma_semaphore, #tpu.memory_space<semaphore_mem>>)
    %mul3A_59 = arith.constant 640 : i32
    %mul3A_60 = arith.muli %arg1, %mul3A_59 : i32
    %add3A_61 = arith.constant 224 : i32
    %add3A_62 = arith.addi %mul3A_60, %add3A_61 : i32
    %dma_start3A_63 = arith.constant 0 : i32
    %dma_start3A_64 = tpu.memref_slice %arg6[%add3A_62, %dma_start3A_63] : memref<10240x128xf32, #tpu.memory_space<vmem_shared>> -> memref<32x128xf32, #tpu.memory_space<vmem_shared>>
    %dma_start3A_65 = arith.constant 0 : i32
    %dma_start3A_66 = tpu.memref_slice %arg6[%add3A_62, %dma_start3A_65] : memref<10240x128xf32, #tpu.memory_space<vmem_shared>> -> memref<32x128xf32, #tpu.memory_space<vmem_shared>>
    tpu.enqueue_dma source(%arg10 : memref<32x128xf32, #tpu.memory_space<vmem>>) target(%dma_start3A_66 : memref<32x128xf32, #tpu.memory_space<vmem_shared>>) target_semaphore(%arg12 : memref<!tpu.dma_semaphore, #tpu.memory_space<semaphore_mem>>)
    %mul3A_67 = arith.constant 640 : i32
    %mul3A_68 = arith.muli %arg1, %mul3A_67 : i32
    %add3A_69 = arith.constant 256 : i32
    %add3A_70 = arith.addi %mul3A_68, %add3A_69 : i32
    %dma_start3A_71 = arith.constant 0 : i32
    %dma_start3A_72 = tpu.memref_slice %arg6[%add3A_70, %dma_start3A_71] : memref<10240x128xf32, #tpu.memory_space<vmem_shared>> -> memref<32x128xf32, #tpu.memory_space<vmem_shared>>
    %dma_start3A_73 = arith.constant 0 : i32
    %dma_start3A_74 = tpu.memref_slice %arg6[%add3A_70, %dma_start3A_73] : memref<10240x128xf32, #tpu.memory_space<vmem_shared>> -> memref<32x128xf32, #tpu.memory_space<vmem_shared>>
    tpu.enqueue_dma source(%arg10 : memref<32x128xf32, #tpu.memory_space<vmem>>) target(%dma_start3A_74 : memref<32x128xf32, #tpu.memory_space<vmem_shared>>) target_semaphore(%arg12 : memref<!tpu.dma_semaphore, #tpu.memory_space<semaphore_mem>>)
    %mul3A_75 = arith.constant 640 : i32
    %mul3A_76 = arith.muli %arg1, %mul3A_75 : i32
    %add3A_77 = arith.constant 288 : i32
    %add3A_78 = arith.addi %mul3A_76, %add3A_77 : i32
    %dma_start3A_79 = arith.constant 0 : i32
    %dma_start3A_80 = tpu.memref_slice %arg6[%add3A_78, %dma_start3A_79] : memref<10240x128xf32, #tpu.memory_space<vmem_shared>> -> memref<32x128xf32, #tpu.memory_space<vmem_shared>>
    %dma_start3A_81 = arith.constant 0 : i32
    %dma_start3A_82 = tpu.memref_slice %arg6[%add3A_78, %dma_start3A_81] : memref<10240x128xf32, #tpu.memory_space<vmem_shared>> -> memref<32x128xf32, #tpu.memory_space<vmem_shared>>
    tpu.enqueue_dma source(%arg10 : memref<32x128xf32, #tpu.memory_space<vmem>>) target(%dma_start3A_82 : memref<32x128xf32, #tpu.memory_space<vmem_shared>>) target_semaphore(%arg12 : memref<!tpu.dma_semaphore, #tpu.memory_space<semaphore_mem>>)
    %mul3A_83 = arith.constant 640 : i32
    %mul3A_84 = arith.muli %arg1, %mul3A_83 : i32
    %add3A_85 = arith.constant 320 : i32
    %add3A_86 = arith.addi %mul3A_84, %add3A_85 : i32
    %dma_start3A_87 = arith.constant 0 : i32
    %dma_start3A_88 = tpu.memref_slice %arg6[%add3A_86, %dma_start3A_87] : memref<10240x128xf32, #tpu.memory_space<vmem_shared>> -> memref<32x128xf32, #tpu.memory_space<vmem_shared>>
    %dma_start3A_89 = arith.constant 0 : i32
    %dma_start3A_90 = tpu.memref_slice %arg6[%add3A_86, %dma_start3A_89] : memref<10240x128xf32, #tpu.memory_space<vmem_shared>> -> memref<32x128xf32, #tpu.memory_space<vmem_shared>>
    tpu.enqueue_dma source(%arg10 : memref<32x128xf32, #tpu.memory_space<vmem>>) target(%dma_start3A_90 : memref<32x128xf32, #tpu.memory_space<vmem_shared>>) target_semaphore(%arg12 : memref<!tpu.dma_semaphore, #tpu.memory_space<semaphore_mem>>)
    %mul3A_91 = arith.constant 640 : i32
    %mul3A_92 = arith.muli %arg1, %mul3A_91 : i32
    %add3A_93 = arith.constant 352 : i32
    %add3A_94 = arith.addi %mul3A_92, %add3A_93 : i32
    %dma_start3A_95 = arith.constant 0 : i32
    %dma_start3A_96 = tpu.memref_slice %arg6[%add3A_94, %dma_start3A_95] : memref<10240x128xf32, #tpu.memory_space<vmem_shared>> -> memref<32x128xf32, #tpu.memory_space<vmem_shared>>
    %dma_start3A_97 = arith.constant 0 : i32
    %dma_start3A_98 = tpu.memref_slice %arg6[%add3A_94, %dma_start3A_97] : memref<10240x128xf32, #tpu.memory_space<vmem_shared>> -> memref<32x128xf32, #tpu.memory_space<vmem_shared>>
    tpu.enqueue_dma source(%arg10 : memref<32x128xf32, #tpu.memory_space<vmem>>) target(%dma_start3A_98 : memref<32x128xf32, #tpu.memory_space<vmem_shared>>) target_semaphore(%arg12 : memref<!tpu.dma_semaphore, #tpu.memory_space<semaphore_mem>>)
    %mul3A_99 = arith.constant 640 : i32
    %mul3A_100 = arith.muli %arg1, %mul3A_99 : i32
    %add3A_101 = arith.constant 384 : i32
    %add3A_102 = arith.addi %mul3A_100, %add3A_101 : i32
    %dma_start3A_103 = arith.constant 0 : i32
    %dma_start3A_104 = tpu.memref_slice %arg6[%add3A_102, %dma_start3A_103] : memref<10240x128xf32, #tpu.memory_space<vmem_shared>> -> memref<32x128xf32, #tpu.memory_space<vmem_shared>>
    %dma_start3A_105 = arith.constant 0 : i32
    %dma_start3A_106 = tpu.memref_slice %arg6[%add3A_102, %dma_start3A_105] : memref<10240x128xf32, #tpu.memory_space<vmem_shared>> -> memref<32x128xf32, #tpu.memory_space<vmem_shared>>
    tpu.enqueue_dma source(%arg10 : memref<32x128xf32, #tpu.memory_space<vmem>>) target(%dma_start3A_106 : memref<32x128xf32, #tpu.memory_space<vmem_shared>>) target_semaphore(%arg12 : memref<!tpu.dma_semaphore, #tpu.memory_space<semaphore_mem>>)
    %mul3A_107 = arith.constant 640 : i32
    %mul3A_108 = arith.muli %arg1, %mul3A_107 : i32
    %add3A_109 = arith.constant 416 : i32
    %add3A_110 = arith.addi %mul3A_108, %add3A_109 : i32
    %dma_start3A_111 = arith.constant 0 : i32
    %dma_start3A_112 = tpu.memref_slice %arg6[%add3A_110, %dma_start3A_111] : memref<10240x128xf32, #tpu.memory_space<vmem_shared>> -> memref<32x128xf32, #tpu.memory_space<vmem_shared>>
    %dma_start3A_113 = arith.constant 0 : i32
    %dma_start3A_114 = tpu.memref_slice %arg6[%add3A_110, %dma_start3A_113] : memref<10240x128xf32, #tpu.memory_space<vmem_shared>> -> memref<32x128xf32, #tpu.memory_space<vmem_shared>>
    tpu.enqueue_dma source(%arg10 : memref<32x128xf32, #tpu.memory_space<vmem>>) target(%dma_start3A_114 : memref<32x128xf32, #tpu.memory_space<vmem_shared>>) target_semaphore(%arg12 : memref<!tpu.dma_semaphore, #tpu.memory_space<semaphore_mem>>)
    %mul3A_115 = arith.constant 640 : i32
    %mul3A_116 = arith.muli %arg1, %mul3A_115 : i32
    %add3A_117 = arith.constant 448 : i32
    %add3A_118 = arith.addi %mul3A_116, %add3A_117 : i32
    %dma_start3A_119 = arith.constant 0 : i32
    %dma_start3A_120 = tpu.memref_slice %arg6[%add3A_118, %dma_start3A_119] : memref<10240x128xf32, #tpu.memory_space<vmem_shared>> -> memref<32x128xf32, #tpu.memory_space<vmem_shared>>
    %dma_start3A_121 = arith.constant 0 : i32
    %dma_start3A_122 = tpu.memref_slice %arg6[%add3A_118, %dma_start3A_121] : memref<10240x128xf32, #tpu.memory_space<vmem_shared>> -> memref<32x128xf32, #tpu.memory_space<vmem_shared>>
    tpu.enqueue_dma source(%arg10 : memref<32x128xf32, #tpu.memory_space<vmem>>) target(%dma_start3A_122 : memref<32x128xf32, #tpu.memory_space<vmem_shared>>) target_semaphore(%arg12 : memref<!tpu.dma_semaphore, #tpu.memory_space<semaphore_mem>>)
    %mul3A_123 = arith.constant 640 : i32
    %mul3A_124 = arith.muli %arg1, %mul3A_123 : i32
    %add3A_125 = arith.constant 480 : i32
    %add3A_126 = arith.addi %mul3A_124, %add3A_125 : i32
    %dma_start3A_127 = arith.constant 0 : i32
    %dma_start3A_128 = tpu.memref_slice %arg6[%add3A_126, %dma_start3A_127] : memref<10240x128xf32, #tpu.memory_space<vmem_shared>> -> memref<32x128xf32, #tpu.memory_space<vmem_shared>>
    %dma_start3A_129 = arith.constant 0 : i32
    %dma_start3A_130 = tpu.memref_slice %arg6[%add3A_126, %dma_start3A_129] : memref<10240x128xf32, #tpu.memory_space<vmem_shared>> -> memref<32x128xf32, #tpu.memory_space<vmem_shared>>
    tpu.enqueue_dma source(%arg10 : memref<32x128xf32, #tpu.memory_space<vmem>>) target(%dma_start3A_130 : memref<32x128xf32, #tpu.memory_space<vmem_shared>>) target_semaphore(%arg12 : memref<!tpu.dma_semaphore, #tpu.memory_space<semaphore_mem>>)
    %mul3A_131 = arith.constant 640 : i32
    %mul3A_132 = arith.muli %arg1, %mul3A_131 : i32
    %add3A_133 = arith.constant 512 : i32
    %add3A_134 = arith.addi %mul3A_132, %add3A_133 : i32
    %dma_start3A_135 = arith.constant 0 : i32
    %dma_start3A_136 = tpu.memref_slice %arg6[%add3A_134, %dma_start3A_135] : memref<10240x128xf32, #tpu.memory_space<vmem_shared>> -> memref<32x128xf32, #tpu.memory_space<vmem_shared>>
    %dma_start3A_137 = arith.constant 0 : i32
    %dma_start3A_138 = tpu.memref_slice %arg6[%add3A_134, %dma_start3A_137] : memref<10240x128xf32, #tpu.memory_space<vmem_shared>> -> memref<32x128xf32, #tpu.memory_space<vmem_shared>>
    tpu.enqueue_dma source(%arg10 : memref<32x128xf32, #tpu.memory_space<vmem>>) target(%dma_start3A_138 : memref<32x128xf32, #tpu.memory_space<vmem_shared>>) target_semaphore(%arg12 : memref<!tpu.dma_semaphore, #tpu.memory_space<semaphore_mem>>)
    %mul3A_139 = arith.constant 640 : i32
    %mul3A_140 = arith.muli %arg1, %mul3A_139 : i32
    %add3A_141 = arith.constant 544 : i32
    %add3A_142 = arith.addi %mul3A_140, %add3A_141 : i32
    %dma_start3A_143 = arith.constant 0 : i32
    %dma_start3A_144 = tpu.memref_slice %arg6[%add3A_142, %dma_start3A_143] : memref<10240x128xf32, #tpu.memory_space<vmem_shared>> -> memref<32x128xf32, #tpu.memory_space<vmem_shared>>
    %dma_start3A_145 = arith.constant 0 : i32
    %dma_start3A_146 = tpu.memref_slice %arg6[%add3A_142, %dma_start3A_145] : memref<10240x128xf32, #tpu.memory_space<vmem_shared>> -> memref<32x128xf32, #tpu.memory_space<vmem_shared>>
    tpu.enqueue_dma source(%arg10 : memref<32x128xf32, #tpu.memory_space<vmem>>) target(%dma_start3A_146 : memref<32x128xf32, #tpu.memory_space<vmem_shared>>) target_semaphore(%arg12 : memref<!tpu.dma_semaphore, #tpu.memory_space<semaphore_mem>>)
    %mul3A_147 = arith.constant 640 : i32
    %mul3A_148 = arith.muli %arg1, %mul3A_147 : i32
    %add3A_149 = arith.constant 576 : i32
    %add3A_150 = arith.addi %mul3A_148, %add3A_149 : i32
    %dma_start3A_151 = arith.constant 0 : i32
    %dma_start3A_152 = tpu.memref_slice %arg6[%add3A_150, %dma_start3A_151] : memref<10240x128xf32, #tpu.memory_space<vmem_shared>> -> memref<32x128xf32, #tpu.memory_space<vmem_shared>>
    %dma_start3A_153 = arith.constant 0 : i32
    %dma_start3A_154 = tpu.memref_slice %arg6[%add3A_150, %dma_start3A_153] : memref<10240x128xf32, #tpu.memory_space<vmem_shared>> -> memref<32x128xf32, #tpu.memory_space<vmem_shared>>
    tpu.enqueue_dma source(%arg10 : memref<32x128xf32, #tpu.memory_space<vmem>>) target(%dma_start3A_154 : memref<32x128xf32, #tpu.memory_space<vmem_shared>>) target_semaphore(%arg12 : memref<!tpu.dma_semaphore, #tpu.memory_space<semaphore_mem>>)
    %mul3A_155 = arith.constant 640 : i32
    %mul3A_156 = arith.muli %arg1, %mul3A_155 : i32
    %add3A_157 = arith.constant 608 : i32
    %add3A_158 = arith.addi %mul3A_156, %add3A_157 : i32
    %dma_start3A_159 = arith.constant 0 : i32
    %dma_start3A_160 = tpu.memref_slice %arg6[%add3A_158, %dma_start3A_159] : memref<10240x128xf32, #tpu.memory_space<vmem_shared>> -> memref<32x128xf32, #tpu.memory_space<vmem_shared>>
    %dma_start3A_161 = arith.constant 0 : i32
    %dma_start3A_162 = tpu.memref_slice %arg6[%add3A_158, %dma_start3A_161] : memref<10240x128xf32, #tpu.memory_space<vmem_shared>> -> memref<32x128xf32, #tpu.memory_space<vmem_shared>>
    tpu.enqueue_dma source(%arg10 : memref<32x128xf32, #tpu.memory_space<vmem>>) target(%dma_start3A_162 : memref<32x128xf32, #tpu.memory_space<vmem_shared>>) target_semaphore(%arg12 : memref<!tpu.dma_semaphore, #tpu.memory_space<semaphore_mem>>)
    %scan3A_163 = arith.constant 0 : i32
    %scan3A_164 = arith.constant 0 : i32
    %scan3A_165 = arith.constant 40 : i32
    %scan3A_166 = arith.addi %scan3A_164, %scan3A_165 : i32
    %scan3A_167 = arith.constant 1 : i32
    scf.for %scan3A_358 = %scan3A_164 to %scan3A_166 step %scan3A_167  : i32 {
      %mul3A_359 = arith.constant 16 : i32
      %mul3A_360 = arith.muli %scan3A_358, %mul3A_359 : i32
      %swap3A = arith.index_cast %mul3A_360 : i32 to index
      %swap3A_361 = tpu.vector_load %arg14[%swap3A] {strides = array<i32>} : memref<640xf32, #tpu.memory_space<vmem>>, vector<16xf32>,
      %swap3A_362 = vector.shape_cast %swap3A_361 : vector<16xf32> to vector<16xf32>
      %swap3A_363 = vector.shape_cast %broadcast_in_dim3A_0 : vector<16xf32> to vector<16xf32>
      tpu.vector_store %arg14[%swap3A], %swap3A_363 {strides = array<i32>} : memref<640xf32, #tpu.memory_space<vmem>>, vector<16xf32>,
    }
    %scan3A_168 = arith.constant 40 : i32
    %mul3A_169 = arith.constant 640 : i32
    %mul3A_170 = arith.muli %arg1, %mul3A_169 : i32
    "tpu.region"() ({
      %run_scoped3A = tpu.sem_alloc : memref<!tpu.dma_semaphore, #tpu.memory_space<semaphore_mem>>
      %dma_start3A_358 = tpu.memref_slice %arg13[%mul3A_170] : memref<10240xf32, #tpu.memory_space<vmem_shared>> -> memref<640xf32, #tpu.memory_space<vmem_shared>>
      %dma_start3A_359 = tpu.memref_slice %arg13[%mul3A_170] : memref<10240xf32, #tpu.memory_space<vmem_shared>> -> memref<640xf32, #tpu.memory_space<vmem_shared>>
      tpu.enqueue_dma source(%arg14 : memref<640xf32, #tpu.memory_space<vmem>>) target(%dma_start3A_359 : memref<640xf32, #tpu.memory_space<vmem_shared>>) target_semaphore(%run_scoped3A : memref<!tpu.dma_semaphore, #tpu.memory_space<semaphore_mem>>)
      %dma_wait3A_360 = tpu.memref_slice %arg13[%mul3A_170] : memref<10240xf32, #tpu.memory_space<vmem_shared>> -> memref<640xf32, #tpu.memory_space<vmem_shared>>
      %dma_wait3A_361 = tpu.memref_slice %arg13[%mul3A_170] : memref<10240xf32, #tpu.memory_space<vmem_shared>> -> memref<640xf32, #tpu.memory_space<vmem_shared>>
      tpu.wait_dma2 semaphore(%run_scoped3A : memref<!tpu.dma_semaphore, #tpu.memory_space<semaphore_mem>>) src(%arg14 : memref<640xf32, #tpu.memory_space<vmem>>) dst(%dma_wait3A_361 : memref<640xf32, #tpu.memory_space<vmem_shared>>)
      tpu.yield
    }) : () -> ()
    %mul3A_171 = arith.constant 640 : i32
    %mul3A_172 = arith.muli %arg1, %mul3A_171 : i32
    %add3A_173 = arith.constant 0 : i32
    %add3A_174 = arith.addi %mul3A_172, %add3A_173 : i32
    %dma_wait3A = arith.constant 0 : i32
    %dma_wait3A_175 = tpu.memref_slice %arg6[%add3A_174, %dma_wait3A] : memref<10240x128xf32, #tpu.memory_space<vmem_shared>> -> memref<32x128xf32, #tpu.memory_space<vmem_shared>>
    %dma_wait3A_176 = arith.constant 0 : i32
    %dma_wait3A_177 = tpu.memref_slice %arg6[%add3A_174, %dma_wait3A_176] : memref<10240x128xf32, #tpu.memory_space<vmem_shared>> -> memref<32x128xf32, #tpu.memory_space<vmem_shared>>
    tpu.wait_dma2 semaphore(%arg12 : memref<!tpu.dma_semaphore, #tpu.memory_space<semaphore_mem>>) src(%arg10 : memref<32x128xf32, #tpu.memory_space<vmem>>) dst(%dma_wait3A_177 : memref<32x128xf32, #tpu.memory_space<vmem_shared>>)
    %mul3A_178 = arith.constant 640 : i32
    %mul3A_179 = arith.muli %arg1, %mul3A_178 : i32
    %add3A_180 = arith.constant 32 : i32
    %add3A_181 = arith.addi %mul3A_179, %add3A_180 : i32
    %dma_wait3A_182 = arith.constant 0 : i32
    %dma_wait3A_183 = tpu.memref_slice %arg6[%add3A_181, %dma_wait3A_182] : memref<10240x128xf32, #tpu.memory_space<vmem_shared>> -> memref<32x128xf32, #tpu.memory_space<vmem_shared>>
    %dma_wait3A_184 = arith.constant 0 : i32
    %dma_wait3A_185 = tpu.memref_slice %arg6[%add3A_181, %dma_wait3A_184] : memref<10240x128xf32, #tpu.memory_space<vmem_shared>> -> memref<32x128xf32, #tpu.memory_space<vmem_shared>>
    tpu.wait_dma2 semaphore(%arg12 : memref<!tpu.dma_semaphore, #tpu.memory_space<semaphore_mem>>) src(%arg10 : memref<32x128xf32, #tpu.memory_space<vmem>>) dst(%dma_wait3A_185 : memref<32x128xf32, #tpu.memory_space<vmem_shared>>)
    %mul3A_186 = arith.constant 640 : i32
    %mul3A_187 = arith.muli %arg1, %mul3A_186 : i32
    %add3A_188 = arith.constant 64 : i32
    %add3A_189 = arith.addi %mul3A_187, %add3A_188 : i32
    %dma_wait3A_190 = arith.constant 0 : i32
    %dma_wait3A_191 = tpu.memref_slice %arg6[%add3A_189, %dma_wait3A_190] : memref<10240x128xf32, #tpu.memory_space<vmem_shared>> -> memref<32x128xf32, #tpu.memory_space<vmem_shared>>
    %dma_wait3A_192 = arith.constant 0 : i32
    %dma_wait3A_193 = tpu.memref_slice %arg6[%add3A_189, %dma_wait3A_192] : memref<10240x128xf32, #tpu.memory_space<vmem_shared>> -> memref<32x128xf32, #tpu.memory_space<vmem_shared>>
    tpu.wait_dma2 semaphore(%arg12 : memref<!tpu.dma_semaphore, #tpu.memory_space<semaphore_mem>>) src(%arg10 : memref<32x128xf32, #tpu.memory_space<vmem>>) dst(%dma_wait3A_193 : memref<32x128xf32, #tpu.memory_space<vmem_shared>>)
    %mul3A_194 = arith.constant 640 : i32
    %mul3A_195 = arith.muli %arg1, %mul3A_194 : i32
    %add3A_196 = arith.constant 96 : i32
    %add3A_197 = arith.addi %mul3A_195, %add3A_196 : i32
    %dma_wait3A_198 = arith.constant 0 : i32
    %dma_wait3A_199 = tpu.memref_slice %arg6[%add3A_197, %dma_wait3A_198] : memref<10240x128xf32, #tpu.memory_space<vmem_shared>> -> memref<32x128xf32, #tpu.memory_space<vmem_shared>>
    %dma_wait3A_200 = arith.constant 0 : i32
    %dma_wait3A_201 = tpu.memref_slice %arg6[%add3A_197, %dma_wait3A_200] : memref<10240x128xf32, #tpu.memory_space<vmem_shared>> -> memref<32x128xf32, #tpu.memory_space<vmem_shared>>
    tpu.wait_dma2 semaphore(%arg12 : memref<!tpu.dma_semaphore, #tpu.memory_space<semaphore_mem>>) src(%arg10 : memref<32x128xf32, #tpu.memory_space<vmem>>) dst(%dma_wait3A_201 : memref<32x128xf32, #tpu.memory_space<vmem_shared>>)
    %mul3A_202 = arith.constant 640 : i32
    %mul3A_203 = arith.muli %arg1, %mul3A_202 : i32
    %add3A_204 = arith.constant 128 : i32
    %add3A_205 = arith.addi %mul3A_203, %add3A_204 : i32
    %dma_wait3A_206 = arith.constant 0 : i32
    %dma_wait3A_207 = tpu.memref_slice %arg6[%add3A_205, %dma_wait3A_206] : memref<10240x128xf32, #tpu.memory_space<vmem_shared>> -> memref<32x128xf32, #tpu.memory_space<vmem_shared>>
    %dma_wait3A_208 = arith.constant 0 : i32
    %dma_wait3A_209 = tpu.memref_slice %arg6[%add3A_205, %dma_wait3A_208] : memref<10240x128xf32, #tpu.memory_space<vmem_shared>> -> memref<32x128xf32, #tpu.memory_space<vmem_shared>>
    tpu.wait_dma2 semaphore(%arg12 : memref<!tpu.dma_semaphore, #tpu.memory_space<semaphore_mem>>) src(%arg10 : memref<32x128xf32, #tpu.memory_space<vmem>>) dst(%dma_wait3A_209 : memref<32x128xf32, #tpu.memory_space<vmem_shared>>)
    %mul3A_210 = arith.constant 640 : i32
    %mul3A_211 = arith.muli %arg1, %mul3A_210 : i32
    %add3A_212 = arith.constant 160 : i32
    %add3A_213 = arith.addi %mul3A_211, %add3A_212 : i32
    %dma_wait3A_214 = arith.constant 0 : i32
    %dma_wait3A_215 = tpu.memref_slice %arg6[%add3A_213, %dma_wait3A_214] : memref<10240x128xf32, #tpu.memory_space<vmem_shared>> -> memref<32x128xf32, #tpu.memory_space<vmem_shared>>
    %dma_wait3A_216 = arith.constant 0 : i32
    %dma_wait3A_217 = tpu.memref_slice %arg6[%add3A_213, %dma_wait3A_216] : memref<10240x128xf32, #tpu.memory_space<vmem_shared>> -> memref<32x128xf32, #tpu.memory_space<vmem_shared>>
    tpu.wait_dma2 semaphore(%arg12 : memref<!tpu.dma_semaphore, #tpu.memory_space<semaphore_mem>>) src(%arg10 : memref<32x128xf32, #tpu.memory_space<vmem>>) dst(%dma_wait3A_217 : memref<32x128xf32, #tpu.memory_space<vmem_shared>>)
    %mul3A_218 = arith.constant 640 : i32
    %mul3A_219 = arith.muli %arg1, %mul3A_218 : i32
    %add3A_220 = arith.constant 192 : i32
    %add3A_221 = arith.addi %mul3A_219, %add3A_220 : i32
    %dma_wait3A_222 = arith.constant 0 : i32
    %dma_wait3A_223 = tpu.memref_slice %arg6[%add3A_221, %dma_wait3A_222] : memref<10240x128xf32, #tpu.memory_space<vmem_shared>> -> memref<32x128xf32, #tpu.memory_space<vmem_shared>>
    %dma_wait3A_224 = arith.constant 0 : i32
    %dma_wait3A_225 = tpu.memref_slice %arg6[%add3A_221, %dma_wait3A_224] : memref<10240x128xf32, #tpu.memory_space<vmem_shared>> -> memref<32x128xf32, #tpu.memory_space<vmem_shared>>
    tpu.wait_dma2 semaphore(%arg12 : memref<!tpu.dma_semaphore, #tpu.memory_space<semaphore_mem>>) src(%arg10 : memref<32x128xf32, #tpu.memory_space<vmem>>) dst(%dma_wait3A_225 : memref<32x128xf32, #tpu.memory_space<vmem_shared>>)
    %mul3A_226 = arith.constant 640 : i32
    %mul3A_227 = arith.muli %arg1, %mul3A_226 : i32
    %add3A_228 = arith.constant 224 : i32
    %add3A_229 = arith.addi %mul3A_227, %add3A_228 : i32
    %dma_wait3A_230 = arith.constant 0 : i32
    %dma_wait3A_231 = tpu.memref_slice %arg6[%add3A_229, %dma_wait3A_230] : memref<10240x128xf32, #tpu.memory_space<vmem_shared>> -> memref<32x128xf32, #tpu.memory_space<vmem_shared>>
    %dma_wait3A_232 = arith.constant 0 : i32
    %dma_wait3A_233 = tpu.memref_slice %arg6[%add3A_229, %dma_wait3A_232] : memref<10240x128xf32, #tpu.memory_space<vmem_shared>> -> memref<32x128xf32, #tpu.memory_space<vmem_shared>>
    tpu.wait_dma2 semaphore(%arg12 : memref<!tpu.dma_semaphore, #tpu.memory_space<semaphore_mem>>) src(%arg10 : memref<32x128xf32, #tpu.memory_space<vmem>>) dst(%dma_wait3A_233 : memref<32x128xf32, #tpu.memory_space<vmem_shared>>)
    %mul3A_234 = arith.constant 640 : i32
    %mul3A_235 = arith.muli %arg1, %mul3A_234 : i32
    %add3A_236 = arith.constant 256 : i32
    %add3A_237 = arith.addi %mul3A_235, %add3A_236 : i32
    %dma_wait3A_238 = arith.constant 0 : i32
    %dma_wait3A_239 = tpu.memref_slice %arg6[%add3A_237, %dma_wait3A_238] : memref<10240x128xf32, #tpu.memory_space<vmem_shared>> -> memref<32x128xf32, #tpu.memory_space<vmem_shared>>
    %dma_wait3A_240 = arith.constant 0 : i32
    %dma_wait3A_241 = tpu.memref_slice %arg6[%add3A_237, %dma_wait3A_240] : memref<10240x128xf32, #tpu.memory_space<vmem_shared>> -> memref<32x128xf32, #tpu.memory_space<vmem_shared>>
    tpu.wait_dma2 semaphore(%arg12 : memref<!tpu.dma_semaphore, #tpu.memory_space<semaphore_mem>>) src(%arg10 : memref<32x128xf32, #tpu.memory_space<vmem>>) dst(%dma_wait3A_241 : memref<32x128xf32, #tpu.memory_space<vmem_shared>>)
    %mul3A_242 = arith.constant 640 : i32
    %mul3A_243 = arith.muli %arg1, %mul3A_242 : i32
    %add3A_244 = arith.constant 288 : i32
    %add3A_245 = arith.addi %mul3A_243, %add3A_244 : i32
    %dma_wait3A_246 = arith.constant 0 : i32
    %dma_wait3A_247 = tpu.memref_slice %arg6[%add3A_245, %dma_wait3A_246] : memref<10240x128xf32, #tpu.memory_space<vmem_shared>> -> memref<32x128xf32, #tpu.memory_space<vmem_shared>>
    %dma_wait3A_248 = arith.constant 0 : i32
    %dma_wait3A_249 = tpu.memref_slice %arg6[%add3A_245, %dma_wait3A_248] : memref<10240x128xf32, #tpu.memory_space<vmem_shared>> -> memref<32x128xf32, #tpu.memory_space<vmem_shared>>
    tpu.wait_dma2 semaphore(%arg12 : memref<!tpu.dma_semaphore, #tpu.memory_space<semaphore_mem>>) src(%arg10 : memref<32x128xf32, #tpu.memory_space<vmem>>) dst(%dma_wait3A_249 : memref<32x128xf32, #tpu.memory_space<vmem_shared>>)
    %mul3A_250 = arith.constant 640 : i32
    %mul3A_251 = arith.muli %arg1, %mul3A_250 : i32
    %add3A_252 = arith.constant 320 : i32
    %add3A_253 = arith.addi %mul3A_251, %add3A_252 : i32
    %dma_wait3A_254 = arith.constant 0 : i32
    %dma_wait3A_255 = tpu.memref_slice %arg6[%add3A_253, %dma_wait3A_254] : memref<10240x128xf32, #tpu.memory_space<vmem_shared>> -> memref<32x128xf32, #tpu.memory_space<vmem_shared>>
    %dma_wait3A_256 = arith.constant 0 : i32
    %dma_wait3A_257 = tpu.memref_slice %arg6[%add3A_253, %dma_wait3A_256] : memref<10240x128xf32, #tpu.memory_space<vmem_shared>> -> memref<32x128xf32, #tpu.memory_space<vmem_shared>>
    tpu.wait_dma2 semaphore(%arg12 : memref<!tpu.dma_semaphore, #tpu.memory_space<semaphore_mem>>) src(%arg10 : memref<32x128xf32, #tpu.memory_space<vmem>>) dst(%dma_wait3A_257 : memref<32x128xf32, #tpu.memory_space<vmem_shared>>)
    %mul3A_258 = arith.constant 640 : i32
    %mul3A_259 = arith.muli %arg1, %mul3A_258 : i32
    %add3A_260 = arith.constant 352 : i32
    %add3A_261 = arith.addi %mul3A_259, %add3A_260 : i32
    %dma_wait3A_262 = arith.constant 0 : i32
    %dma_wait3A_263 = tpu.memref_slice %arg6[%add3A_261, %dma_wait3A_262] : memref<10240x128xf32, #tpu.memory_space<vmem_shared>> -> memref<32x128xf32, #tpu.memory_space<vmem_shared>>
    %dma_wait3A_264 = arith.constant 0 : i32
    %dma_wait3A_265 = tpu.memref_slice %arg6[%add3A_261, %dma_wait3A_264] : memref<10240x128xf32, #tpu.memory_space<vmem_shared>> -> memref<32x128xf32, #tpu.memory_space<vmem_shared>>
    tpu.wait_dma2 semaphore(%arg12 : memref<!tpu.dma_semaphore, #tpu.memory_space<semaphore_mem>>) src(%arg10 : memref<32x128xf32, #tpu.memory_space<vmem>>) dst(%dma_wait3A_265 : memref<32x128xf32, #tpu.memory_space<vmem_shared>>)
    %mul3A_266 = arith.constant 640 : i32
    %mul3A_267 = arith.muli %arg1, %mul3A_266 : i32
    %add3A_268 = arith.constant 384 : i32
    %add3A_269 = arith.addi %mul3A_267, %add3A_268 : i32
    %dma_wait3A_270 = arith.constant 0 : i32
    %dma_wait3A_271 = tpu.memref_slice %arg6[%add3A_269, %dma_wait3A_270] : memref<10240x128xf32, #tpu.memory_space<vmem_shared>> -> memref<32x128xf32, #tpu.memory_space<vmem_shared>>
    %dma_wait3A_272 = arith.constant 0 : i32
    %dma_wait3A_273 = tpu.memref_slice %arg6[%add3A_269, %dma_wait3A_272] : memref<10240x128xf32, #tpu.memory_space<vmem_shared>> -> memref<32x128xf32, #tpu.memory_space<vmem_shared>>
    tpu.wait_dma2 semaphore(%arg12 : memref<!tpu.dma_semaphore, #tpu.memory_space<semaphore_mem>>) src(%arg10 : memref<32x128xf32, #tpu.memory_space<vmem>>) dst(%dma_wait3A_273 : memref<32x128xf32, #tpu.memory_space<vmem_shared>>)
    %mul3A_274 = arith.constant 640 : i32
    %mul3A_275 = arith.muli %arg1, %mul3A_274 : i32
    %add3A_276 = arith.constant 416 : i32
    %add3A_277 = arith.addi %mul3A_275, %add3A_276 : i32
    %dma_wait3A_278 = arith.constant 0 : i32
    %dma_wait3A_279 = tpu.memref_slice %arg6[%add3A_277, %dma_wait3A_278] : memref<10240x128xf32, #tpu.memory_space<vmem_shared>> -> memref<32x128xf32, #tpu.memory_space<vmem_shared>>
    %dma_wait3A_280 = arith.constant 0 : i32
    %dma_wait3A_281 = tpu.memref_slice %arg6[%add3A_277, %dma_wait3A_280] : memref<10240x128xf32, #tpu.memory_space<vmem_shared>> -> memref<32x128xf32, #tpu.memory_space<vmem_shared>>
    tpu.wait_dma2 semaphore(%arg12 : memref<!tpu.dma_semaphore, #tpu.memory_space<semaphore_mem>>) src(%arg10 : memref<32x128xf32, #tpu.memory_space<vmem>>) dst(%dma_wait3A_281 : memref<32x128xf32, #tpu.memory_space<vmem_shared>>)
    %mul3A_282 = arith.constant 640 : i32
    %mul3A_283 = arith.muli %arg1, %mul3A_282 : i32
    %add3A_284 = arith.constant 448 : i32
    %add3A_285 = arith.addi %mul3A_283, %add3A_284 : i32
    %dma_wait3A_286 = arith.constant 0 : i32
    %dma_wait3A_287 = tpu.memref_slice %arg6[%add3A_285, %dma_wait3A_286] : memref<10240x128xf32, #tpu.memory_space<vmem_shared>> -> memref<32x128xf32, #tpu.memory_space<vmem_shared>>
    %dma_wait3A_288 = arith.constant 0 : i32
    %dma_wait3A_289 = tpu.memref_slice %arg6[%add3A_285, %dma_wait3A_288] : memref<10240x128xf32, #tpu.memory_space<vmem_shared>> -> memref<32x128xf32, #tpu.memory_space<vmem_shared>>
    tpu.wait_dma2 semaphore(%arg12 : memref<!tpu.dma_semaphore, #tpu.memory_space<semaphore_mem>>) src(%arg10 : memref<32x128xf32, #tpu.memory_space<vmem>>) dst(%dma_wait3A_289 : memref<32x128xf32, #tpu.memory_space<vmem_shared>>)
    %mul3A_290 = arith.constant 640 : i32
    %mul3A_291 = arith.muli %arg1, %mul3A_290 : i32
    %add3A_292 = arith.constant 480 : i32
    %add3A_293 = arith.addi %mul3A_291, %add3A_292 : i32
    %dma_wait3A_294 = arith.constant 0 : i32
    %dma_wait3A_295 = tpu.memref_slice %arg6[%add3A_293, %dma_wait3A_294] : memref<10240x128xf32, #tpu.memory_space<vmem_shared>> -> memref<32x128xf32, #tpu.memory_space<vmem_shared>>
    %dma_wait3A_296 = arith.constant 0 : i32
    %dma_wait3A_297 = tpu.memref_slice %arg6[%add3A_293, %dma_wait3A_296] : memref<10240x128xf32, #tpu.memory_space<vmem_shared>> -> memref<32x128xf32, #tpu.memory_space<vmem_shared>>
    tpu.wait_dma2 semaphore(%arg12 : memref<!tpu.dma_semaphore, #tpu.memory_space<semaphore_mem>>) src(%arg10 : memref<32x128xf32, #tpu.memory_space<vmem>>) dst(%dma_wait3A_297 : memref<32x128xf32, #tpu.memory_space<vmem_shared>>)
    %mul3A_298 = arith.constant 640 : i32
    %mul3A_299 = arith.muli %arg1, %mul3A_298 : i32
    %add3A_300 = arith.constant 512 : i32
    %add3A_301 = arith.addi %mul3A_299, %add3A_300 : i32
    %dma_wait3A_302 = arith.constant 0 : i32
    %dma_wait3A_303 = tpu.memref_slice %arg6[%add3A_301, %dma_wait3A_302] : memref<10240x128xf32, #tpu.memory_space<vmem_shared>> -> memref<32x128xf32, #tpu.memory_space<vmem_shared>>
    %dma_wait3A_304 = arith.constant 0 : i32
    %dma_wait3A_305 = tpu.memref_slice %arg6[%add3A_301, %dma_wait3A_304] : memref<10240x128xf32, #tpu.memory_space<vmem_shared>> -> memref<32x128xf32, #tpu.memory_space<vmem_shared>>
    tpu.wait_dma2 semaphore(%arg12 : memref<!tpu.dma_semaphore, #tpu.memory_space<semaphore_mem>>) src(%arg10 : memref<32x128xf32, #tpu.memory_space<vmem>>) dst(%dma_wait3A_305 : memref<32x128xf32, #tpu.memory_space<vmem_shared>>)
    %mul3A_306 = arith.constant 640 : i32
    %mul3A_307 = arith.muli %arg1, %mul3A_306 : i32
    %add3A_308 = arith.constant 544 : i32
    %add3A_309 = arith.addi %mul3A_307, %add3A_308 : i32
    %dma_wait3A_310 = arith.constant 0 : i32
    %dma_wait3A_311 = tpu.memref_slice %arg6[%add3A_309, %dma_wait3A_310] : memref<10240x128xf32, #tpu.memory_space<vmem_shared>> -> memref<32x128xf32, #tpu.memory_space<vmem_shared>>
    %dma_wait3A_312 = arith.constant 0 : i32
    %dma_wait3A_313 = tpu.memref_slice %arg6[%add3A_309, %dma_wait3A_312] : memref<10240x128xf32, #tpu.memory_space<vmem_shared>> -> memref<32x128xf32, #tpu.memory_space<vmem_shared>>
    tpu.wait_dma2 semaphore(%arg12 : memref<!tpu.dma_semaphore, #tpu.memory_space<semaphore_mem>>) src(%arg10 : memref<32x128xf32, #tpu.memory_space<vmem>>) dst(%dma_wait3A_313 : memref<32x128xf32, #tpu.memory_space<vmem_shared>>)
    %mul3A_314 = arith.constant 640 : i32
    %mul3A_315 = arith.muli %arg1, %mul3A_314 : i32
    %add3A_316 = arith.constant 576 : i32
    %add3A_317 = arith.addi %mul3A_315, %add3A_316 : i32
    %dma_wait3A_318 = arith.constant 0 : i32
    %dma_wait3A_319 = tpu.memref_slice %arg6[%add3A_317, %dma_wait3A_318] : memref<10240x128xf32, #tpu.memory_space<vmem_shared>> -> memref<32x128xf32, #tpu.memory_space<vmem_shared>>
    %dma_wait3A_320 = arith.constant 0 : i32
    %dma_wait3A_321 = tpu.memref_slice %arg6[%add3A_317, %dma_wait3A_320] : memref<10240x128xf32, #tpu.memory_space<vmem_shared>> -> memref<32x128xf32, #tpu.memory_space<vmem_shared>>
    tpu.wait_dma2 semaphore(%arg12 : memref<!tpu.dma_semaphore, #tpu.memory_space<semaphore_mem>>) src(%arg10 : memref<32x128xf32, #tpu.memory_space<vmem>>) dst(%dma_wait3A_321 : memref<32x128xf32, #tpu.memory_space<vmem_shared>>)
    %mul3A_322 = arith.constant 640 : i32
    %mul3A_323 = arith.muli %arg1, %mul3A_322 : i32
    %add3A_324 = arith.constant 608 : i32
    %add3A_325 = arith.addi %mul3A_323, %add3A_324 : i32
    %dma_wait3A_326 = arith.constant 0 : i32
    %dma_wait3A_327 = tpu.memref_slice %arg6[%add3A_325, %dma_wait3A_326] : memref<10240x128xf32, #tpu.memory_space<vmem_shared>> -> memref<32x128xf32, #tpu.memory_space<vmem_shared>>
    %dma_wait3A_328 = arith.constant 0 : i32
    %dma_wait3A_329 = tpu.memref_slice %arg6[%add3A_325, %dma_wait3A_328] : memref<10240x128xf32, #tpu.memory_space<vmem_shared>> -> memref<32x128xf32, #tpu.memory_space<vmem_shared>>
    tpu.wait_dma2 semaphore(%arg12 : memref<!tpu.dma_semaphore, #tpu.memory_space<semaphore_mem>>) src(%arg10 : memref<32x128xf32, #tpu.memory_space<vmem>>) dst(%dma_wait3A_329 : memref<32x128xf32, #tpu.memory_space<vmem_shared>>)
    %barrier3A = arith.constant 0 : index
    tpu.barrier barrier_id(%barrier3A)
    %broadcast_in_dim3A_330 = arith.constant 1.000000e+00 : f32
    %broadcast_in_dim3A_331 = vector.broadcast %broadcast_in_dim3A_330 : f32 to vector<16xf32>
    %scan3A_332 = arith.constant 0 : i32
    %scan3A_333 = arith.constant 0 : i32
    %scan3A_334 = arith.constant 5 : i32
    %scan3A_335 = arith.addi %scan3A_333, %scan3A_334 : i32
    %scan3A_336 = arith.constant 1 : i32
    scf.for %scan3A_358 = %scan3A_333 to %scan3A_335 step %scan3A_336  : i32 {
      %mul3A_359 = arith.constant 16 : i32
      %mul3A_360 = arith.muli %scan3A_358, %mul3A_359 : i32
      %swap3A = arith.index_cast %mul3A_360 : i32 to index
      %swap3A_361 = tpu.vector_load %arg14[%swap3A] {strides = array<i32>} : memref<640xf32, #tpu.memory_space<vmem>>, vector<16xf32>,
      %swap3A_362 = vector.shape_cast %swap3A_361 : vector<16xf32> to vector<16xf32>
      %swap3A_363 = vector.shape_cast %broadcast_in_dim3A_331 : vector<16xf32> to vector<16xf32>
      tpu.vector_store %arg14[%swap3A], %swap3A_363 {strides = array<i32>} : memref<640xf32, #tpu.memory_space<vmem>>, vector<16xf32>,
    }
    %scan3A_337 = arith.constant 5 : i32
    %mul3A_338 = arith.constant 16 : i32
    %mul3A_339 = arith.muli %arg0, %mul3A_338 : i32
    %add3A_340 = arith.addi %mul3A_339, %arg1 : i32
    %mul3A_341 = arith.constant 125 : i32
    %mul3A_342 = arith.muli %add3A_340, %mul3A_341 : i32
    %scan3A_343 = arith.constant 0 : i32
    %scan3A_344 = arith.constant 0 : i32
    %scan3A_345 = arith.constant 5 : i32
    %scan3A_346 = arith.addi %scan3A_344, %scan3A_345 : i32
    %scan3A_347 = arith.constant 1 : i32
    scf.for %scan3A_358 = %scan3A_344 to %scan3A_346 step %scan3A_347  : i32 {
      %mul3A_359 = arith.constant 25 : i32
      %mul3A_360 = arith.muli %scan3A_358, %mul3A_359 : i32
      %add3A_361 = arith.addi %mul3A_342, %mul3A_360 : i32
      %run_scoped3A = arith.constant 0 : i32
      "tpu.region"() ({
        %run_scoped3A_541 = tpu.sem_alloc : memref<!tpu.dma_semaphore, #tpu.memory_space<semaphore_mem>>
        %dma_start3A_542 = arith.constant 0 : i32
        %dma_start3A_543 = tpu.memref_slice %arg3[%run_scoped3A, %add3A_361, %dma_start3A_542] : memref<2x4000x80xi32, #tpu.memory_space<hbm>> -> memref<1x25x80xi32, #tpu.memory_space<hbm>>
        %dma_start3A_544 = tpu.memref_squeeze %dma_start3A_543 : memref<1x25x80xi32, #tpu.memory_space<hbm>> -> memref<25x80xi32, #tpu.memory_space<hbm>>
        %dma_start3A_545 = arith.constant 0 : i32
        %dma_start3A_546 = tpu.memref_slice %arg3[%run_scoped3A, %add3A_361, %dma_start3A_545] : memref<2x4000x80xi32, #tpu.memory_space<hbm>> -> memref<1x25x80xi32, #tpu.memory_space<hbm>>
        %dma_start3A_547 = tpu.memref_squeeze %dma_start3A_546 : memref<1x25x80xi32, #tpu.memory_space<hbm>> -> memref<25x80xi32, #tpu.memory_space<hbm>>
        tpu.enqueue_dma source(%dma_start3A_547 : memref<25x80xi32, #tpu.memory_space<hbm>>) target(%arg7 : memref<25x80xi32, #tpu.memory_space<vmem>>) target_semaphore(%run_scoped3A_541 : memref<!tpu.dma_semaphore, #tpu.memory_space<semaphore_mem>>)
        %dma_wait3A_548 = arith.constant 0 : i32
        %dma_wait3A_549 = tpu.memref_slice %arg3[%run_scoped3A, %add3A_361, %dma_wait3A_548] : memref<2x4000x80xi32, #tpu.memory_space<hbm>> -> memref<1x25x80xi32, #tpu.memory_space<hbm>>
        %dma_wait3A_550 = tpu.memref_squeeze %dma_wait3A_549 : memref<1x25x80xi32, #tpu.memory_space<hbm>> -> memref<25x80xi32, #tpu.memory_space<hbm>>
        %dma_wait3A_551 = arith.constant 0 : i32
        %dma_wait3A_552 = tpu.memref_slice %arg3[%run_scoped3A, %add3A_361, %dma_wait3A_551] : memref<2x4000x80xi32, #tpu.memory_space<hbm>> -> memref<1x25x80xi32, #tpu.memory_space<hbm>>
        %dma_wait3A_553 = tpu.memref_squeeze %dma_wait3A_552 : memref<1x25x80xi32, #tpu.memory_space<hbm>> -> memref<25x80xi32, #tpu.memory_space<hbm>>
        tpu.wait_dma2 semaphore(%run_scoped3A_541 : memref<!tpu.dma_semaphore, #tpu.memory_space<semaphore_mem>>) src(%dma_wait3A_553 : memref<25x80xi32, #tpu.memory_space<hbm>>) dst(%arg7 : memref<25x80xi32, #tpu.memory_space<vmem>>)
        tpu.yield
      }) : () -> ()
      %run_scoped3A_362 = arith.constant 1 : i32
      "tpu.region"() ({
        %run_scoped3A_541 = tpu.sem_alloc : memref<!tpu.dma_semaphore, #tpu.memory_space<semaphore_mem>>
        %dma_start3A_542 = arith.constant 0 : i32
        %dma_start3A_543 = tpu.memref_slice %arg3[%run_scoped3A_362, %add3A_361, %dma_start3A_542] : memref<2x4000x80xi32, #tpu.memory_space<hbm>> -> memref<1x25x80xi32, #tpu.memory_space<hbm>>
        %dma_start3A_544 = tpu.memref_squeeze %dma_start3A_543 : memref<1x25x80xi32, #tpu.memory_space<hbm>> -> memref<25x80xi32, #tpu.memory_space<hbm>>
        %dma_start3A_545 = arith.constant 0 : i32
        %dma_start3A_546 = tpu.memref_slice %arg3[%run_scoped3A_362, %add3A_361, %dma_start3A_545] : memref<2x4000x80xi32, #tpu.memory_space<hbm>> -> memref<1x25x80xi32, #tpu.memory_space<hbm>>
        %dma_start3A_547 = tpu.memref_squeeze %dma_start3A_546 : memref<1x25x80xi32, #tpu.memory_space<hbm>> -> memref<25x80xi32, #tpu.memory_space<hbm>>
        tpu.enqueue_dma source(%dma_start3A_547 : memref<25x80xi32, #tpu.memory_space<hbm>>) target(%arg8 : memref<25x80xi32, #tpu.memory_space<vmem>>) target_semaphore(%run_scoped3A_541 : memref<!tpu.dma_semaphore, #tpu.memory_space<semaphore_mem>>)
        %dma_wait3A_548 = arith.constant 0 : i32
        %dma_wait3A_549 = tpu.memref_slice %arg3[%run_scoped3A_362, %add3A_361, %dma_wait3A_548] : memref<2x4000x80xi32, #tpu.memory_space<hbm>> -> memref<1x25x80xi32, #tpu.memory_space<hbm>>
        %dma_wait3A_550 = tpu.memref_squeeze %dma_wait3A_549 : memref<1x25x80xi32, #tpu.memory_space<hbm>> -> memref<25x80xi32, #tpu.memory_space<hbm>>
        %dma_wait3A_551 = arith.constant 0 : i32
        %dma_wait3A_552 = tpu.memref_slice %arg3[%run_scoped3A_362, %add3A_361, %dma_wait3A_551] : memref<2x4000x80xi32, #tpu.memory_space<hbm>> -> memref<1x25x80xi32, #tpu.memory_space<hbm>>
        %dma_wait3A_553 = tpu.memref_squeeze %dma_wait3A_552 : memref<1x25x80xi32, #tpu.memory_space<hbm>> -> memref<25x80xi32, #tpu.memory_space<hbm>>
        tpu.wait_dma2 semaphore(%run_scoped3A_541 : memref<!tpu.dma_semaphore, #tpu.memory_space<semaphore_mem>>) src(%dma_wait3A_553 : memref<25x80xi32, #tpu.memory_space<hbm>>) dst(%arg8 : memref<25x80xi32, #tpu.memory_space<vmem>>)
        tpu.yield
      }) : () -> ()
      %dma_start3A_363 = arith.constant 0 : i32
      %dma_start3A_364 = arith.constant 0 : i32
      %dma_start3A_365 = arith.constant 0 : i32
      %dma_start3A_366 = arith.constant 0 : i32
      %dma_start3A_367 = tpu.memref_slice %arg9[%dma_start3A_364, %dma_start3A_365, %dma_start3A_366] : memref<3x80x128xf32, #tpu.memory_space<vmem>> -> memref<1x80x128xf32, #tpu.memory_space<vmem>>
      %dma_start3A_368 = tpu.memref_squeeze %dma_start3A_367 : memref<1x80x128xf32, #tpu.memory_space<vmem>> -> memref<80x128xf32, #tpu.memory_space<vmem>>
      %dma_start3A_369 = arith.constant 0 : i32
      %dma_start3A_370 = tpu.memref_slice %arg7[%dma_start3A_363, %dma_start3A_369] : memref<25x80xi32, #tpu.memory_space<vmem>> -> memref<1x80xi32, #tpu.memory_space<vmem>>
      %dma_start3A_371 = tpu.memref_squeeze %dma_start3A_370 : memref<1x80xi32, #tpu.memory_space<vmem>> -> memref<80xi32, #tpu.memory_space<vmem>>
      %dma_start3A_372 = arith.constant 0 : i32
      %dma_start3A_373 = arith.constant 0 : i32
      %dma_start3A_374 = tpu.memref_slice %arg2[%dma_start3A_372, %dma_start3A_373] : memref<10000x128xf32, #tpu.memory_space<hbm>> -> memref<10000x128xf32, #tpu.memory_space<hbm>>
      tpu.enqueue_indirect_dma source(%dma_start3A_374 : memref<10000x128xf32, #tpu.memory_space<hbm>>) target(%dma_start3A_368 : memref<80x128xf32, #tpu.memory_space<vmem>>) offsets(%dma_start3A_371 : memref<80xi32, #tpu.memory_space<vmem>>) semaphore(%arg11 : memref<!tpu.dma_semaphore, #tpu.memory_space<semaphore_mem>>)
      %dma_start3A_375 = arith.constant 1 : i32
      %dma_start3A_376 = arith.constant 1 : i32
      %dma_start3A_377 = arith.constant 0 : i32
      %dma_start3A_378 = arith.constant 0 : i32
      %dma_start3A_379 = tpu.memref_slice %arg9[%dma_start3A_376, %dma_start3A_377, %dma_start3A_378] : memref<3x80x128xf32, #tpu.memory_space<vmem>> -> memref<1x80x128xf32, #tpu.memory_space<vmem>>
      %dma_start3A_380 = tpu.memref_squeeze %dma_start3A_379 : memref<1x80x128xf32, #tpu.memory_space<vmem>> -> memref<80x128xf32, #tpu.memory_space<vmem>>
      %dma_start3A_381 = arith.constant 0 : i32
      %dma_start3A_382 = tpu.memref_slice %arg7[%dma_start3A_375, %dma_start3A_381] : memref<25x80xi32, #tpu.memory_space<vmem>> -> memref<1x80xi32, #tpu.memory_space<vmem>>
      %dma_start3A_383 = tpu.memref_squeeze %dma_start3A_382 : memref<1x80xi32, #tpu.memory_space<vmem>> -> memref<80xi32, #tpu.memory_space<vmem>>
      %dma_start3A_384 = arith.constant 0 : i32
      %dma_start3A_385 = arith.constant 0 : i32
      %dma_start3A_386 = tpu.memref_slice %arg2[%dma_start3A_384, %dma_start3A_385] : memref<10000x128xf32, #tpu.memory_space<hbm>> -> memref<10000x128xf32, #tpu.memory_space<hbm>>
      tpu.enqueue_indirect_dma source(%dma_start3A_386 : memref<10000x128xf32, #tpu.memory_space<hbm>>) target(%dma_start3A_380 : memref<80x128xf32, #tpu.memory_space<vmem>>) offsets(%dma_start3A_383 : memref<80xi32, #tpu.memory_space<vmem>>) semaphore(%arg11 : memref<!tpu.dma_semaphore, #tpu.memory_space<semaphore_mem>>)
      %dma_wait3A_387 = arith.constant 0 : i32
      %dma_wait3A_388 = arith.constant 0 : i32
      %dma_wait3A_389 = arith.constant 0 : i32
      %dma_wait3A_390 = arith.constant 0 : i32
      %dma_wait3A_391 = tpu.memref_slice %arg9[%dma_wait3A_388, %dma_wait3A_389, %dma_wait3A_390] : memref<3x80x128xf32, #tpu.memory_space<vmem>> -> memref<1x80x128xf32, #tpu.memory_space<vmem>>
      %dma_wait3A_392 = tpu.memref_squeeze %dma_wait3A_391 : memref<1x80x128xf32, #tpu.memory_space<vmem>> -> memref<80x128xf32, #tpu.memory_space<vmem>>
      %dma_wait3A_393 = arith.constant 0 : i32
      %dma_wait3A_394 = tpu.memref_slice %arg7[%dma_wait3A_387, %dma_wait3A_393] : memref<25x80xi32, #tpu.memory_space<vmem>> -> memref<1x80xi32, #tpu.memory_space<vmem>>
      %dma_wait3A_395 = tpu.memref_squeeze %dma_wait3A_394 : memref<1x80xi32, #tpu.memory_space<vmem>> -> memref<80xi32, #tpu.memory_space<vmem>>
      %dma_wait3A_396 = arith.constant 0 : i32
      %dma_wait3A_397 = arith.constant 0 : i32
      %dma_wait3A_398 = tpu.memref_slice %arg2[%dma_wait3A_396, %dma_wait3A_397] : memref<10000x128xf32, #tpu.memory_space<hbm>> -> memref<10000x128xf32, #tpu.memory_space<hbm>>
      tpu.wait_indirect_dma semaphore(%arg11 : memref<!tpu.dma_semaphore, #tpu.memory_space<semaphore_mem>>) src(%dma_wait3A_398 : memref<10000x128xf32, #tpu.memory_space<hbm>>) dst(%dma_wait3A_392 : memref<80x128xf32, #tpu.memory_space<vmem>>)
      %dma_start3A_399 = arith.constant 0 : i32
      %dma_start3A_400 = arith.constant 0 : i32
      %dma_start3A_401 = arith.constant 0 : i32
      %dma_start3A_402 = arith.constant 0 : i32
      %dma_start3A_403 = tpu.memref_slice %arg9[%dma_start3A_399, %dma_start3A_401, %dma_start3A_402] : memref<3x80x128xf32, #tpu.memory_space<vmem>> -> memref<1x80x128xf32, #tpu.memory_space<vmem>>
      %dma_start3A_404 = tpu.memref_squeeze %dma_start3A_403 : memref<1x80x128xf32, #tpu.memory_space<vmem>> -> memref<80x128xf32, #tpu.memory_space<vmem>>
      %dma_start3A_405 = arith.constant 0 : i32
      %dma_start3A_406 = tpu.memref_slice %arg8[%dma_start3A_400, %dma_start3A_405] : memref<25x80xi32, #tpu.memory_space<vmem>> -> memref<1x80xi32, #tpu.memory_space<vmem>>
      %dma_start3A_407 = tpu.memref_squeeze %dma_start3A_406 : memref<1x80xi32, #tpu.memory_space<vmem>> -> memref<80xi32, #tpu.memory_space<vmem>>
      %dma_start3A_408 = arith.constant 0 : i32
      %dma_start3A_409 = arith.constant 0 : i32
      %dma_start3A_410 = tpu.memref_slice %arg6[%dma_start3A_408, %dma_start3A_409] : memref<10240x128xf32, #tpu.memory_space<vmem_shared>> -> memref<10240x128xf32, #tpu.memory_space<vmem_shared>>
      tpu.enqueue_indirect_dma source(%dma_start3A_404 : memref<80x128xf32, #tpu.memory_space<vmem>>) target(%dma_start3A_410 : memref<10240x128xf32, #tpu.memory_space<vmem_shared>>) offsets(%dma_start3A_407 : memref<80xi32, #tpu.memory_space<vmem>>) semaphore(%arg12 : memref<!tpu.dma_semaphore, #tpu.memory_space<semaphore_mem>>) {add = true}
      %dma_start3A_411 = arith.constant 0 : i32
      %dma_start3A_412 = arith.constant 0 : i32
      %dma_start3A_413 = tpu.memref_slice %arg14[%dma_start3A_412] : memref<640xf32, #tpu.memory_space<vmem>> -> memref<80xf32, #tpu.memory_space<vmem>>
      %dma_start3A_414 = arith.constant 0 : i32
      %dma_start3A_415 = tpu.memref_slice %arg8[%dma_start3A_411, %dma_start3A_414] : memref<25x80xi32, #tpu.memory_space<vmem>> -> memref<1x80xi32, #tpu.memory_space<vmem>>
      %dma_start3A_416 = tpu.memref_squeeze %dma_start3A_415 : memref<1x80xi32, #tpu.memory_space<vmem>> -> memref<80xi32, #tpu.memory_space<vmem>>
      %dma_start3A_417 = arith.constant 0 : i32
      %dma_start3A_418 = tpu.memref_slice %arg13[%dma_start3A_417] : memref<10240xf32, #tpu.memory_space<vmem_shared>> -> memref<10240xf32, #tpu.memory_space<vmem_shared>>
      tpu.enqueue_indirect_dma source(%dma_start3A_413 : memref<80xf32, #tpu.memory_space<vmem>>) target(%dma_start3A_418 : memref<10240xf32, #tpu.memory_space<vmem_shared>>) offsets(%dma_start3A_416 : memref<80xi32, #tpu.memory_space<vmem>>) semaphore(%arg15 : memref<!tpu.dma_semaphore, #tpu.memory_space<semaphore_mem>>) {add = true}
      %dma_start3A_419 = arith.constant 2 : i32
      %dma_start3A_420 = arith.constant 2 : i32
      %dma_start3A_421 = arith.constant 0 : i32
      %dma_start3A_422 = arith.constant 0 : i32
      %dma_start3A_423 = tpu.memref_slice %arg9[%dma_start3A_420, %dma_start3A_421, %dma_start3A_422] : memref<3x80x128xf32, #tpu.memory_space<vmem>> -> memref<1x80x128xf32, #tpu.memory_space<vmem>>
      %dma_start3A_424 = tpu.memref_squeeze %dma_start3A_423 : memref<1x80x128xf32, #tpu.memory_space<vmem>> -> memref<80x128xf32, #tpu.memory_space<vmem>>
      %dma_start3A_425 = arith.constant 0 : i32
      %dma_start3A_426 = tpu.memref_slice %arg7[%dma_start3A_419, %dma_start3A_425] : memref<25x80xi32, #tpu.memory_space<vmem>> -> memref<1x80xi32, #tpu.memory_space<vmem>>
      %dma_start3A_427 = tpu.memref_squeeze %dma_start3A_426 : memref<1x80xi32, #tpu.memory_space<vmem>> -> memref<80xi32, #tpu.memory_space<vmem>>
      %dma_start3A_428 = arith.constant 0 : i32
      %dma_start3A_429 = arith.constant 0 : i32
      %dma_start3A_430 = tpu.memref_slice %arg2[%dma_start3A_428, %dma_start3A_429] : memref<10000x128xf32, #tpu.memory_space<hbm>> -> memref<10000x128xf32, #tpu.memory_space<hbm>>
      tpu.enqueue_indirect_dma source(%dma_start3A_430 : memref<10000x128xf32, #tpu.memory_space<hbm>>) target(%dma_start3A_424 : memref<80x128xf32, #tpu.memory_space<vmem>>) offsets(%dma_start3A_427 : memref<80xi32, #tpu.memory_space<vmem>>) semaphore(%arg11 : memref<!tpu.dma_semaphore, #tpu.memory_space<semaphore_mem>>)
      %scan3A_431 = arith.constant 1 : i32
      %scan3A_432 = arith.constant 22 : i32
      %scan3A_433 = arith.addi %scan3A_431, %scan3A_432 : i32
      %scan3A_434 = arith.constant 1 : i32
      scf.for %scan3A_541 = %scan3A_431 to %scan3A_433 step %scan3A_434  : i32 {
        %jit3A = arith.constant 3 : i32
        %eq3A = arith.constant 0 : i32
        %eq3A_542 = arith.cmpi eq, %jit3A, %eq3A : i32
        %jit3A_543 = arith.constant 1 : i32
        %select_n3A = arith.select %eq3A_542, %jit3A_543, %jit3A : i32
        %rem3A = arith.remsi %scan3A_541, %select_n3A : i32
        %ne3A = arith.constant 0 : i32
        %ne3A_544 = arith.cmpi ne, %rem3A, %ne3A : i32
        %lt3A = arith.constant 0 : i32
        %lt3A_545 = arith.cmpi slt, %rem3A, %lt3A : i32
        %lt3A_546 = arith.constant 0 : i32
        %lt3A_547 = arith.cmpi slt, %select_n3A, %lt3A_546 : i32
        %ne3A_548 = arith.xori %lt3A_545, %lt3A_547 : i1
        %and3A = arith.andi %ne3A_548, %ne3A_544 : i1
        %add3A_549 = arith.addi %rem3A, %select_n3A : i32
        %select_n3A_550 = arith.select %and3A, %add3A_549, %rem3A : i32
        %dma_wait3A_551 = arith.constant 0 : i32
        %dma_wait3A_552 = arith.constant 0 : i32
        %dma_wait3A_553 = tpu.memref_slice %arg9[%select_n3A_550, %dma_wait3A_551, %dma_wait3A_552] : memref<3x80x128xf32, #tpu.memory_space<vmem>> -> memref<1x80x128xf32, #tpu.memory_space<vmem>>
        %dma_wait3A_554 = tpu.memref_squeeze %dma_wait3A_553 : memref<1x80x128xf32, #tpu.memory_space<vmem>> -> memref<80x128xf32, #tpu.memory_space<vmem>>
        %dma_wait3A_555 = arith.constant 0 : i32
        %dma_wait3A_556 = tpu.memref_slice %arg7[%scan3A_541, %dma_wait3A_555] : memref<25x80xi32, #tpu.memory_space<vmem>> -> memref<1x80xi32, #tpu.memory_space<vmem>>
        %dma_wait3A_557 = tpu.memref_squeeze %dma_wait3A_556 : memref<1x80xi32, #tpu.memory_space<vmem>> -> memref<80xi32, #tpu.memory_space<vmem>>
        %dma_wait3A_558 = arith.constant 0 : i32
        %dma_wait3A_559 = arith.constant 0 : i32
        %dma_wait3A_560 = tpu.memref_slice %arg2[%dma_wait3A_558, %dma_wait3A_559] : memref<10000x128xf32, #tpu.memory_space<hbm>> -> memref<10000x128xf32, #tpu.memory_space<hbm>>
        tpu.wait_indirect_dma semaphore(%arg11 : memref<!tpu.dma_semaphore, #tpu.memory_space<semaphore_mem>>) src(%dma_wait3A_560 : memref<10000x128xf32, #tpu.memory_space<hbm>>) dst(%dma_wait3A_554 : memref<80x128xf32, #tpu.memory_space<vmem>>)
        %dma_start3A_561 = arith.constant 0 : i32
        %dma_start3A_562 = arith.constant 0 : i32
        %dma_start3A_563 = tpu.memref_slice %arg9[%select_n3A_550, %dma_start3A_561, %dma_start3A_562] : memref<3x80x128xf32, #tpu.memory_space<vmem>> -> memref<1x80x128xf32, #tpu.memory_space<vmem>>
        %dma_start3A_564 = tpu.memref_squeeze %dma_start3A_563 : memref<1x80x128xf32, #tpu.memory_space<vmem>> -> memref<80x128xf32, #tpu.memory_space<vmem>>
        %dma_start3A_565 = arith.constant 0 : i32
        %dma_start3A_566 = tpu.memref_slice %arg8[%scan3A_541, %dma_start3A_565] : memref<25x80xi32, #tpu.memory_space<vmem>> -> memref<1x80xi32, #tpu.memory_space<vmem>>
        %dma_start3A_567 = tpu.memref_squeeze %dma_start3A_566 : memref<1x80xi32, #tpu.memory_space<vmem>> -> memref<80xi32, #tpu.memory_space<vmem>>
        %dma_start3A_568 = arith.constant 0 : i32
        %dma_start3A_569 = arith.constant 0 : i32
        %dma_start3A_570 = tpu.memref_slice %arg6[%dma_start3A_568, %dma_start3A_569] : memref<10240x128xf32, #tpu.memory_space<vmem_shared>> -> memref<10240x128xf32, #tpu.memory_space<vmem_shared>>
        tpu.enqueue_indirect_dma source(%dma_start3A_564 : memref<80x128xf32, #tpu.memory_space<vmem>>) target(%dma_start3A_570 : memref<10240x128xf32, #tpu.memory_space<vmem_shared>>) offsets(%dma_start3A_567 : memref<80xi32, #tpu.memory_space<vmem>>) semaphore(%arg12 : memref<!tpu.dma_semaphore, #tpu.memory_space<semaphore_mem>>) {add = true}
        %dma_start3A_571 = arith.constant 0 : i32
        %dma_start3A_572 = tpu.memref_slice %arg14[%dma_start3A_571] : memref<640xf32, #tpu.memory_space<vmem>> -> memref<80xf32, #tpu.memory_space<vmem>>
        %dma_start3A_573 = arith.constant 0 : i32
        %dma_start3A_574 = tpu.memref_slice %arg8[%scan3A_541, %dma_start3A_573] : memref<25x80xi32, #tpu.memory_space<vmem>> -> memref<1x80xi32, #tpu.memory_space<vmem>>
        %dma_start3A_575 = tpu.memref_squeeze %dma_start3A_574 : memref<1x80xi32, #tpu.memory_space<vmem>> -> memref<80xi32, #tpu.memory_space<vmem>>
        %dma_start3A_576 = arith.constant 0 : i32
        %dma_start3A_577 = tpu.memref_slice %arg13[%dma_start3A_576] : memref<10240xf32, #tpu.memory_space<vmem_shared>> -> memref<10240xf32, #tpu.memory_space<vmem_shared>>
        tpu.enqueue_indirect_dma source(%dma_start3A_572 : memref<80xf32, #tpu.memory_space<vmem>>) target(%dma_start3A_577 : memref<10240xf32, #tpu.memory_space<vmem_shared>>) offsets(%dma_start3A_575 : memref<80xi32, #tpu.memory_space<vmem>>) semaphore(%arg15 : memref<!tpu.dma_semaphore, #tpu.memory_space<semaphore_mem>>) {add = true}
        %dma_wait3A_578 = arith.constant 0 : i32
        %dma_wait3A_579 = arith.constant 0 : i32
        %dma_wait3A_580 = arith.constant 0 : i32
        %dma_wait3A_581 = arith.constant 0 : i32
        %dma_wait3A_582 = tpu.memref_slice %arg9[%dma_wait3A_578, %dma_wait3A_580, %dma_wait3A_581] : memref<3x80x128xf32, #tpu.memory_space<vmem>> -> memref<1x80x128xf32, #tpu.memory_space<vmem>>
        %dma_wait3A_583 = tpu.memref_squeeze %dma_wait3A_582 : memref<1x80x128xf32, #tpu.memory_space<vmem>> -> memref<80x128xf32, #tpu.memory_space<vmem>>
        %dma_wait3A_584 = arith.constant 0 : i32
        %dma_wait3A_585 = tpu.memref_slice %arg8[%dma_wait3A_579, %dma_wait3A_584] : memref<25x80xi32, #tpu.memory_space<vmem>> -> memref<1x80xi32, #tpu.memory_space<vmem>>
        %dma_wait3A_586 = tpu.memref_squeeze %dma_wait3A_585 : memref<1x80xi32, #tpu.memory_space<vmem>> -> memref<80xi32, #tpu.memory_space<vmem>>
        %dma_wait3A_587 = arith.constant 0 : i32
        %dma_wait3A_588 = arith.constant 0 : i32
        %dma_wait3A_589 = tpu.memref_slice %arg6[%dma_wait3A_587, %dma_wait3A_588] : memref<10240x128xf32, #tpu.memory_space<vmem_shared>> -> memref<10240x128xf32, #tpu.memory_space<vmem_shared>>
        tpu.wait_indirect_dma semaphore(%arg12 : memref<!tpu.dma_semaphore, #tpu.memory_space<semaphore_mem>>) src(%dma_wait3A_583 : memref<80x128xf32, #tpu.memory_space<vmem>>) dst(%dma_wait3A_589 : memref<10240x128xf32, #tpu.memory_space<vmem_shared>>)
        %add3A_590 = arith.constant 2 : i32
        %add3A_591 = arith.addi %scan3A_541, %add3A_590 : i32
        %add3A_592 = arith.constant 2 : i32
        %add3A_593 = arith.addi %scan3A_541, %add3A_592 : i32
        %jit3A_594 = arith.constant 3 : i32
        %eq3A_595 = arith.constant 0 : i32
        %eq3A_596 = arith.cmpi eq, %jit3A_594, %eq3A_595 : i32
        %jit3A_597 = arith.constant 1 : i32
        %select_n3A_598 = arith.select %eq3A_596, %jit3A_597, %jit3A_594 : i32
        %rem3A_599 = arith.remsi %add3A_593, %select_n3A_598 : i32
        %ne3A_600 = arith.constant 0 : i32
        %ne3A_601 = arith.cmpi ne, %rem3A_599, %ne3A_600 : i32
        %lt3A_602 = arith.constant 0 : i32
        %lt3A_603 = arith.cmpi slt, %rem3A_599, %lt3A_602 : i32
        %lt3A_604 = arith.constant 0 : i32
        %lt3A_605 = arith.cmpi slt, %select_n3A_598, %lt3A_604 : i32
        %ne3A_606 = arith.xori %lt3A_603, %lt3A_605 : i1
        %and3A_607 = arith.andi %ne3A_606, %ne3A_601 : i1
        %add3A_608 = arith.addi %rem3A_599, %select_n3A_598 : i32
        %select_n3A_609 = arith.select %and3A_607, %add3A_608, %rem3A_599 : i32
        %dma_start3A_610 = arith.constant 0 : i32
        %dma_start3A_611 = arith.constant 0 : i32
        %dma_start3A_612 = tpu.memref_slice %arg9[%select_n3A_609, %dma_start3A_610, %dma_start3A_611] : memref<3x80x128xf32, #tpu.memory_space<vmem>> -> memref<1x80x128xf32, #tpu.memory_space<vmem>>
        %dma_start3A_613 = tpu.memref_squeeze %dma_start3A_612 : memref<1x80x128xf32, #tpu.memory_space<vmem>> -> memref<80x128xf32, #tpu.memory_space<vmem>>
        %dma_start3A_614 = arith.constant 0 : i32
        %dma_start3A_615 = tpu.memref_slice %arg7[%add3A_591, %dma_start3A_614] : memref<25x80xi32, #tpu.memory_space<vmem>> -> memref<1x80xi32, #tpu.memory_space<vmem>>
        %dma_start3A_616 = tpu.memref_squeeze %dma_start3A_615 : memref<1x80xi32, #tpu.memory_space<vmem>> -> memref<80xi32, #tpu.memory_space<vmem>>
        %dma_start3A_617 = arith.constant 0 : i32
        %dma_start3A_618 = arith.constant 0 : i32
        %dma_start3A_619 = tpu.memref_slice %arg2[%dma_start3A_617, %dma_start3A_618] : memref<10000x128xf32, #tpu.memory_space<hbm>> -> memref<10000x128xf32, #tpu.memory_space<hbm>>
        tpu.enqueue_indirect_dma source(%dma_start3A_619 : memref<10000x128xf32, #tpu.memory_space<hbm>>) target(%dma_start3A_613 : memref<80x128xf32, #tpu.memory_space<vmem>>) offsets(%dma_start3A_616 : memref<80xi32, #tpu.memory_space<vmem>>) semaphore(%arg11 : memref<!tpu.dma_semaphore, #tpu.memory_space<semaphore_mem>>)
      }
      %scan3A_435 = arith.constant 22 : i32
      %dma_wait3A_436 = arith.constant 23 : i32
      %dma_wait3A_437 = arith.constant 2 : i32
      %dma_wait3A_438 = arith.constant 0 : i32
      %dma_wait3A_439 = arith.constant 0 : i32
      %dma_wait3A_440 = tpu.memref_slice %arg9[%dma_wait3A_437, %dma_wait3A_438, %dma_wait3A_439] : memref<3x80x128xf32, #tpu.memory_space<vmem>> -> memref<1x80x128xf32, #tpu.memory_space<vmem>>
      %dma_wait3A_441 = tpu.memref_squeeze %dma_wait3A_440 : memref<1x80x128xf32, #tpu.memory_space<vmem>> -> memref<80x128xf32, #tpu.memory_space<vmem>>
      %dma_wait3A_442 = arith.constant 0 : i32
      %dma_wait3A_443 = tpu.memref_slice %arg7[%dma_wait3A_436, %dma_wait3A_442] : memref<25x80xi32, #tpu.memory_space<vmem>> -> memref<1x80xi32, #tpu.memory_space<vmem>>
      %dma_wait3A_444 = tpu.memref_squeeze %dma_wait3A_443 : memref<1x80xi32, #tpu.memory_space<vmem>> -> memref<80xi32, #tpu.memory_space<vmem>>
      %dma_wait3A_445 = arith.constant 0 : i32
      %dma_wait3A_446 = arith.constant 0 : i32
      %dma_wait3A_447 = tpu.memref_slice %arg2[%dma_wait3A_445, %dma_wait3A_446] : memref<10000x128xf32, #tpu.memory_space<hbm>> -> memref<10000x128xf32, #tpu.memory_space<hbm>>
      tpu.wait_indirect_dma semaphore(%arg11 : memref<!tpu.dma_semaphore, #tpu.memory_space<semaphore_mem>>) src(%dma_wait3A_447 : memref<10000x128xf32, #tpu.memory_space<hbm>>) dst(%dma_wait3A_441 : memref<80x128xf32, #tpu.memory_space<vmem>>)
      %dma_start3A_448 = arith.constant 2 : i32
      %dma_start3A_449 = arith.constant 23 : i32
      %dma_start3A_450 = arith.constant 0 : i32
      %dma_start3A_451 = arith.constant 0 : i32
      %dma_start3A_452 = tpu.memref_slice %arg9[%dma_start3A_448, %dma_start3A_450, %dma_start3A_451] : memref<3x80x128xf32, #tpu.memory_space<vmem>> -> memref<1x80x128xf32, #tpu.memory_space<vmem>>
      %dma_start3A_453 = tpu.memref_squeeze %dma_start3A_452 : memref<1x80x128xf32, #tpu.memory_space<vmem>> -> memref<80x128xf32, #tpu.memory_space<vmem>>
      %dma_start3A_454 = arith.constant 0 : i32
      %dma_start3A_455 = tpu.memref_slice %arg8[%dma_start3A_449, %dma_start3A_454] : memref<25x80xi32, #tpu.memory_space<vmem>> -> memref<1x80xi32, #tpu.memory_space<vmem>>
      %dma_start3A_456 = tpu.memref_squeeze %dma_start3A_455 : memref<1x80xi32, #tpu.memory_space<vmem>> -> memref<80xi32, #tpu.memory_space<vmem>>
      %dma_start3A_457 = arith.constant 0 : i32
      %dma_start3A_458 = arith.constant 0 : i32
      %dma_start3A_459 = tpu.memref_slice %arg6[%dma_start3A_457, %dma_start3A_458] : memref<10240x128xf32, #tpu.memory_space<vmem_shared>> -> memref<10240x128xf32, #tpu.memory_space<vmem_shared>>
      tpu.enqueue_indirect_dma source(%dma_start3A_453 : memref<80x128xf32, #tpu.memory_space<vmem>>) target(%dma_start3A_459 : memref<10240x128xf32, #tpu.memory_space<vmem_shared>>) offsets(%dma_start3A_456 : memref<80xi32, #tpu.memory_space<vmem>>) semaphore(%arg12 : memref<!tpu.dma_semaphore, #tpu.memory_space<semaphore_mem>>) {add = true}
      %dma_start3A_460 = arith.constant 23 : i32
      %dma_start3A_461 = arith.constant 0 : i32
      %dma_start3A_462 = tpu.memref_slice %arg14[%dma_start3A_461] : memref<640xf32, #tpu.memory_space<vmem>> -> memref<80xf32, #tpu.memory_space<vmem>>
      %dma_start3A_463 = arith.constant 0 : i32
      %dma_start3A_464 = tpu.memref_slice %arg8[%dma_start3A_460, %dma_start3A_463] : memref<25x80xi32, #tpu.memory_space<vmem>> -> memref<1x80xi32, #tpu.memory_space<vmem>>
      %dma_start3A_465 = tpu.memref_squeeze %dma_start3A_464 : memref<1x80xi32, #tpu.memory_space<vmem>> -> memref<80xi32, #tpu.memory_space<vmem>>
      %dma_start3A_466 = arith.constant 0 : i32
      %dma_start3A_467 = tpu.memref_slice %arg13[%dma_start3A_466] : memref<10240xf32, #tpu.memory_space<vmem_shared>> -> memref<10240xf32, #tpu.memory_space<vmem_shared>>
      tpu.enqueue_indirect_dma source(%dma_start3A_462 : memref<80xf32, #tpu.memory_space<vmem>>) target(%dma_start3A_467 : memref<10240xf32, #tpu.memory_space<vmem_shared>>) offsets(%dma_start3A_465 : memref<80xi32, #tpu.memory_space<vmem>>) semaphore(%arg15 : memref<!tpu.dma_semaphore, #tpu.memory_space<semaphore_mem>>) {add = true}
      %dma_wait3A_468 = arith.constant 0 : i32
      %dma_wait3A_469 = arith.constant 0 : i32
      %dma_wait3A_470 = arith.constant 0 : i32
      %dma_wait3A_471 = arith.constant 0 : i32
      %dma_wait3A_472 = tpu.memref_slice %arg9[%dma_wait3A_468, %dma_wait3A_470, %dma_wait3A_471] : memref<3x80x128xf32, #tpu.memory_space<vmem>> -> memref<1x80x128xf32, #tpu.memory_space<vmem>>
      %dma_wait3A_473 = tpu.memref_squeeze %dma_wait3A_472 : memref<1x80x128xf32, #tpu.memory_space<vmem>> -> memref<80x128xf32, #tpu.memory_space<vmem>>
      %dma_wait3A_474 = arith.constant 0 : i32
      %dma_wait3A_475 = tpu.memref_slice %arg8[%dma_wait3A_469, %dma_wait3A_474] : memref<25x80xi32, #tpu.memory_space<vmem>> -> memref<1x80xi32, #tpu.memory_space<vmem>>
      %dma_wait3A_476 = tpu.memref_squeeze %dma_wait3A_475 : memref<1x80xi32, #tpu.memory_space<vmem>> -> memref<80xi32, #tpu.memory_space<vmem>>
      %dma_wait3A_477 = arith.constant 0 : i32
      %dma_wait3A_478 = arith.constant 0 : i32
      %dma_wait3A_479 = tpu.memref_slice %arg6[%dma_wait3A_477, %dma_wait3A_478] : memref<10240x128xf32, #tpu.memory_space<vmem_shared>> -> memref<10240x128xf32, #tpu.memory_space<vmem_shared>>
      tpu.wait_indirect_dma semaphore(%arg12 : memref<!tpu.dma_semaphore, #tpu.memory_space<semaphore_mem>>) src(%dma_wait3A_473 : memref<80x128xf32, #tpu.memory_space<vmem>>) dst(%dma_wait3A_479 : memref<10240x128xf32, #tpu.memory_space<vmem_shared>>)
      %dma_wait3A_480 = arith.constant 24 : i32
      %dma_wait3A_481 = arith.constant 0 : i32
      %dma_wait3A_482 = arith.constant 0 : i32
      %dma_wait3A_483 = arith.constant 0 : i32
      %dma_wait3A_484 = tpu.memref_slice %arg9[%dma_wait3A_481, %dma_wait3A_482, %dma_wait3A_483] : memref<3x80x128xf32, #tpu.memory_space<vmem>> -> memref<1x80x128xf32, #tpu.memory_space<vmem>>
      %dma_wait3A_485 = tpu.memref_squeeze %dma_wait3A_484 : memref<1x80x128xf32, #tpu.memory_space<vmem>> -> memref<80x128xf32, #tpu.memory_space<vmem>>
      %dma_wait3A_486 = arith.constant 0 : i32
      %dma_wait3A_487 = tpu.memref_slice %arg7[%dma_wait3A_480, %dma_wait3A_486] : memref<25x80xi32, #tpu.memory_space<vmem>> -> memref<1x80xi32, #tpu.memory_space<vmem>>
      %dma_wait3A_488 = tpu.memref_squeeze %dma_wait3A_487 : memref<1x80xi32, #tpu.memory_space<vmem>> -> memref<80xi32, #tpu.memory_space<vmem>>
      %dma_wait3A_489 = arith.constant 0 : i32
      %dma_wait3A_490 = arith.constant 0 : i32
      %dma_wait3A_491 = tpu.memref_slice %arg2[%dma_wait3A_489, %dma_wait3A_490] : memref<10000x128xf32, #tpu.memory_space<hbm>> -> memref<10000x128xf32, #tpu.memory_space<hbm>>
      tpu.wait_indirect_dma semaphore(%arg11 : memref<!tpu.dma_semaphore, #tpu.memory_space<semaphore_mem>>) src(%dma_wait3A_491 : memref<10000x128xf32, #tpu.memory_space<hbm>>) dst(%dma_wait3A_485 : memref<80x128xf32, #tpu.memory_space<vmem>>)
      %dma_start3A_492 = arith.constant 0 : i32
      %dma_start3A_493 = arith.constant 24 : i32
      %dma_start3A_494 = arith.constant 0 : i32
      %dma_start3A_495 = arith.constant 0 : i32
      %dma_start3A_496 = tpu.memref_slice %arg9[%dma_start3A_492, %dma_start3A_494, %dma_start3A_495] : memref<3x80x128xf32, #tpu.memory_space<vmem>> -> memref<1x80x128xf32, #tpu.memory_space<vmem>>
      %dma_start3A_497 = tpu.memref_squeeze %dma_start3A_496 : memref<1x80x128xf32, #tpu.memory_space<vmem>> -> memref<80x128xf32, #tpu.memory_space<vmem>>
      %dma_start3A_498 = arith.constant 0 : i32
      %dma_start3A_499 = tpu.memref_slice %arg8[%dma_start3A_493, %dma_start3A_498] : memref<25x80xi32, #tpu.memory_space<vmem>> -> memref<1x80xi32, #tpu.memory_space<vmem>>
      %dma_start3A_500 = tpu.memref_squeeze %dma_start3A_499 : memref<1x80xi32, #tpu.memory_space<vmem>> -> memref<80xi32, #tpu.memory_space<vmem>>
      %dma_start3A_501 = arith.constant 0 : i32
      %dma_start3A_502 = arith.constant 0 : i32
      %dma_start3A_503 = tpu.memref_slice %arg6[%dma_start3A_501, %dma_start3A_502] : memref<10240x128xf32, #tpu.memory_space<vmem_shared>> -> memref<10240x128xf32, #tpu.memory_space<vmem_shared>>
      tpu.enqueue_indirect_dma source(%dma_start3A_497 : memref<80x128xf32, #tpu.memory_space<vmem>>) target(%dma_start3A_503 : memref<10240x128xf32, #tpu.memory_space<vmem_shared>>) offsets(%dma_start3A_500 : memref<80xi32, #tpu.memory_space<vmem>>) semaphore(%arg12 : memref<!tpu.dma_semaphore, #tpu.memory_space<semaphore_mem>>) {add = true}
      %dma_start3A_504 = arith.constant 24 : i32
      %dma_start3A_505 = arith.constant 0 : i32
      %dma_start3A_506 = tpu.memref_slice %arg14[%dma_start3A_505] : memref<640xf32, #tpu.memory_space<vmem>> -> memref<80xf32, #tpu.memory_space<vmem>>
      %dma_start3A_507 = arith.constant 0 : i32
      %dma_start3A_508 = tpu.memref_slice %arg8[%dma_start3A_504, %dma_start3A_507] : memref<25x80xi32, #tpu.memory_space<vmem>> -> memref<1x80xi32, #tpu.memory_space<vmem>>
      %dma_start3A_509 = tpu.memref_squeeze %dma_start3A_508 : memref<1x80xi32, #tpu.memory_space<vmem>> -> memref<80xi32, #tpu.memory_space<vmem>>
      %dma_start3A_510 = arith.constant 0 : i32
      %dma_start3A_511 = tpu.memref_slice %arg13[%dma_start3A_510] : memref<10240xf32, #tpu.memory_space<vmem_shared>> -> memref<10240xf32, #tpu.memory_space<vmem_shared>>
      tpu.enqueue_indirect_dma source(%dma_start3A_506 : memref<80xf32, #tpu.memory_space<vmem>>) target(%dma_start3A_511 : memref<10240xf32, #tpu.memory_space<vmem_shared>>) offsets(%dma_start3A_509 : memref<80xi32, #tpu.memory_space<vmem>>) semaphore(%arg15 : memref<!tpu.dma_semaphore, #tpu.memory_space<semaphore_mem>>) {add = true}
      %dma_wait3A_512 = arith.constant 0 : i32
      %dma_wait3A_513 = arith.constant 0 : i32
      %dma_wait3A_514 = arith.constant 0 : i32
      %dma_wait3A_515 = arith.constant 0 : i32
      %dma_wait3A_516 = tpu.memref_slice %arg9[%dma_wait3A_512, %dma_wait3A_514, %dma_wait3A_515] : memref<3x80x128xf32, #tpu.memory_space<vmem>> -> memref<1x80x128xf32, #tpu.memory_space<vmem>>
      %dma_wait3A_517 = tpu.memref_squeeze %dma_wait3A_516 : memref<1x80x128xf32, #tpu.memory_space<vmem>> -> memref<80x128xf32, #tpu.memory_space<vmem>>
      %dma_wait3A_518 = arith.constant 0 : i32
      %dma_wait3A_519 = tpu.memref_slice %arg8[%dma_wait3A_513, %dma_wait3A_518] : memref<25x80xi32, #tpu.memory_space<vmem>> -> memref<1x80xi32, #tpu.memory_space<vmem>>
      %dma_wait3A_520 = tpu.memref_squeeze %dma_wait3A_519 : memref<1x80xi32, #tpu.memory_space<vmem>> -> memref<80xi32, #tpu.memory_space<vmem>>
      %dma_wait3A_521 = arith.constant 0 : i32
      %dma_wait3A_522 = arith.constant 0 : i32
      %dma_wait3A_523 = tpu.memref_slice %arg6[%dma_wait3A_521, %dma_wait3A_522] : memref<10240x128xf32, #tpu.memory_space<vmem_shared>> -> memref<10240x128xf32, #tpu.memory_space<vmem_shared>>
      tpu.wait_indirect_dma semaphore(%arg12 : memref<!tpu.dma_semaphore, #tpu.memory_space<semaphore_mem>>) src(%dma_wait3A_517 : memref<80x128xf32, #tpu.memory_space<vmem>>) dst(%dma_wait3A_523 : memref<10240x128xf32, #tpu.memory_space<vmem_shared>>)
      %dma_wait3A_524 = arith.constant 0 : i32
      %dma_wait3A_525 = arith.constant 0 : i32
      %dma_wait3A_526 = arith.constant 0 : i32
      %dma_wait3A_527 = arith.constant 0 : i32
      %dma_wait3A_528 = tpu.memref_slice %arg9[%dma_wait3A_524, %dma_wait3A_526, %dma_wait3A_527] : memref<3x80x128xf32, #tpu.memory_space<vmem>> -> memref<1x80x128xf32, #tpu.memory_space<vmem>>
      %dma_wait3A_529 = tpu.memref_squeeze %dma_wait3A_528 : memref<1x80x128xf32, #tpu.memory_space<vmem>> -> memref<80x128xf32, #tpu.memory_space<vmem>>
      %dma_wait3A_530 = arith.constant 0 : i32
      %dma_wait3A_531 = tpu.memref_slice %arg8[%dma_wait3A_525, %dma_wait3A_530] : memref<25x80xi32, #tpu.memory_space<vmem>> -> memref<1x80xi32, #tpu.memory_space<vmem>>
      %dma_wait3A_532 = tpu.memref_squeeze %dma_wait3A_531 : memref<1x80xi32, #tpu.memory_space<vmem>> -> memref<80xi32, #tpu.memory_space<vmem>>
      %dma_wait3A_533 = arith.constant 0 : i32
      %dma_wait3A_534 = arith.constant 0 : i32
      %dma_wait3A_535 = tpu.memref_slice %arg6[%dma_wait3A_533, %dma_wait3A_534] : memref<10240x128xf32, #tpu.memory_space<vmem_shared>> -> memref<10240x128xf32, #tpu.memory_space<vmem_shared>>
      tpu.wait_indirect_dma semaphore(%arg12 : memref<!tpu.dma_semaphore, #tpu.memory_space<semaphore_mem>>) src(%dma_wait3A_529 : memref<80x128xf32, #tpu.memory_space<vmem>>) dst(%dma_wait3A_535 : memref<10240x128xf32, #tpu.memory_space<vmem_shared>>)
      %scan3A_536 = arith.constant 0 : i32
      %scan3A_537 = arith.constant 25 : i32
      %scan3A_538 = arith.addi %scan3A_536, %scan3A_537 : i32
      %scan3A_539 = arith.constant 1 : i32
      scf.for %scan3A_541 = %scan3A_536 to %scan3A_538 step %scan3A_539  : i32 {
        %dma_wait3A_542 = arith.constant 0 : i32
        %dma_wait3A_543 = arith.constant 0 : i32
        %dma_wait3A_544 = tpu.memref_slice %arg14[%dma_wait3A_543] : memref<640xf32, #tpu.memory_space<vmem>> -> memref<80xf32, #tpu.memory_space<vmem>>
        %dma_wait3A_545 = arith.constant 0 : i32
        %dma_wait3A_546 = tpu.memref_slice %arg8[%dma_wait3A_542, %dma_wait3A_545] : memref<25x80xi32, #tpu.memory_space<vmem>> -> memref<1x80xi32, #tpu.memory_space<vmem>>
        %dma_wait3A_547 = tpu.memref_squeeze %dma_wait3A_546 : memref<1x80xi32, #tpu.memory_space<vmem>> -> memref<80xi32, #tpu.memory_space<vmem>>
        %dma_wait3A_548 = arith.constant 0 : i32
        %dma_wait3A_549 = tpu.memref_slice %arg13[%dma_wait3A_548] : memref<10240xf32, #tpu.memory_space<vmem_shared>> -> memref<10240xf32, #tpu.memory_space<vmem_shared>>
        tpu.wait_indirect_dma semaphore(%arg15 : memref<!tpu.dma_semaphore, #tpu.memory_space<semaphore_mem>>) src(%dma_wait3A_544 : memref<80xf32, #tpu.memory_space<vmem>>) dst(%dma_wait3A_549 : memref<10240xf32, #tpu.memory_space<vmem_shared>>)
      }
      %scan3A_540 = arith.constant 25 : i32
    }
    %scan3A_348 = arith.constant 5 : i32
    %barrier3A_349 = arith.constant 0 : index
    tpu.barrier barrier_id(%barrier3A_349)
    %mul3A_350 = arith.constant 640 : i32
    %mul3A_351 = arith.muli %arg1, %mul3A_350 : i32
    %mul3A_352 = arith.constant 640 : i32
    %mul3A_353 = arith.muli %arg1, %mul3A_352 : i32
    "tpu.region"() ({
      %run_scoped3A = tpu.sem_alloc : memref<!tpu.dma_semaphore, #tpu.memory_space<semaphore_mem>>
      %dma_start3A_358 = arith.constant 0 : i32
      %dma_start3A_359 = tpu.memref_slice %arg4[%arg0, %mul3A_353, %dma_start3A_358] : memref<2x10240x128xf32, #tpu.memory_space<hbm>> -> memref<1x640x128xf32, #tpu.memory_space<hbm>>
      %dma_start3A_360 = tpu.memref_squeeze %dma_start3A_359 : memref<1x640x128xf32, #tpu.memory_space<hbm>> -> memref<640x128xf32, #tpu.memory_space<hbm>>
      %dma_start3A_361 = arith.constant 0 : i32
      %dma_start3A_362 = tpu.memref_slice %arg6[%mul3A_351, %dma_start3A_361] : memref<10240x128xf32, #tpu.memory_space<vmem_shared>> -> memref<640x128xf32, #tpu.memory_space<vmem_shared>>
      tpu.enqueue_dma source(%dma_start3A_362 : memref<640x128xf32, #tpu.memory_space<vmem_shared>>) target(%dma_start3A_360 : memref<640x128xf32, #tpu.memory_space<hbm>>) target_semaphore(%run_scoped3A : memref<!tpu.dma_semaphore, #tpu.memory_space<semaphore_mem>>)
      %dma_wait3A_363 = arith.constant 0 : i32
      %dma_wait3A_364 = tpu.memref_slice %arg4[%arg0, %mul3A_353, %dma_wait3A_363] : memref<2x10240x128xf32, #tpu.memory_space<hbm>> -> memref<1x640x128xf32, #tpu.memory_space<hbm>>
      %dma_wait3A_365 = tpu.memref_squeeze %dma_wait3A_364 : memref<1x640x128xf32, #tpu.memory_space<hbm>> -> memref<640x128xf32, #tpu.memory_space<hbm>>
      %dma_wait3A_366 = arith.constant 0 : i32
      %dma_wait3A_367 = tpu.memref_slice %arg6[%mul3A_351, %dma_wait3A_366] : memref<10240x128xf32, #tpu.memory_space<vmem_shared>> -> memref<640x128xf32, #tpu.memory_space<vmem_shared>>
      tpu.wait_dma2 semaphore(%run_scoped3A : memref<!tpu.dma_semaphore, #tpu.memory_space<semaphore_mem>>) src(%dma_wait3A_367 : memref<640x128xf32, #tpu.memory_space<vmem_shared>>) dst(%dma_wait3A_365 : memref<640x128xf32, #tpu.memory_space<hbm>>)
      tpu.yield
    }) : () -> ()
    %mul3A_354 = arith.constant 640 : i32
    %mul3A_355 = arith.muli %arg1, %mul3A_354 : i32
    %mul3A_356 = arith.constant 640 : i32
    %mul3A_357 = arith.muli %arg1, %mul3A_356 : i32
    "tpu.region"() ({
      %run_scoped3A = tpu.sem_alloc : memref<!tpu.dma_semaphore, #tpu.memory_space<semaphore_mem>>
      %dma_start3A_358 = tpu.memref_slice %arg5[%arg0, %mul3A_357] : memref<2x10240xf32, #tpu.memory_space<hbm>> -> memref<1x640xf32, #tpu.memory_space<hbm>>
      %dma_start3A_359 = tpu.memref_squeeze %dma_start3A_358 : memref<1x640xf32, #tpu.memory_space<hbm>> -> memref<640xf32, #tpu.memory_space<hbm>>
      %dma_start3A_360 = tpu.memref_slice %arg13[%mul3A_355] : memref<10240xf32, #tpu.memory_space<vmem_shared>> -> memref<640xf32, #tpu.memory_space<vmem_shared>>
      tpu.enqueue_dma source(%dma_start3A_360 : memref<640xf32, #tpu.memory_space<vmem_shared>>) target(%dma_start3A_359 : memref<640xf32, #tpu.memory_space<hbm>>) target_semaphore(%run_scoped3A : memref<!tpu.dma_semaphore, #tpu.memory_space<semaphore_mem>>)
      %dma_wait3A_361 = tpu.memref_slice %arg5[%arg0, %mul3A_357] : memref<2x10240xf32, #tpu.memory_space<hbm>> -> memref<1x640xf32, #tpu.memory_space<hbm>>
      %dma_wait3A_362 = tpu.memref_squeeze %dma_wait3A_361 : memref<1x640xf32, #tpu.memory_space<hbm>> -> memref<640xf32, #tpu.memory_space<hbm>>
      %dma_wait3A_363 = tpu.memref_slice %arg13[%mul3A_355] : memref<10240xf32, #tpu.memory_space<vmem_shared>> -> memref<640xf32, #tpu.memory_space<vmem_shared>>
      tpu.wait_dma2 semaphore(%run_scoped3A : memref<!tpu.dma_semaphore, #tpu.memory_space<semaphore_mem>>) src(%dma_wait3A_363 : memref<640xf32, #tpu.memory_space<vmem_shared>>) dst(%dma_wait3A_362 : memref<640xf32, #tpu.memory_space<hbm>>)
      tpu.yield
    }) : () -> ()
    return
  }
}

module attributes {stable_mosaic.version = 14 : i64} {
  func.func @_tc_mix1_body(%arg0: i32, %arg1: memref<2x1000x128xf32, #tpu.memory_space<vmem>>, %arg2: memref<2x1000x1xf32, #tpu.memory_space<vmem>>, %arg3: memref<1000x128xf32, #tpu.memory_space<vmem>>, %arg4: memref<128x128xf32, #tpu.memory_space<vmem>>, %arg5: memref<1000x128xf32, #tpu.memory_space<vmem>>, %arg6: memref<1000x1xf32, #tpu.memory_space<vmem>>) attributes {dimension_semantics = [#tpu.dimension_semantics<arbitrary>], iteration_bounds = array<i64: 10>, scalar_prefetch = 0 : i64, scratch_operands = 0 : i64, tpu.core_type = #tpu.core_type<tc>, window_params = [{transform_indices = @transform_0, window_bounds = array<i64: 2, 1000, 128>}, {transform_indices = @transform_1, window_bounds = array<i64: 2, 1000, 1>}, {transform_indices = @transform_2, window_bounds = array<i64: 1000, 128>}, {pipeline_mode = #tpu.pipeline_mode<synchronous>, transform_indices = @transform_3, window_bounds = array<i64: 128, 128>}, {transform_indices = @transform_4, window_bounds = array<i64: 1000, 128>}, {transform_indices = @transform_5, window_bounds = array<i64: 1000, 1>}]} {
    %get3A = arith.constant 0 : index
    %get3A_0 = arith.constant 0 : index
    %get3A_1 = arith.constant 0 : index
    %get3A_2 = vector.load %arg1[%get3A, %get3A_0, %get3A_1] : memref<2x1000x128xf32, #tpu.memory_space<vmem>>, vector<1x1000x128xf32>
    %get3A_3 = vector.shape_cast %get3A_2 : vector<1x1000x128xf32> to vector<1000x128xf32>
    %get3A_4 = arith.constant 1 : index
    %get3A_5 = arith.constant 0 : index
    %get3A_6 = arith.constant 0 : index
    %get3A_7 = vector.load %arg1[%get3A_4, %get3A_5, %get3A_6] : memref<2x1000x128xf32, #tpu.memory_space<vmem>>, vector<1x1000x128xf32>
    %get3A_8 = vector.shape_cast %get3A_7 : vector<1x1000x128xf32> to vector<1000x128xf32>
    %add3A = arith.addf %get3A_3, %get3A_8 : vector<1000x128xf32>
    %get3A_9 = arith.constant 0 : index
    %get3A_10 = arith.constant 0 : index
    %get3A_11 = arith.constant 0 : index
    %get3A_12 = vector.load %arg2[%get3A_9, %get3A_10, %get3A_11] : memref<2x1000x1xf32, #tpu.memory_space<vmem>>, vector<1x1000x1xf32>
    %get3A_13 = vector.shape_cast %get3A_12 : vector<1x1000x1xf32> to vector<1000x1xf32>
    %get3A_14 = arith.constant 1 : index
    %get3A_15 = arith.constant 0 : index
    %get3A_16 = arith.constant 0 : index
    %get3A_17 = vector.load %arg2[%get3A_14, %get3A_15, %get3A_16] : memref<2x1000x1xf32, #tpu.memory_space<vmem>>, vector<1x1000x1xf32>
    %get3A_18 = vector.shape_cast %get3A_17 : vector<1x1000x1xf32> to vector<1000x1xf32>
    %add3A_19 = arith.addf %get3A_13, %get3A_18 : vector<1000x1xf32>
    %max3A = arith.constant 1.000000e+00 : f32
    %max3A_20 = vector.broadcast %max3A : f32 to vector<1000x1xf32>
    %max3A_21 = arith.maximumf %add3A_19, %max3A_20 : vector<1000x1xf32>
    %div3A = arith.constant 1.000000e+00 : f32
    %div3A_22 = vector.broadcast %div3A : f32 to vector<1000x1xf32>
    %div3A_23 = arith.divf %div3A_22, %max3A_21 : vector<1000x1xf32>
    %mul3A = vector.broadcast %div3A_23 : vector<1000x1xf32> to vector<1000x128xf32>
    %mul3A_24 = arith.mulf %add3A, %mul3A : vector<1000x128xf32>
    %get3A_25 = arith.constant 0 : index
    %get3A_26 = arith.constant 0 : index
    %get3A_27 = vector.load %arg4[%get3A_25, %get3A_26] : memref<128x128xf32, #tpu.memory_space<vmem>>, vector<128x128xf32>
    %dot_general3A = arith.constant dense<0.000000e+00> : vector<1000x128xf32>
    %dot_general3A_28 = tpu.matmul %mul3A_24, %get3A_27, %dot_general3A {dimension_numbers = #tpu.dot_dimension_numbers<[1], [1], [0], [0], [0, 0, 1, 0], [], []>, transpose_lhs_hint = false} : vector<1000x128xf32>, vector<128x128xf32>, vector<1000x128xf32> -> vector<1000x128xf32>
    %get3A_29 = arith.constant 0 : index
    %get3A_30 = arith.constant 0 : index
    %get3A_31 = vector.load %arg3[%get3A_29, %get3A_30] : memref<1000x128xf32, #tpu.memory_space<vmem>>, vector<1000x128xf32>
    %add3A_32 = arith.addf %dot_general3A_28, %get3A_31 : vector<1000x128xf32>
    %max3A_33 = arith.constant 0.000000e+00 : f32
    %max3A_34 = vector.broadcast %max3A_33 : f32 to vector<1000x128xf32>
    %max3A_35 = arith.maximumf %add3A_32, %max3A_34 : vector<1000x128xf32>
    %swap3A = arith.constant 0 : index
    %swap3A_36 = arith.constant 0 : index
    %swap3A_37 = vector.load %arg5[%swap3A, %swap3A_36] : memref<1000x128xf32, #tpu.memory_space<vmem>>, vector<1000x128xf32>
    tpu.vector_store %arg5[%swap3A, %swap3A_36], %max3A_35 {strides = array<i32>} : memref<1000x128xf32, #tpu.memory_space<vmem>>, vector<1000x128xf32>,
    %swap3A_38 = arith.constant 0 : index
    %swap3A_39 = arith.constant 0 : index
    %swap3A_40 = vector.load %arg6[%swap3A_38, %swap3A_39] : memref<1000x1xf32, #tpu.memory_space<vmem>>, vector<1000x1xf32>
    tpu.vector_store %arg6[%swap3A_38, %swap3A_39], %div3A_23 {strides = array<i32>} : memref<1000x1xf32, #tpu.memory_space<vmem>>, vector<1000x1xf32>,
    return
  }
  func.func @transform_0(%arg0: i32) -> (i32, i32, i32) {
    %c0_i32 = arith.constant 0 : i32
    %c0_i32_0 = arith.constant 0 : i32
    %c0_i32_1 = arith.constant 0 : i32
    return %c0_i32, %arg0, %c0_i32_0 : i32, i32, i32
  }
  func.func @transform_1(%arg0: i32) -> (i32, i32, i32) {
    %c0_i32 = arith.constant 0 : i32
    %c0_i32_0 = arith.constant 0 : i32
    %c0_i32_1 = arith.constant 0 : i32
    return %c0_i32, %arg0, %c0_i32_0 : i32, i32, i32
  }
  func.func @transform_2(%arg0: i32) -> (i32, i32) {
    %c0_i32 = arith.constant 0 : i32
    %c0_i32_0 = arith.constant 0 : i32
    return %arg0, %c0_i32 : i32, i32
  }
  func.func @transform_3(%arg0: i32) -> (i32, i32) {
    %c0_i32 = arith.constant 0 : i32
    %c0_i32_0 = arith.constant 0 : i32
    %c0_i32_1 = arith.constant 0 : i32
    return %c0_i32, %c0_i32_0 : i32, i32
  }
  func.func @transform_4(%arg0: i32) -> (i32, i32) {
    %c0_i32 = arith.constant 0 : i32
    %c0_i32_0 = arith.constant 0 : i32
    return %arg0, %c0_i32 : i32, i32
  }
  func.func @transform_5(%arg0: i32) -> (i32, i32) {
    %c0_i32 = arith.constant 0 : i32
    %c0_i32_0 = arith.constant 0 : i32
    return %arg0, %c0_i32 : i32, i32
  }
}

module attributes {stable_mosaic.version = 14 : i64} {
  func.func @_tc_self_body(%arg0: i32, %arg1: memref<1000x128xf32, #tpu.memory_space<vmem>>, %arg2: memref<128x128xf32, #tpu.memory_space<vmem>>, %arg3: memref<1x128xf32, #tpu.memory_space<vmem>>, %arg4: memref<1000x128xf32, #tpu.memory_space<vmem>>) attributes {dimension_semantics = [#tpu.dimension_semantics<arbitrary>], iteration_bounds = array<i64: 10>, scalar_prefetch = 0 : i64, scratch_operands = 0 : i64, tpu.core_type = #tpu.core_type<tc>, window_params = [{transform_indices = @transform_0, window_bounds = array<i64: 1000, 128>}, {pipeline_mode = #tpu.pipeline_mode<synchronous>, transform_indices = @transform_1, window_bounds = array<i64: 128, 128>}, {pipeline_mode = #tpu.pipeline_mode<synchronous>, transform_indices = @transform_2, window_bounds = array<i64: 1, 128>}, {transform_indices = @transform_3, window_bounds = array<i64: 1000, 128>}]} {
    %get3A = arith.constant 0 : index
    %get3A_0 = arith.constant 0 : index
    %get3A_1 = vector.load %arg1[%get3A, %get3A_0] : memref<1000x128xf32, #tpu.memory_space<vmem>>, vector<1000x128xf32>
    %get3A_2 = arith.constant 0 : index
    %get3A_3 = arith.constant 0 : index
    %get3A_4 = vector.load %arg2[%get3A_2, %get3A_3] : memref<128x128xf32, #tpu.memory_space<vmem>>, vector<128x128xf32>
    %dot_general3A = arith.constant dense<0.000000e+00> : vector<1000x128xf32>
    %dot_general3A_5 = tpu.matmul %get3A_1, %get3A_4, %dot_general3A {dimension_numbers = #tpu.dot_dimension_numbers<[1], [1], [0], [0], [0, 0, 1, 0], [], []>, transpose_lhs_hint = false} : vector<1000x128xf32>, vector<128x128xf32>, vector<1000x128xf32> -> vector<1000x128xf32>
    %get3A_6 = arith.constant 0 : index
    %get3A_7 = arith.constant 0 : index
    %get3A_8 = vector.load %arg3[%get3A_6, %get3A_7] : memref<1x128xf32, #tpu.memory_space<vmem>>, vector<1x128xf32>
    %add3A = vector.broadcast %get3A_8 : vector<1x128xf32> to vector<1000x128xf32>
    %add3A_9 = arith.addf %dot_general3A_5, %add3A : vector<1000x128xf32>
    %swap3A = arith.constant 0 : index
    %swap3A_10 = arith.constant 0 : index
    %swap3A_11 = vector.load %arg4[%swap3A, %swap3A_10] : memref<1000x128xf32, #tpu.memory_space<vmem>>, vector<1000x128xf32>
    tpu.vector_store %arg4[%swap3A, %swap3A_10], %add3A_9 {strides = array<i32>} : memref<1000x128xf32, #tpu.memory_space<vmem>>, vector<1000x128xf32>,
    return
  }
  func.func @transform_0(%arg0: i32) -> (i32, i32) {
    %c0_i32 = arith.constant 0 : i32
    %c0_i32_0 = arith.constant 0 : i32
    return %arg0, %c0_i32 : i32, i32
  }
  func.func @transform_1(%arg0: i32) -> (i32, i32) {
    %c0_i32 = arith.constant 0 : i32
    %c0_i32_0 = arith.constant 0 : i32
    %c0_i32_1 = arith.constant 0 : i32
    return %c0_i32, %c0_i32_0 : i32, i32
  }
  func.func @transform_2(%arg0: i32) -> (i32, i32) {
    %c0_i32 = arith.constant 0 : i32
    %c0_i32_0 = arith.constant 0 : i32
    %c0_i32_1 = arith.constant 0 : i32
    return %c0_i32, %c0_i32_0 : i32, i32
  }
  func.func @transform_3(%arg0: i32) -> (i32, i32) {
    %c0_i32 = arith.constant 0 : i32
    %c0_i32_0 = arith.constant 0 : i32
    return %arg0, %c0_i32 : i32, i32
  }
}

module attributes {stable_mosaic.version = 14 : i64} {
  func.func @_tc_mix2_body(%arg0: i32, %arg1: memref<2x1000x128xf32, #tpu.memory_space<vmem>>, %arg2: memref<1000x128xf32, #tpu.memory_space<vmem>>, %arg3: memref<1000x1xf32, #tpu.memory_space<vmem>>, %arg4: memref<128x128xf32, #tpu.memory_space<vmem>>, %arg5: memref<1000x128xf32, #tpu.memory_space<vmem>>) attributes {dimension_semantics = [#tpu.dimension_semantics<arbitrary>], iteration_bounds = array<i64: 10>, scalar_prefetch = 0 : i64, scratch_operands = 0 : i64, tpu.core_type = #tpu.core_type<tc>, window_params = [{transform_indices = @transform_0, window_bounds = array<i64: 2, 1000, 128>}, {transform_indices = @transform_1, window_bounds = array<i64: 1000, 128>}, {transform_indices = @transform_2, window_bounds = array<i64: 1000, 1>}, {pipeline_mode = #tpu.pipeline_mode<synchronous>, transform_indices = @transform_3, window_bounds = array<i64: 128, 128>}, {transform_indices = @transform_4, window_bounds = array<i64: 1000, 128>}]} {
    %get3A = arith.constant 0 : index
    %get3A_0 = arith.constant 0 : index
    %get3A_1 = arith.constant 0 : index
    %get3A_2 = vector.load %arg1[%get3A, %get3A_0, %get3A_1] : memref<2x1000x128xf32, #tpu.memory_space<vmem>>, vector<1x1000x128xf32>
    %get3A_3 = vector.shape_cast %get3A_2 : vector<1x1000x128xf32> to vector<1000x128xf32>
    %get3A_4 = arith.constant 1 : index
    %get3A_5 = arith.constant 0 : index
    %get3A_6 = arith.constant 0 : index
    %get3A_7 = vector.load %arg1[%get3A_4, %get3A_5, %get3A_6] : memref<2x1000x128xf32, #tpu.memory_space<vmem>>, vector<1x1000x128xf32>
    %get3A_8 = vector.shape_cast %get3A_7 : vector<1x1000x128xf32> to vector<1000x128xf32>
    %add3A = arith.addf %get3A_3, %get3A_8 : vector<1000x128xf32>
    %get3A_9 = arith.constant 0 : index
    %get3A_10 = arith.constant 0 : index
    %get3A_11 = vector.load %arg3[%get3A_9, %get3A_10] : memref<1000x1xf32, #tpu.memory_space<vmem>>, vector<1000x1xf32>
    %mul3A = vector.broadcast %get3A_11 : vector<1000x1xf32> to vector<1000x128xf32>
    %mul3A_12 = arith.mulf %add3A, %mul3A : vector<1000x128xf32>
    %get3A_13 = arith.constant 0 : index
    %get3A_14 = arith.constant 0 : index
    %get3A_15 = vector.load %arg4[%get3A_13, %get3A_14] : memref<128x128xf32, #tpu.memory_space<vmem>>, vector<128x128xf32>
    %dot_general3A = arith.constant dense<0.000000e+00> : vector<1000x128xf32>
    %dot_general3A_16 = tpu.matmul %mul3A_12, %get3A_15, %dot_general3A {dimension_numbers = #tpu.dot_dimension_numbers<[1], [1], [0], [0], [0, 0, 1, 0], [], []>, transpose_lhs_hint = false} : vector<1000x128xf32>, vector<128x128xf32>, vector<1000x128xf32> -> vector<1000x128xf32>
    %get3A_17 = arith.constant 0 : index
    %get3A_18 = arith.constant 0 : index
    %get3A_19 = vector.load %arg2[%get3A_17, %get3A_18] : memref<1000x128xf32, #tpu.memory_space<vmem>>, vector<1000x128xf32>
    %add3A_20 = arith.addf %dot_general3A_16, %get3A_19 : vector<1000x128xf32>
    %swap3A = arith.constant 0 : index
    %swap3A_21 = arith.constant 0 : index
    %swap3A_22 = vector.load %arg5[%swap3A, %swap3A_21] : memref<1000x128xf32, #tpu.memory_space<vmem>>, vector<1000x128xf32>
    tpu.vector_store %arg5[%swap3A, %swap3A_21], %add3A_20 {strides = array<i32>} : memref<1000x128xf32, #tpu.memory_space<vmem>>, vector<1000x128xf32>,
    return
  }
  func.func @transform_0(%arg0: i32) -> (i32, i32, i32) {
    %c0_i32 = arith.constant 0 : i32
    %c0_i32_0 = arith.constant 0 : i32
    %c0_i32_1 = arith.constant 0 : i32
    return %c0_i32, %arg0, %c0_i32_0 : i32, i32, i32
  }
  func.func @transform_1(%arg0: i32) -> (i32, i32) {
    %c0_i32 = arith.constant 0 : i32
    %c0_i32_0 = arith.constant 0 : i32
    return %arg0, %c0_i32 : i32, i32
  }
  func.func @transform_2(%arg0: i32) -> (i32, i32) {
    %c0_i32 = arith.constant 0 : i32
    %c0_i32_0 = arith.constant 0 : i32
    return %arg0, %c0_i32 : i32, i32
  }
  func.func @transform_3(%arg0: i32) -> (i32, i32) {
    %c0_i32 = arith.constant 0 : i32
    %c0_i32_0 = arith.constant 0 : i32
    %c0_i32_1 = arith.constant 0 : i32
    return %c0_i32, %c0_i32_0 : i32, i32
  }
  func.func @transform_4(%arg0: i32) -> (i32, i32) {
    %c0_i32 = arith.constant 0 : i32
    %c0_i32_0 = arith.constant 0 : i32
    return %arg0, %c0_i32 : i32, i32
  }
}

</mosaic_0001>

<sc_bundles>
// kernel: kernel.11.cloned.1.call-start
scs
__scs_entry_jumppad:
0x0: {  	(pc) =	sbr.rel $0x88, $3  }
0x1: {  	(tag) =	ssettag $0x0;
	lr =	simm.s32 $0x1  }
0x2: {  	[smem:$0x3F99] =	sst lr;
	_ =	strace $0xD0000000  }
0x3: {  	_ = 	snop  }
0x4: {  	_ = 	snop  }
0x5: {  	_ = 	snop  }
0x6: {  	_ = 	snop  }
0x7: {  	_ = 	snop  }
__scs_overlays_trampoline_lowered:
0x8: {  	[smem:$0x3FA8] =	sst s0  }
0x9: {  	[smem:$0x3FA9] =	sst s1  }
0xa: {  	[smem:$0x3FAA] =	sst s2  }
0xb: {  	[smem:$0x3FAB] =	sst s3  }
0xc: {  	[smem:$0x3FAC] =	sst s4  }
0xd: {  	[smem:$0x3FAD] =	sst s5  }
0xe: {  	[smem:$0x3FAE] =	sst s6  }
0xf: {  	[smem:$0x3FAF] =	sst s7  }
0x10: {  	[smem:$0x3FB0] =	sst s8  }
0x11: {  	[smem:$0x3FB1] =	sst s9;
	s0 =	simm.s32 @!p0 $0x0  }
0x12: {  	s1 =	sld [smem:$0x3F97];
	s0 =	simm.s32 @p0 $0x1  }
0x13: {  	[smem:$0x3FB2] =	sst s0;
	s0 =	simm.s32 @!p1 $0x0  }
0x14: {  	s2 =	sld [smem:$0x3F96];
	s0 =	simm.s32 @p1 $0x1  }
0x15: {  	[smem:$0x3FB3] =	sst s0;
	s0 =	simm.s32 @!p2 $0x0  }
0x16: {  	s3 =	sld [smem:$0x3FDB];
	s0 =	simm.s32 @p2 $0x1  }
0x17: {  	s4 =	simm.s32 $0x1BF5;
	[smem:$0x3FB5] =	sst s0  }
0x18: {  	s0 =	sld [smem:$0x3F98];
	_ =	swait.ge [sflag:s4], $0x0  }
0x19: {  	s7 =	sld [smem:$0x3F99]  }
0x1a: {  	s8 =	sadd.s32 $0xFFFFE003, lr  }
0x1b: {  	s9 =	sadd.s32 $0xFFFFFEF7, lr;
	s5 =	simm.s32 $0xFFFFFFFF;
	p2 =	slt.u32 s8, $0xFFFFF086  }
0x1c: {  	p1 =	slt.u32 s9, $0xF7A;
	s5 =	simm.s32 @!p2 $0x0  }
0x1d: {  	s5 =	simm.s32 @p1 $0x1;
	p0 =	seq.s32 s7, s2  }
0x1e: {  	s7 =	smul.u32 @!p0 $0xF7A, s2;
	p2 =	seq.s32 @!p0 s5, $0x0  }
0x1f: {  	s9 =	smul.u32 $0xF7A, s1;
	s8 =	simm.s32 @!p0 $0x1BF5;
	p2 =	por !p2, p0  }
0x20: {  	[sflag:s8] =	ssyncset.s32 @!p0 $0xFFFFF086;
	s6 =	sadd.s32 @!p0 s3, s7;
	s7 =	simm.s32 @!p0 $0x108  }
0x21: {  	s3 =	sadd.s32 s3, s9;
	s6 =	sadd.s32 @!p0 $0x88, s6;
	s7 =	simm.s32 @p2 $0x1082  }
0x22: {  	[simem:s7], [sflag:s8] =	dma.local @!p0 [hbm:s6], $0xF7A  }
0x23: {  	s9 =	sor.u32 $0xD0000000, s2;
	s6 =	simm.s32 $0x108;
	_ =	swait.ge @!p0 [sflag:s8], $0x0  }
0x24: {  	s3 =	sadd.s32 $0x88, s3;
	s6 =	simm.s32 @!p1 $0x1082;
	[sflag:s4] =	ssyncset.s32 $0xFFFFF086  }
0x25: {  	[simem:s6], [sflag:s4] =	dma.local [hbm:s3], $0xF7A  }
0x26: {  	[smem:$0x3F99] =	sst s1;
	(tag) =	ssettag s2;
	_ =	strace s9  }
0x27: {  	s1 =	sld [smem:$0x3FA9]  }
0x28: {  	s2 =	sld [smem:$0x3FAA]  }
0x29: {  	s4 =	sld [smem:$0x3FAC]  }
0x2a: {  	p0 =	seq.s32 s5, $0x0;
	s5 =	sld [smem:$0x3FAD]  }
0x2b: {  	s6 =	sld [smem:$0x3FAE]  }
0x2c: {  	s7 =	sld [smem:$0x3FAF]  }
0x2d: {  	s3 =	simm.s32 $0x108;
	s8 =	sld [smem:$0x3FB0]  }
0x2e: {  	s3 =	simm.s32 @!p0 $0x1082;
	s9 =	sld [smem:$0x3FB1]  }
0x2f: {  	lr =	sadd.s32 s0, s3;
	s0 =	sld [smem:$0x3FA8]  }
0x30: {  	s3 =	sld [smem:$0x3FAB]  }
0x31: {  	[smem:$0x3FB4] =	sst s10  }
0x32: {  	s10 =	sld [smem:$0x3FB2];
	_ =	sdelay $0x3  }
0x33: {  	p0 =	seq.s32 s10, $0x1;
	s10 =	sld [smem:$0x3FB4];
	_ =	sdelay $0x3  }
0x34: {  	[smem:$0x3FB4] =	sst s10  }
0x35: {  	s10 =	sld [smem:$0x3FB3];
	_ =	sdelay $0x3  }
0x36: {  	p1 =	seq.s32 s10, $0x1;
	s10 =	sld [smem:$0x3FB4];
	_ =	sdelay $0x3  }
0x37: {  	[smem:$0x3FB4] =	sst s10  }
0x38: {  	s10 =	sld [smem:$0x3FB5]  }
0x39: {  	_ = 	snop;
	(pc) =	sbr.ind lr, $3  }
0x3a: {  	_ = 	snop  }
0x3b: {  	_ = 	snop  }
0x3c: {  	p2 =	seq.s32 s10, $0x1;
	s10 =	sld [smem:$0x3FB4]  }
0x3d: {  	_ =	shalt  }
0x3e: {  	_ =	shalt  }
0x3f: {  	_ =	shalt  }
0x40: {  	_ =	shalt  }
0x41: {  	_ =	shalt  }
0x42: {  	_ =	shalt  }
0x43: {  	_ =	shalt  }
0x44: {  	_ =	shalt  }
0x45: {  	_ =	shalt  }
0x46: {  	_ =	shalt  }
0x47: {  	_ =	shalt  }
0x48: {  	_ =	shalt  }
0x49: {  	_ =	shalt  }
0x4a: {  	_ =	shalt  }
0x4b: {  	_ =	shalt  }
0x4c: {  	_ =	shalt  }
0x4d: {  	_ =	shalt  }
0x4e: {  	_ =	shalt  }
0x4f: {  	_ =	shalt  }
0x50: {  	_ =	shalt  }
0x51: {  	_ =	shalt  }
0x52: {  	_ =	shalt  }
0x53: {  	_ =	shalt  }
0x54: {  	_ =	shalt  }
0x55: {  	_ =	shalt  }
0x56: {  	_ =	shalt  }
0x57: {  	_ =	shalt  }
0x58: {  	_ =	shalt  }
0x59: {  	_ =	shalt  }
0x5a: {  	_ =	shalt  }
0x5b: {  	_ =	shalt  }
0x5c: {  	_ =	shalt  }
0x5d: {  	_ =	shalt  }
0x5e: {  	_ =	shalt  }
0x5f: {  	_ =	shalt  }
0x60: {  	_ =	shalt  }
0x61: {  	_ =	shalt  }
0x62: {  	_ =	shalt  }
0x63: {  	_ =	shalt  }
0x64: {  	_ =	shalt  }
0x65: {  	_ =	shalt  }
0x66: {  	_ =	shalt  }
0x67: {  	_ =	shalt  }
0x68: {  	_ =	shalt  }
0x69: {  	_ =	shalt  }
0x6a: {  	_ =	shalt  }
0x6b: {  	_ =	shalt  }
0x6c: {  	_ =	shalt  }
0x6d: {  	_ =	shalt  }
0x6e: {  	_ =	shalt  }
0x6f: {  	_ =	shalt  }
0x70: {  	_ =	shalt  }
0x71: {  	_ =	shalt  }
0x72: {  	_ =	shalt  }
0x73: {  	_ =	shalt  }
0x74: {  	_ =	shalt  }
0x75: {  	_ =	shalt  }
0x76: {  	_ =	shalt  }
0x77: {  	_ =	shalt  }
0x78: {  	_ =	shalt  }
0x79: {  	_ =	shalt  }
0x7a: {  	_ =	shalt  }
0x7b: {  	_ =	shalt  }
0x7c: {  	_ =	shalt  }
0x7d: {  	_ =	shalt  }
0x7e: {  	_ =	shalt  }
0x7f: {  	_ =	shalt  }
0x80: {  	_ =	shalt  }
0x81: {  	_ =	shalt  }
0x82: {  	_ =	shalt  }
0x83: {  	_ =	shalt  }
0x84: {  	_ =	shalt  }
0x85: {  	_ =	shalt  }
0x86: {  	_ =	shalt  }
0x87: {  	_ =	shalt  }
.Lfunc_end0:
.L_simem_size_0:
called_computation.1_lowered:
.L_overlay_start_0:
0x88: {  	s2 =	sld [smem:$0x3FD9]  }
0x89: {  	s3 =	sld [smem:$0x3FFE];
	_ =	sdelay $0x1  }
0x8a: {  	s1 =	srdreg.scid  }
0x8b: {  	s0 =	sand.u32 $0x1, s1  }
0x8c: {  	s17 =	sshll.u32 s0, $0xA;
	s2 =	sadd.s32 s3, s2  }
0x8d: {  	s2 =	sadd.s32 s2, s17  }
0x8e: {  	[smem:$0x3FC0] =	sst s2  }
0x8f: {  	_ = 	snop  }
0x90: {  	s2 =	sld [smem:$0x3FD0];
	(tm) =	ssettm $0x1  }
0x91: {  	s18 =	sld [smem:$0x3FFB];
	_ =	sdelay $0x3  }
0x92: {  	_ =	strace s18  }
0x93: {  	s3 =	sld [smem:$0x3FFC];
	_ =	sdelay $0x3  }
0x94: {  	_ =	strace s3  }
0x95: {  	s3 =	sld [smem:$0x3FFD];
	_ =	sdelay $0x3  }
0x96: {  	_ =	strace s3  }
0x97: {  	_ =	strace $0x8FFFFFFF  }
0x98: {  	s19 =	sld [smem:$0x3FDB];
	_ =	sdelay $0x1  }
0x99: {  	s4 =	simm.s32 $_scs_section_size  }
0x9a: {  	s5 =	simm.s32 $_size__tile_overlayer_lowered;
	s6 =	simm.s32 $_tile_overlayer_lowered  }
0x9b: {  	s22 =	simm.s32 $0x1BFF;
	s21 =	sshll.u32 s6, $0x1;
	s3 =	sadd.s32 s4, s19  }
0x9c: {  	s7 =	simm.s32 $0x0;
	s20 =	sshll.u32 s5, $0x1;
	s5 =	sadd.s32 s21, s3  }
0x9d: {  	[timem:s7], [sflag:s22] =	dma.local [hbm:s5], s20  }
0x9e: {  	_ =	swait.ge [sflag:s22], s20  }
0x9f: {  	s4 =	ssub.s32 $0x0, s20;
	[sflag:s22] =	ssyncset.done $0x0  }
0xa0: {  	[sflag:s22] =	ssyncadd.s32 s4;
	_ =	sdelay $0x1  }
0xa1: {  	s23 =	simm.s32 $0x1B8B  }
0xa2: {  	_ =	swait.ge [sflag:s23], $0x1  }
0xa3: {  	[sflag:s23] =	ssyncset.done $0x0  }
0xa4: {  	s25 =	simm.s32 $0x1B8E;
	s24 =	sld [smem:$0x3FFE];
	[sflag:s23] =	ssyncadd.s32 $0xFFFFFFFF  }
0xa5: {  	s26 =	simm.s32 $execute0_lowered;
	[smem:$0x3FD2] =	sst s25  }
0xa6: {  	s5 =	sshll.u32 s26, $0x1;
	_ =	strace $0x80000049;
	[dreg:$0x1] =	wrdreg $0xFFFFFFFF  }
0xa7: {  	s28 =	simm.s32 $_size_execute0_lowered;
	s3 =	sadd.s32 s3, s5;
	[dreg:$0x0] =	wrdreg $0x0  }
0xa8: {  	s5 =	sshll.u32 s28, $0x1;
	[dreg:$0x2] =	wrdreg s3  }
0xa9: {  	[dreg:$0x3] =	wrdreg s5  }
0xaa: {  	[dreg:$0x4] =	wrdreg $0xC0  }
0xab: {  	_ =	task [dreg:s7], $0x5FFFF  }
0xac: {  	[dreg:$0x1] =	wrdreg $0xFFFFFFFF  }
0xad: {  	[dreg:$0x0] =	wrdreg $0x60  }
0xae: {  	[dreg:$0x2] =	wrdreg s2  }
0xaf: {  	[dreg:$0x3] =	wrdreg s24  }
0xb0: {  	[dreg:$0x4] =	wrdreg $0x0  }
0xb1: {  	[dreg:$0x5] =	wrdreg $0x9  }
0xb2: {  	_ =	task.clear_ibuf [dreg:s7], $0x6FFFF;
	_ =	strace $0x90000049  }
0xb3: {  	s29 =	simm.s32 $0x9;
	_ =	strace $0x8000004B  }
0xb4: {  	_ =	swait.ge [sflag:s29], $0x1  }
0xb5: {  	[sflag:s29] =	ssyncadd.s32 $0xFFFFFFFF  }
0xb6: {  	_ =	strace $0x9000004B  }
0xb7: {  	_ =	sfence  }
0xb8: {  	s30 =	sld [smem:$0x0];
	_ =	sdelay $0x2  }
0xb9: {  	s31 =	sshll.u32 s1, $0xD;
	s1 =	sshrl.u32 s1, $0x2  }
0xba: {  	s3 =	sand.u32 $0x4000, s31;
	s1 =	sadd.s32 s1, s30  }
0xbb: {  	s0 =	sor.u32 s3, s0;
	s1 =	sshll.u32 s1, $0x11  }
0xbc: {  	s0 =	sor.u32 s1, s0  }
0xbd: {  	s0 =	sadd.s32 $0x8F2B, s0  }
0xbe: {  	[sflag:s0] =	ssyncadd.remote.s32 $0x1  }
0xbf: {  	_ =	sfence.sel $0xFFFF  }
0xc0: {  	[dreg:$0x0] =	wrdreg $0xFFFFFFFF;
	(pc) =	sbr.abs _section_cstart, $3  }
0xc1: {  	[dreg:$0x1] =	wrdreg $0xFFFFFFFF  }
0xc2: {  	_ =	task.clear_ibuf [dreg:s7], $0x2FFFF;
	_ =	strace $0x9FFFFFFF  }
0xc3: {  	(tm) =	ssettm $0x7FFFFFFF  }
tec
execute0_lowered:
.L_overlay_start_1:
0x0: {  	(tag) =	ssettag $0x1  }
0x1: {  	s10 =	stileid.u32  }
0x2: {  	s1 =	rddreg [dreg:$0x0];
	s8 =	smul.u32 $0x50000, s10  }
0x3: {  	s0 =	rddreg [dreg:$0x1];
	s6 =	smul.u32 $0x14000, s10  }
0x4: {  	s3 =	rddreg [dreg:$0x2];
	s4 =	simm.s32 $0x0;
	s8 =	sshrl.u32 s8, $0x2  }
0x5: {  	[smem:$0x7FF] =	sst s4;
	s20 =	sadd.s32 s6, s3;
	s8 =	sadd.s32 s8, s3  }
0x6: {  	_ =	strace $0x8000004A;
	[dreg:$0x4] =	wrdreg s20;
	s28 =	sadd.s32 $0x1000, s8  }
0x7: {  	s29 =	sadd.s32 $0x2000, s8;
	[dreg:$0x5] =	wrdreg s28  }
0x8: {  	s2 =	srdreg.scid;
	s11 =	sadd.s32 $0x4000, s8;
	[dreg:$0x6] =	wrdreg s29  }
0x9: {  	s30 =	simm.s32 $0x1C7A0;
	s12 =	sadd.s32 $0x5000, s8;
	[dreg:$0x8] =	wrdreg s11  }
0xa: {  	s31 =	simm.s32 $0x2;
	s13 =	sadd.s32 $0x6000, s8;
	[dreg:$0x9] =	wrdreg s12  }
0xb: {  	s2 =	sand.u32 $0x1, s2;
	s14 =	sadd.s32 $0x7000, s8;
	[dreg:$0xa] =	wrdreg s13  }
0xc: {  	s5 =	smul.u32 $0x140000, s2;
	s15 =	sadd.s32 $0x8000, s8;
	[dreg:$0xb] =	wrdreg s14  }
0xd: {  	s9 =	ssub.s32 $0x2, s2;
	s16 =	sadd.s32 $0x9000, s8;
	[dreg:$0xc] =	wrdreg s15  }
0xe: {  	s2 =	sshll.u32 s2, $0x4;
	s17 =	sadd.s32 $0xA000, s8;
	[dreg:$0xd] =	wrdreg s16  }
0xf: {  	s26 =	sshrl.u32 s9, $0x1;
	s18 =	sadd.s32 $0xB000, s8;
	[dreg:$0xe] =	wrdreg s17  }
0x10: {  	s2 =	sor.u32 s10, s2;
	s19 =	sadd.s32 $0xC000, s8;
	[dreg:$0xf] =	wrdreg s18  }
0x11: {  	s10 =	simm.s32 $0x177A0;
	s21 =	sadd.s32 $0xD000, s8;
	[dreg:$0x10] =	wrdreg s19  }
0x12: {  	s7 =	sadd.s32 s6, s5;
	s22 =	sadd.s32 $0xE000, s8;
	[dreg:$0x11] =	wrdreg s21  }
0x13: {  	s5 =	sadd.s32 $0x2800, s0;
	s23 =	sadd.s32 $0xF000, s8;
	[dreg:$0x12] =	wrdreg s22  }
0x14: {  	s7 =	sshrl.u32 s7, $0x3;
	s24 =	sadd.s32 $0x10000, s8;
	[dreg:$0x13] =	wrdreg s23  }
0x15: {  	s25 =	sadd.s32 $0x11000, s8;
	s0 =	sadd.s32 s7, s0;
	[dreg:$0x14] =	wrdreg s24  }
0x16: {  	s7 =	ssub.s32 s9, s26;
	s9 =	sadd.s32 $0x3000, s8;
	[dreg:$0x15] =	wrdreg s25  }
0x17: {  	s26 =	sadd.s32 $0x12000, s8;
	s28 =	sadd.s32 $0x13000, s8;
	s8 =	simm.s32 $0x14FA0  }
0x18: {  	s11 =	simm.s32 $0x1;
	s12 =	simm.s32 $0x140A0;
	[dreg:$0x7] =	wrdreg s9  }
0x19: {  	s13 =	simm.s32 $0x19FA0;
	s14 =	simm.s32 $0x14F00;
	[dreg:$0x16] =	wrdreg s26  }
0x1a: {  	s15 =	simm.s32 $0x14F50;
	s17 =	simm.s32 $0x0;
	[dreg:$0x17] =	wrdreg s28  }
0x1b: {  	s26 =	smul.u32 $0x7D, s2;
	s0 =	sadd.s32 $0x16200, s0;
	s29 =	smax.u32 s7, $0x1  }
0x1c: {  	s2 =	simm.s32 $0x14000;
	s7 =	simm.s32 $0x50;
	[dreg:$0x18] =	wrdreg s0  }
0x1d: {  	v0 =	vimm.f32 $0.0e+00;
	s9 =	simm.s32 $0x14050;
	[dreg:$0x19] =	wrdreg s29;
	s0 =	simm.s32 $0x147D0  }
.LBB2_1:
0x1e: {  	s18 =	simm.s32 $0x0;
	s19 =	simm.s32 $0x200  }
.LBB2_2:
0x1f: {  	p0 =	sne.s32 s19, $0x3E00;
	[tilespmem:s18+$0x1C810] =	vst v0  }
0x20: {  	[tilespmem:s18+$0x1C7A0] =	vst v0  }
0x21: {  	[tilespmem:s18+$0x1C7B0] =	vst v0  }
.Ltmp0:
0x22: {  	[tilespmem:s18+$0x1C7C0] =	vst v0;
	(pc) =	sbr.rel @p0 .LBB2_2-.Ltmp0, $4  }
0x23: {  	[tilespmem:s18+$0x1C7D0] =	vst v0  }
0x24: {  	[tilespmem:s18+$0x1C7E0] =	vst v0  }
0x25: {  	[tilespmem:s18+$0x1C7F0] =	vst v0  }
0x26: {  	[tilespmem:s18+$0x1C800] =	vst v0;
	s18 =	sshra.s32 s19, $0x2;
	s19 =	sadd.s32 $0x200, s19  }
0x27: {  	[tilespmem:s18+$0x1C810] =	vst v0  }
0x28: {  	[tilespmem:s18+$0x1C7A0] =	vst v0  }
0x29: {  	[tilespmem:s18+$0x1C7B0] =	vst v0  }
0x2a: {  	[tilespmem:s18+$0x1C7C0] =	vst v0  }
0x2b: {  	[tilespmem:s18+$0x1C7D0] =	vst v0  }
0x2c: {  	[tilespmem:s18+$0x1C7E0] =	vst v0  }
0x2d: {  	[tilespmem:s18+$0x1C7F0] =	vst v0  }
0x2e: {  	[tilespmem:s18+$0x1C800] =	vst v0  }
0x2f: {  	[spmem:s20] =	stream.linear.scatter [tilespmem:s30], [sflag:$0x2], $0x1000, $0x38;
	[tilespmem:$0x1D7A0] =	vst v63  }
0x30: {  	s6 =	rddreg [dreg:$0x5]  }
0x31: {  	[spmem:s6] =	stream.linear.scatter [tilespmem:s30], [sflag:$0x2], $0x1000, $0x38;
	[tilespmem:$0x1D7A0] =	vst v63  }
0x32: {  	s21 =	rddreg [dreg:$0x6]  }
0x33: {  	[spmem:s21] =	stream.linear.scatter [tilespmem:s30], [sflag:$0x2], $0x1000, $0x38;
	[tilespmem:$0x1D7A0] =	vst v63  }
0x34: {  	s22 =	rddreg [dreg:$0x7]  }
0x35: {  	[spmem:s22] =	stream.linear.scatter [tilespmem:s30], [sflag:$0x2], $0x1000, $0x38;
	[tilespmem:$0x1D7A0] =	vst v63  }
0x36: {  	s23 =	rddreg [dreg:$0x8]  }
0x37: {  	[spmem:s23] =	stream.linear.scatter [tilespmem:s30], [sflag:$0x2], $0x1000, $0x38;
	[tilespmem:$0x1D7A0] =	vst v63  }
0x38: {  	s24 =	rddreg [dreg:$0x9]  }
0x39: {  	[spmem:s24] =	stream.linear.scatter [tilespmem:s30], [sflag:$0x2], $0x1000, $0x38;
	[tilespmem:$0x1D7A0] =	vst v63  }
0x3a: {  	s25 =	rddreg [dreg:$0xa]  }
0x3b: {  	[spmem:s25] =	stream.linear.scatter [tilespmem:s30], [sflag:$0x2], $0x1000, $0x38;
	[tilespmem:$0x1D7A0] =	vst v63  }
0x3c: {  	s28 =	rddreg [dreg:$0xb]  }
0x3d: {  	[spmem:s28] =	stream.linear.scatter [tilespmem:s30], [sflag:$0x2], $0x1000, $0x38;
	[tilespmem:$0x1D7A0] =	vst v63  }
0x3e: {  	s29 =	rddreg [dreg:$0xc]  }
0x3f: {  	[spmem:s29] =	stream.linear.scatter [tilespmem:s30], [sflag:$0x2], $0x1000, $0x38;
	[tilespmem:$0x1D7A0] =	vst v63  }
0x40: {  	s16 =	rddreg [dreg:$0xd]  }
0x41: {  	[spmem:s16] =	stream.linear.scatter [tilespmem:s30], [sflag:$0x2], $0x1000, $0x38;
	[tilespmem:$0x1D7A0] =	vst v63  }
0x42: {  	s18 =	rddreg [dreg:$0xe]  }
0x43: {  	[spmem:s18] =	stream.linear.scatter [tilespmem:s30], [sflag:$0x2], $0x1000, $0x38;
	[tilespmem:$0x1D7A0] =	vst v63  }
0x44: {  	s19 =	rddreg [dreg:$0xf]  }
0x45: {  	[spmem:s19] =	stream.linear.scatter [tilespmem:s30], [sflag:$0x2], $0x1000, $0x38;
	[tilespmem:$0x1D7A0] =	vst v63  }
0x46: {  	s20 =	rddreg [dreg:$0x10]  }
0x47: {  	[spmem:s20] =	stream.linear.scatter [tilespmem:s30], [sflag:$0x2], $0x1000, $0x38;
	[tilespmem:$0x1D7A0] =	vst v63  }
0x48: {  	s21 =	rddreg [dreg:$0x11]  }
0x49: {  	[spmem:s21] =	stream.linear.scatter [tilespmem:s30], [sflag:$0x2], $0x1000, $0x38;
	[tilespmem:$0x1D7A0] =	vst v63  }
0x4a: {  	s22 =	rddreg [dreg:$0x12]  }
0x4b: {  	[spmem:s22] =	stream.linear.scatter [tilespmem:s30], [sflag:$0x2], $0x1000, $0x38;
	[tilespmem:$0x1D7A0] =	vst v63  }
0x4c: {  	s23 =	rddreg [dreg:$0x13]  }
0x4d: {  	[spmem:s23] =	stream.linear.scatter [tilespmem:s30], [sflag:$0x2], $0x1000, $0x38;
	[tilespmem:$0x1D7A0] =	vst v63  }
0x4e: {  	s24 =	rddreg [dreg:$0x14]  }
0x4f: {  	[spmem:s24] =	stream.linear.scatter [tilespmem:s30], [sflag:$0x2], $0x1000, $0x38;
	[tilespmem:$0x1D7A0] =	vst v63  }
0x50: {  	s25 =	rddreg [dreg:$0x15]  }
0x51: {  	[spmem:s25] =	stream.linear.scatter [tilespmem:s30], [sflag:$0x2], $0x1000, $0x38;
	[tilespmem:$0x1D7A0] =	vst v63  }
0x52: {  	s28 =	rddreg [dreg:$0x16]  }
0x53: {  	[spmem:s28] =	stream.linear.scatter [tilespmem:s30], [sflag:$0x2], $0x1000, $0x38;
	[tilespmem:$0x1D7A0] =	vst v63  }
0x54: {  	s29 =	rddreg [dreg:$0x17]  }
0x55: {  	[spmem:s29] =	stream.linear.scatter [tilespmem:s30], [sflag:$0x2], $0x1000, $0x38;
	[tilespmem:$0x1D7A0] =	vst v63  }
0x56: {  	_ =	swait.ge [sflag:s31], $0x1000  }
0x57: {  	[sflag:s31] =	ssyncset.done $0x0  }
0x58: {  	[sflag:s31] =	ssyncadd.s32 $0xFFFFF000  }
0x59: {  	_ =	swait.ge [sflag:s31], $0x1000  }
0x5a: {  	[sflag:s31] =	ssyncset.done $0x0  }
0x5b: {  	[sflag:s31] =	ssyncadd.s32 $0xFFFFF000  }
0x5c: {  	_ =	swait.ge [sflag:s31], $0x1000  }
0x5d: {  	[sflag:s31] =	ssyncset.done $0x0  }
0x5e: {  	[sflag:s31] =	ssyncadd.s32 $0xFFFFF000  }
0x5f: {  	_ =	swait.ge [sflag:s31], $0x1000  }
0x60: {  	[sflag:s31] =	ssyncset.done $0x0  }
0x61: {  	[sflag:s31] =	ssyncadd.s32 $0xFFFFF000  }
0x62: {  	_ =	swait.ge [sflag:s31], $0x1000  }
0x63: {  	[sflag:s31] =	ssyncset.done $0x0  }
0x64: {  	[sflag:s31] =	ssyncadd.s32 $0xFFFFF000  }
0x65: {  	_ =	swait.ge [sflag:s31], $0x1000  }
0x66: {  	[sflag:s31] =	ssyncset.done $0x0  }
0x67: {  	[sflag:s31] =	ssyncadd.s32 $0xFFFFF000  }
0x68: {  	_ =	swait.ge [sflag:s31], $0x1000  }
0x69: {  	[sflag:s31] =	ssyncset.done $0x0  }
0x6a: {  	[sflag:s31] =	ssyncadd.s32 $0xFFFFF000  }
0x6b: {  	_ =	swait.ge [sflag:s31], $0x1000  }
0x6c: {  	[sflag:s31] =	ssyncset.done $0x0  }
0x6d: {  	[sflag:s31] =	ssyncadd.s32 $0xFFFFF000  }
0x6e: {  	_ =	swait.ge [sflag:s31], $0x1000  }
0x6f: {  	[sflag:s31] =	ssyncset.done $0x0  }
0x70: {  	[sflag:s31] =	ssyncadd.s32 $0xFFFFF000  }
0x71: {  	_ =	swait.ge [sflag:s31], $0x1000  }
0x72: {  	[sflag:s31] =	ssyncset.done $0x0  }
0x73: {  	[sflag:s31] =	ssyncadd.s32 $0xFFFFF000  }
0x74: {  	_ =	swait.ge [sflag:s31], $0x1000  }
0x75: {  	[sflag:s31] =	ssyncset.done $0x0  }
0x76: {  	[sflag:s31] =	ssyncadd.s32 $0xFFFFF000  }
0x77: {  	_ =	swait.ge [sflag:s31], $0x1000  }
0x78: {  	[sflag:s31] =	ssyncset.done $0x0  }
0x79: {  	[sflag:s31] =	ssyncadd.s32 $0xFFFFF000  }
0x7a: {  	_ =	swait.ge [sflag:s31], $0x1000  }
0x7b: {  	[sflag:s31] =	ssyncset.done $0x0  }
0x7c: {  	[sflag:s31] =	ssyncadd.s32 $0xFFFFF000  }
0x7d: {  	_ =	swait.ge [sflag:s31], $0x1000  }
0x7e: {  	[sflag:s31] =	ssyncset.done $0x0  }
0x7f: {  	[sflag:s31] =	ssyncadd.s32 $0xFFFFF000  }
0x80: {  	_ =	swait.ge [sflag:s31], $0x1000  }
0x81: {  	[sflag:s31] =	ssyncset.done $0x0  }
0x82: {  	[sflag:s31] =	ssyncadd.s32 $0xFFFFF000  }
0x83: {  	_ =	swait.ge [sflag:s31], $0x1000  }
0x84: {  	[sflag:s31] =	ssyncset.done $0x0  }
0x85: {  	[sflag:s31] =	ssyncadd.s32 $0xFFFFF000  }
0x86: {  	_ =	swait.ge [sflag:s31], $0x1000  }
0x87: {  	[sflag:s31] =	ssyncset.done $0x0  }
0x88: {  	[sflag:s31] =	ssyncadd.s32 $0xFFFFF000  }
0x89: {  	_ =	swait.ge [sflag:s31], $0x1000  }
0x8a: {  	[sflag:s31] =	ssyncset.done $0x0  }
0x8b: {  	[sflag:s31] =	ssyncadd.s32 $0xFFFFF000  }
0x8c: {  	_ =	swait.ge [sflag:s31], $0x1000  }
0x8d: {  	[sflag:s31] =	ssyncset.done $0x0  }
0x8e: {  	[sflag:s31] =	ssyncadd.s32 $0xFFFFF000  }
0x8f: {  	_ =	swait.ge [sflag:s31], $0x1000  }
0x90: {  	[sflag:s31] =	ssyncset.done $0x0  }
0x91: {  	[sflag:s31] =	ssyncadd.s32 $0xFFFFF000  }
0x92: {  	s18 =	simm.s32 $0x0;
	[bflag:$0x0] =	sbarrier.arrive $0xFFFF  }
.LBB2_4:
0x93: {  	s19 =	smul.u32 $0x19, s18;
	_ =	sdelay $0x1  }
0x94: {  	s19 =	sadd.s32 s26, s19  }
0x95: {  	s19 =	smul.u32 $0x50, s19;
	_ =	sdelay $0x1  }
0x96: {  	s19 =	sshrl.u32 s19, $0x3  }
0x97: {  	s20 =	simm.s32 $0x3;
	s19 =	sadd.s32 s5, s19  }
0x98: {  	[tilespmem:s2], [sflag:$0x3] =	stream.linear.gather [hbm4b:s19+s4], $0x7D0, $0x38;
	[tilespmem:$0x1D7A0] =	vst v63  }
0x99: {  	_ =	swait.ge [sflag:s20], $0x7D0  }
0x9a: {  	[sflag:s20] =	ssyncset.done $0x0  }
0x9b: {  	s19 =	sadd.s32 $0x9C40, s19;
	[sflag:s20] =	ssyncadd.s32 $0xFFFFF830  }
0x9c: {  	[tilespmem:s0], [sflag:$0x3] =	stream.linear.gather [hbm4b:s19+s4], $0x7D0, $0x38;
	[tilespmem:$0x1D7A0] =	vst v63  }
0x9d: {  	s25 =	smul.u32 $0xAB, s20;
	_ =	swait.ge [sflag:s20], $0x7D0  }
0x9e: {  	[sflag:s20] =	ssyncset.done $0x0  }
0x9f: {  	[sflag:s20] =	ssyncadd.s32 $0xFFFFF830;
	s20 =	sadd.s32 $0xFFFFFEAA, s25  }
0xa0: {  	[tilespmem:s8], [sflag:$0x1] =	stream.indirect.gather [hbm4b:s1+s7], $0x80, s2, s7, $0xb8;
	[tilespmem:$0x1D7A0] =	vst v63  }
0xa1: {  	s20 =	sshrl.u32 s20, $0x9  }
0xa2: {  	s19 =	sshrl.u32 s25, $0x9;
	s20 =	sand.u32 $0x7F, s20  }
0xa3: {  	[tilespmem:s10], [sflag:$0x1] =	stream.indirect.gather [hbm4b:s1+s7], $0x80, s9, s7, $0xb8;
	[tilespmem:$0x1D7A0] =	vst v63  }
0xa4: {  	s23 =	simm.s32 $0x14820;
	s19 =	sand.u32 $0x7F, s19;
	s20 =	smul.u32 $0x3, s20  }
0xa5: {  	s21 =	simm.s32 $0x4;
	s19 =	smul.u32 $0x3, s19;
	_ =	swait.ge [sflag:s11], $0x2800  }
0xa6: {  	s25 =	smul.u32 $0xAB, s21;
	[sflag:s11] =	ssyncset.done $0x0;
	s20 =	ssub.s32 $0x3, s20  }
0xa7: {  	s19 =	ssub.s32 $0x3, s19;
	[sflag:s11] =	ssyncadd.s32 $0xFFFFD800;
	s20 =	sadd.s32 $0xFFFFFFFE, s20  }
0xa8: {  	[spmem:s3] =	stream.indirect.scatter.add.f32 [tilespmem:s8], [sflag:$0x2], $0x80, s0, s7, $0xb8;
	[tilespmem:$0x1D7A0] =	vst v63  }
0xa9: {  	s24 =	simm.s32 $0x5;
	s19 =	sand.u32 $0xFF, s19;
	s20 =	sand.u32 $0xFF, s20  }
0xaa: {  	s29 =	sadd.s32 $0xFFFFFEAA, s25;
	s25 =	sshrl.u32 s25, $0x9;
	s20 =	smul.u32 $0xA000, s20  }
0xab: {  	[tilespmem:s13], [sflag:$0x1] =	stream.indirect.gather [hbm4b:s1+s7], $0x80, s12, s7, $0xb8;
	[tilespmem:$0x1D7A0] =	vst v63  }
0xac: {  	s22 =	smul.u32 $0xA000, s19;
	s19 =	simm.s32 $0x140F0;
	_ =	swait.ge [sflag:s11], $0x2800  }
0xad: {  	s25 =	sand.u32 $0x7F, s25;
	s20 =	sshrl.u32 s20, $0x2;
	[sflag:s11] =	ssyncset.done $0x0  }
0xae: {  	s25 =	smul.u32 $0x3, s25;
	s20 =	sadd.s32 $0x14FA0, s20;
	[sflag:s11] =	ssyncadd.s32 $0xFFFFD800  }
0xaf: {  	[spmem:s3] =	stream.indirect.scatter.add.f32 [tilespmem:s20], [sflag:$0x2], $0x80, s23, s7, $0xb8;
	[tilespmem:$0x1D7A0] =	vst v63  }
0xb0: {  	s22 =	sshrl.u32 s22, $0x2;
	s20 =	simm.s32 $0x14870;
	_ =	swait.ge [sflag:s31], $0x2800  }
0xb1: {  	s23 =	sadd.s32 $0x14FA0, s22;
	s22 =	sshrl.u32 s29, $0x9;
	[sflag:s31] =	ssyncset.done $0x0  }
0xb2: {  	s28 =	sand.u32 $0x7F, s22;
	s22 =	simm.s32 $0x140F0;
	[sflag:s31] =	ssyncadd.s32 $0xFFFFD800  }
.LBB2_5:
0xb3: {  	s28 =	smul.u32 $0x3, s28;
	s19 =	sadd.s32 $0x50, s19  }
0xb4: {  	s29 =	smov.u32 s24;
	s16 =	sadd.s32 $0x1, s24;
	s6 =	smov.u32 s20  }
0xb5: {  	[tilespmem:s23], [sflag:$0x1] =	stream.indirect.gather [hbm4b:s1+s7], $0x80, s22, s7, $0xb8;
	[tilespmem:$0x1D7A0] =	vst v63  }
0xb6: {  	p0 =	sne.s32 s24, $0x18;
	s22 =	ssub.s32 s21, s28;
	s21 =	ssub.s32 s21, s25  }
0xb7: {  	s22 =	sadd.s32 $0xFFFFFFFE, s22;
	s23 =	sand.u32 $0xFF, s21;
	s21 =	smov.u32 s29  }
0xb8: {  	s24 =	sand.u32 $0xFF, s22;
	s23 =	smul.u32 $0xA000, s23;
	s22 =	smov.u32 s19  }
0xb9: {  	s24 =	smul.u32 $0xA000, s24  }
0xba: {  	s20 =	sadd.s32 $0x50, s20;
	_ =	swait.ge [sflag:s11], $0x2800;
	s23 =	sshrl.u32 s23, $0x2  }
0xbb: {  	s24 =	sshrl.u32 s24, $0x2;
	[sflag:s11] =	ssyncset.done $0x0;
	s23 =	sadd.s32 $0x14FA0, s23  }
0xbc: {  	s25 =	smul.u32 $0xAB, s21;
	s24 =	sadd.s32 $0x14FA0, s24;
	[sflag:s11] =	ssyncadd.s32 $0xFFFFD800  }
0xbd: {  	[spmem:s3] =	stream.indirect.scatter.add.f32 [tilespmem:s24], [sflag:$0x2], $0x80, s6, s7, $0xb8;
	[tilespmem:$0x1D7A0] =	vst v63  }
.Ltmp1:
0xbe: {  	_ = 	snop;
	(pc) =	sbr.rel @p0 .LBB2_5-.Ltmp1, $4  }
0xbf: {  	s6 =	sadd.s32 $0xFFFFFEAA, s25  }
0xc0: {  	s24 =	sshrl.u32 s25, $0x9;
	_ =	swait.ge [sflag:s31], $0x2800;
	s6 =	sshrl.u32 s6, $0x9  }
0xc1: {  	s24 =	sand.u32 $0x7F, s24;
	[sflag:s31] =	ssyncset.done $0x0;
	s28 =	sand.u32 $0x7F, s6  }
0xc2: {  	s25 =	smul.u32 $0x3, s24;
	s24 =	smov.u32 s16;
	[sflag:s31] =	ssyncadd.s32 $0xFFFFD800  }
0xc3: {  	s6 =	smul.u32 $0x3, s28  }
0xc4: {  	[tilespmem:s23], [sflag:$0x1] =	stream.indirect.gather [hbm4b:s1+s7], $0x80, s22, s7, $0xb8;
	[tilespmem:$0x1D7A0] =	vst v63  }
0xc5: {  	s6 =	ssub.s32 s21, s6  }
0xc6: {  	s6 =	sadd.s32 $0xFFFFFFFE, s6  }
0xc7: {  	s6 =	sand.u32 $0xFF, s6  }
0xc8: {  	s6 =	smul.u32 $0xA000, s6  }
0xc9: {  	s16 =	ssub.s32 s21, s25;
	_ =	swait.ge [sflag:s11], $0x2800  }
0xca: {  	s16 =	sand.u32 $0xFF, s16;
	[sflag:s11] =	ssyncset.done $0x0;
	s6 =	sshrl.u32 s6, $0x2  }
0xcb: {  	s16 =	smul.u32 $0xA000, s16;
	[sflag:s11] =	ssyncadd.s32 $0xFFFFD800;
	s6 =	sadd.s32 $0x14FA0, s6  }
0xcc: {  	[spmem:s3] =	stream.indirect.scatter.add.f32 [tilespmem:s6], [sflag:$0x2], $0x80, s20, s7, $0xb8;
	[tilespmem:$0x1D7A0] =	vst v63  }
0xcd: {  	_ =	swait.ge [sflag:s31], $0x2800  }
0xce: {  	s28 =	sshrl.u32 s16, $0x2;
	[sflag:s31] =	ssyncset.done $0x0  }
0xcf: {  	s29 =	sadd.s32 $0x50, s19;
	s6 =	sadd.s32 $0x14FA0, s28;
	[sflag:s31] =	ssyncadd.s32 $0xFFFFD800  }
0xd0: {  	[tilespmem:s6], [sflag:$0x1] =	stream.indirect.gather [hbm4b:s1+s7], $0x80, s29, s7, $0xb8;
	[tilespmem:$0x1D7A0] =	vst v63  }
0xd1: {  	_ =	swait.ge [sflag:s11], $0x2800  }
0xd2: {  	[sflag:s11] =	ssyncset.done $0x0  }
0xd3: {  	[sflag:s11] =	ssyncadd.s32 $0xFFFFD800  }
0xd4: {  	[spmem:s3] =	stream.indirect.scatter.add.f32 [tilespmem:s13], [sflag:$0x2], $0x80, s14, s7, $0xb8;
	[tilespmem:$0x1D7A0] =	vst v63  }
0xd5: {  	_ =	swait.ge [sflag:s31], $0x2800  }
0xd6: {  	[sflag:s31] =	ssyncset.done $0x0  }
0xd7: {  	[sflag:s31] =	ssyncadd.s32 $0xFFFFD800  }
0xd8: {  	_ =	swait.ge [sflag:s11], $0x2800  }
0xd9: {  	[sflag:s11] =	ssyncset.done $0x0  }
0xda: {  	s18 =	sadd.s32 $0x1, s18;
	[sflag:s11] =	ssyncadd.s32 $0xFFFFD800  }
0xdb: {  	[spmem:s3] =	stream.indirect.scatter.add.f32 [tilespmem:s8], [sflag:$0x2], $0x80, s15, s7, $0xb8;
	[tilespmem:$0x1D7A0] =	vst v63  }
0xdc: {  	p0 =	sne.s32 s18, $0x5;
	_ =	swait.ge [sflag:s31], $0x2800  }
.Ltmp2:
0xdd: {  	[sflag:s31] =	ssyncset.done $0x0;
	(pc) =	sbr.rel @p0 .LBB2_4-.Ltmp2, $4  }
0xde: {  	[sflag:s31] =	ssyncadd.s32 $0xFFFFD800  }
0xdf: {  	_ =	swait.ge [sflag:s31], $0x2800  }
0xe0: {  	[sflag:s31] =	ssyncset.done $0x0  }
0xe1: {  	[sflag:s31] =	ssyncadd.s32 $0xFFFFD800  }
0xe2: {  	s6 =	stileid.u32;
	[bflag:$0x0] =	sbarrier.arrive $0xFFFF  }
0xe3: {  	s28 =	simm.s32 $0x3;
	s6 =	sshll.u32 s6, $0x6;
	s20 =	rddreg [dreg:$0x4]  }
0xe4: {  	s18 =	rddreg [dreg:$0x18];
	s6 =	sor.u32 $0x1C03, s6;
	s16 =	sshrl.u32 s20, $0x3  }
0xe5: {  	[hbm:s18], [sflag:s6] =	dma.local [spmem:s16], $0x2800  }
0xe6: {  	_ =	swait.ge [sflag:s28], $0x2800  }
0xe7: {  	s17 =	sadd.s32 $0x1, s17;
	s29 =	rddreg [dreg:$0x19]  }
0xe8: {  	p0 =	sne.s32 s17, s29  }
.Ltmp3:
0xe9: {  	_ = 	snop;
	(pc) =	sbr.rel @p0 .LBB2_1-.Ltmp3, $3  }
0xea: {  	_ =	sdelay $0x1  }
0xeb: {  	[sflag:s28] =	ssyncset.done $0x0  }
0xec: {  	[sflag:s28] =	ssyncadd.s32 $0xFFFFD800  }
0xed: {  	_ =	sfence.sel $0x180000  }
0xee: {  	[bflag:$0x0] =	sbarrier.arrive $0xFFFF  }
0xef: {  	_ =	strace $0x9000004A  }
0xf0: {  	s0 =	stileid.u32;
	[bflag:$0x2] =	sbarrier.arrive $0xFFFF  }
0xf1: {  	p0 =	sne.s32 s0, $0x0;
	s0 =	rddreg [dreg:$0x3]  }
0xf2: {  	s0 =	sadd.s32 @!p0 $0x100000, s0  }
0xf3: {  	[sflag:s0] =	ssyncadd.tile.s32 @!p0 $0x1;
	_ =	shalt  }
.Lfunc_end2:
_tile_overlayer_lowered:
.L_overlay_start_2:
0xf4: {  	(tag) =	ssettag $0x2  }
0xf5: {  	s0 =	rddreg [dreg:$0x0];
	s2 =	stileid.u32  }
0xf6: {  	s1 =	rddreg [dreg:$0x1];
	p0 =	sne.s32 s2, $0x0  }
0xf7: {  	s3 =	rddreg [dreg:$0x2];
	[bflag:$0x3] =	sbarrier.arrive $0xFFFF;
	s2 =	simm.s32 @!p0 $0x1C03  }
0xf8: {  	[timem:s3], [sflag:s2] =	dma.local @!p0 [hbm:s0], s1  }
0xf9: {  	s0 =	simm.s32 @!p0 $0x3  }
0xfa: {  	_ =	swait.ge @!p0 [sflag:s0], s1  }
0xfb: {  	s1 =	ssub.s32 @!p0 $0x0, s1;
	[sflag:s0] =	ssyncset.done @!p0 $0x0  }
0xfc: {  	[sflag:s0] =	ssyncadd.s32 @!p0 s1  }
0xfd: {  	[bflag:$0x3] =	sbarrier.arrive $0xFFFF  }
0xfe: {  	_ =	shalt  }

// kernel: kernel.8.cloned.1.call-start
scs
__scs_entry_jumppad:
0x0: {  	(pc) =	sbr.rel $0x88, $3  }
0x1: {  	(tag) =	ssettag $0x0;
	lr =	simm.s32 $0x1  }
0x2: {  	[smem:$0x3F99] =	sst lr;
	_ =	strace $0xD0000000  }
0x3: {  	_ = 	snop  }
0x4: {  	_ = 	snop  }
0x5: {  	_ = 	snop  }
0x6: {  	_ = 	snop  }
0x7: {  	_ = 	snop  }
__scs_overlays_trampoline_lowered:
0x8: {  	[smem:$0x3FA8] =	sst s0  }
0x9: {  	[smem:$0x3FA9] =	sst s1  }
0xa: {  	[smem:$0x3FAA] =	sst s2  }
0xb: {  	[smem:$0x3FAB] =	sst s3  }
0xc: {  	[smem:$0x3FAC] =	sst s4  }
0xd: {  	[smem:$0x3FAD] =	sst s5  }
0xe: {  	[smem:$0x3FAE] =	sst s6  }
0xf: {  	[smem:$0x3FAF] =	sst s7  }
0x10: {  	[smem:$0x3FB0] =	sst s8  }
0x11: {  	[smem:$0x3FB1] =	sst s9;
	s0 =	simm.s32 @!p0 $0x0  }
0x12: {  	s1 =	sld [smem:$0x3F97];
	s0 =	simm.s32 @p0 $0x1  }
0x13: {  	[smem:$0x3FB2] =	sst s0;
	s0 =	simm.s32 @!p1 $0x0  }
0x14: {  	s2 =	sld [smem:$0x3F96];
	s0 =	simm.s32 @p1 $0x1  }
0x15: {  	[smem:$0x3FB3] =	sst s0;
	s0 =	simm.s32 @!p2 $0x0  }
0x16: {  	s3 =	sld [smem:$0x3FDB];
	s0 =	simm.s32 @p2 $0x1  }
0x17: {  	s4 =	simm.s32 $0x1BF5;
	[smem:$0x3FB5] =	sst s0  }
0x18: {  	s0 =	sld [smem:$0x3F98];
	_ =	swait.ge [sflag:s4], $0x0  }
0x19: {  	s7 =	sld [smem:$0x3F99]  }
0x1a: {  	s8 =	sadd.s32 $0xFFFFE003, lr  }
0x1b: {  	s9 =	sadd.s32 $0xFFFFFEF7, lr;
	s5 =	simm.s32 $0xFFFFFFFF;
	p2 =	slt.u32 s8, $0xFFFFF086  }
0x1c: {  	p1 =	slt.u32 s9, $0xF7A;
	s5 =	simm.s32 @!p2 $0x0  }
0x1d: {  	s5 =	simm.s32 @p1 $0x1;
	p0 =	seq.s32 s7, s2  }
0x1e: {  	s7 =	smul.u32 @!p0 $0xF7A, s2;
	p2 =	seq.s32 @!p0 s5, $0x0  }
0x1f: {  	s9 =	smul.u32 $0xF7A, s1;
	s8 =	simm.s32 @!p0 $0x1BF5;
	p2 =	por !p2, p0  }
0x20: {  	[sflag:s8] =	ssyncset.s32 @!p0 $0xFFFFF086;
	s6 =	sadd.s32 @!p0 s3, s7;
	s7 =	simm.s32 @!p0 $0x108  }
0x21: {  	s3 =	sadd.s32 s3, s9;
	s6 =	sadd.s32 @!p0 $0x88, s6;
	s7 =	simm.s32 @p2 $0x1082  }
0x22: {  	[simem:s7], [sflag:s8] =	dma.local @!p0 [hbm:s6], $0xF7A  }
0x23: {  	s9 =	sor.u32 $0xD0000000, s2;
	s6 =	simm.s32 $0x108;
	_ =	swait.ge @!p0 [sflag:s8], $0x0  }
0x24: {  	s3 =	sadd.s32 $0x88, s3;
	s6 =	simm.s32 @!p1 $0x1082;
	[sflag:s4] =	ssyncset.s32 $0xFFFFF086  }
0x25: {  	[simem:s6], [sflag:s4] =	dma.local [hbm:s3], $0xF7A  }
0x26: {  	[smem:$0x3F99] =	sst s1;
	(tag) =	ssettag s2;
	_ =	strace s9  }
0x27: {  	s1 =	sld [smem:$0x3FA9]  }
0x28: {  	s2 =	sld [smem:$0x3FAA]  }
0x29: {  	s4 =	sld [smem:$0x3FAC]  }
0x2a: {  	p0 =	seq.s32 s5, $0x0;
	s5 =	sld [smem:$0x3FAD]  }
0x2b: {  	s6 =	sld [smem:$0x3FAE]  }
0x2c: {  	s7 =	sld [smem:$0x3FAF]  }
0x2d: {  	s3 =	simm.s32 $0x108;
	s8 =	sld [smem:$0x3FB0]  }
0x2e: {  	s3 =	simm.s32 @!p0 $0x1082;
	s9 =	sld [smem:$0x3FB1]  }
0x2f: {  	lr =	sadd.s32 s0, s3;
	s0 =	sld [smem:$0x3FA8]  }
0x30: {  	s3 =	sld [smem:$0x3FAB]  }
0x31: {  	[smem:$0x3FB4] =	sst s10  }
0x32: {  	s10 =	sld [smem:$0x3FB2];
	_ =	sdelay $0x3  }
0x33: {  	p0 =	seq.s32 s10, $0x1;
	s10 =	sld [smem:$0x3FB4];
	_ =	sdelay $0x3  }
0x34: {  	[smem:$0x3FB4] =	sst s10  }
0x35: {  	s10 =	sld [smem:$0x3FB3];
	_ =	sdelay $0x3  }
0x36: {  	p1 =	seq.s32 s10, $0x1;
	s10 =	sld [smem:$0x3FB4];
	_ =	sdelay $0x3  }
0x37: {  	[smem:$0x3FB4] =	sst s10  }
0x38: {  	s10 =	sld [smem:$0x3FB5]  }
0x39: {  	_ = 	snop;
	(pc) =	sbr.ind lr, $3  }
0x3a: {  	_ = 	snop  }
0x3b: {  	_ = 	snop  }
0x3c: {  	p2 =	seq.s32 s10, $0x1;
	s10 =	sld [smem:$0x3FB4]  }
0x3d: {  	_ =	shalt  }
0x3e: {  	_ =	shalt  }
0x3f: {  	_ =	shalt  }
0x40: {  	_ =	shalt  }
0x41: {  	_ =	shalt  }
0x42: {  	_ =	shalt  }
0x43: {  	_ =	shalt  }
0x44: {  	_ =	shalt  }
0x45: {  	_ =	shalt  }
0x46: {  	_ =	shalt  }
0x47: {  	_ =	shalt  }
0x48: {  	_ =	shalt  }
0x49: {  	_ =	shalt  }
0x4a: {  	_ =	shalt  }
0x4b: {  	_ =	shalt  }
0x4c: {  	_ =	shalt  }
0x4d: {  	_ =	shalt  }
0x4e: {  	_ =	shalt  }
0x4f: {  	_ =	shalt  }
0x50: {  	_ =	shalt  }
0x51: {  	_ =	shalt  }
0x52: {  	_ =	shalt  }
0x53: {  	_ =	shalt  }
0x54: {  	_ =	shalt  }
0x55: {  	_ =	shalt  }
0x56: {  	_ =	shalt  }
0x57: {  	_ =	shalt  }
0x58: {  	_ =	shalt  }
0x59: {  	_ =	shalt  }
0x5a: {  	_ =	shalt  }
0x5b: {  	_ =	shalt  }
0x5c: {  	_ =	shalt  }
0x5d: {  	_ =	shalt  }
0x5e: {  	_ =	shalt  }
0x5f: {  	_ =	shalt  }
0x60: {  	_ =	shalt  }
0x61: {  	_ =	shalt  }
0x62: {  	_ =	shalt  }
0x63: {  	_ =	shalt  }
0x64: {  	_ =	shalt  }
0x65: {  	_ =	shalt  }
0x66: {  	_ =	shalt  }
0x67: {  	_ =	shalt  }
0x68: {  	_ =	shalt  }
0x69: {  	_ =	shalt  }
0x6a: {  	_ =	shalt  }
0x6b: {  	_ =	shalt  }
0x6c: {  	_ =	shalt  }
0x6d: {  	_ =	shalt  }
0x6e: {  	_ =	shalt  }
0x6f: {  	_ =	shalt  }
0x70: {  	_ =	shalt  }
0x71: {  	_ =	shalt  }
0x72: {  	_ =	shalt  }
0x73: {  	_ =	shalt  }
0x74: {  	_ =	shalt  }
0x75: {  	_ =	shalt  }
0x76: {  	_ =	shalt  }
0x77: {  	_ =	shalt  }
0x78: {  	_ =	shalt  }
0x79: {  	_ =	shalt  }
0x7a: {  	_ =	shalt  }
0x7b: {  	_ =	shalt  }
0x7c: {  	_ =	shalt  }
0x7d: {  	_ =	shalt  }
0x7e: {  	_ =	shalt  }
0x7f: {  	_ =	shalt  }
0x80: {  	_ =	shalt  }
0x81: {  	_ =	shalt  }
0x82: {  	_ =	shalt  }
0x83: {  	_ =	shalt  }
0x84: {  	_ =	shalt  }
0x85: {  	_ =	shalt  }
0x86: {  	_ =	shalt  }
0x87: {  	_ =	shalt  }
.Lfunc_end0:
.L_simem_size_0:
called_computation_lowered:
.L_overlay_start_0:
0x88: {  	s2 =	sld [smem:$0x3FD9]  }
0x89: {  	s3 =	sld [smem:$0x3FFE];
	_ =	sdelay $0x1  }
0x8a: {  	s1 =	srdreg.scid  }
0x8b: {  	s0 =	sand.u32 $0x1, s1  }
0x8c: {  	s17 =	sshll.u32 s0, $0xA;
	s2 =	sadd.s32 s3, s2  }
0x8d: {  	s2 =	sadd.s32 s2, s17  }
0x8e: {  	[smem:$0x3FC0] =	sst s2  }
0x8f: {  	_ = 	snop  }
0x90: {  	s2 =	sld [smem:$0x3FC9]  }
0x91: {  	s18 =	sld [smem:$0x3FD0];
	(tm) =	ssettm $0x1  }
0x92: {  	s4 =	sld [smem:$0x3FFB];
	_ =	sdelay $0x3  }
0x93: {  	_ =	strace s4  }
0x94: {  	s4 =	sld [smem:$0x3FFC];
	_ =	sdelay $0x3  }
0x95: {  	_ =	strace s4  }
0x96: {  	s4 =	sld [smem:$0x3FFD];
	_ =	sdelay $0x3  }
0x97: {  	_ =	strace s4  }
0x98: {  	_ =	strace $0x8FFFFFFF  }
0x99: {  	s19 =	sld [smem:$0x3FDB];
	_ =	sdelay $0x1  }
0x9a: {  	s5 =	simm.s32 $_scs_section_size  }
0x9b: {  	s6 =	simm.s32 $_size__tile_overlayer_lowered;
	s7 =	simm.s32 $_tile_overlayer_lowered  }
0x9c: {  	s22 =	simm.s32 $0x1BFF;
	s21 =	sshll.u32 s7, $0x1;
	s4 =	sadd.s32 s5, s19  }
0x9d: {  	s8 =	simm.s32 $0x0;
	s20 =	sshll.u32 s6, $0x1;
	s6 =	sadd.s32 s21, s4  }
0x9e: {  	[timem:s8], [sflag:s22] =	dma.local [hbm:s6], s20  }
0x9f: {  	_ =	swait.ge [sflag:s22], s20  }
0xa0: {  	s5 =	ssub.s32 $0x0, s20;
	[sflag:s22] =	ssyncset.done $0x0  }
0xa1: {  	[sflag:s22] =	ssyncadd.s32 s5;
	_ =	sdelay $0x1  }
0xa2: {  	s23 =	simm.s32 $0x1B8B  }
0xa3: {  	_ =	swait.ge [sflag:s23], $0x1  }
0xa4: {  	[sflag:s23] =	ssyncset.done $0x0  }
0xa5: {  	s25 =	simm.s32 $0x1B8E;
	s24 =	sld [smem:$0x3FFE];
	[sflag:s23] =	ssyncadd.s32 $0xFFFFFFFF  }
0xa6: {  	s26 =	simm.s32 $execute0_lowered;
	[smem:$0x3FD2] =	sst s25  }
0xa7: {  	s6 =	sshll.u32 s26, $0x1;
	_ =	strace $0x80000046;
	[dreg:$0x1] =	wrdreg $0xFFFFFFFF  }
0xa8: {  	s28 =	simm.s32 $_size_execute0_lowered;
	s4 =	sadd.s32 s4, s6;
	[dreg:$0x0] =	wrdreg $0x0  }
0xa9: {  	s6 =	sshll.u32 s28, $0x1;
	[dreg:$0x2] =	wrdreg s4  }
0xaa: {  	[dreg:$0x3] =	wrdreg s6  }
0xab: {  	[dreg:$0x4] =	wrdreg $0xC0  }
0xac: {  	_ =	task [dreg:s8], $0x5FFFF  }
0xad: {  	[dreg:$0x1] =	wrdreg $0xFFFFFFFF  }
0xae: {  	[dreg:$0x0] =	wrdreg $0x60  }
0xaf: {  	[dreg:$0x2] =	wrdreg s2  }
0xb0: {  	[dreg:$0x3] =	wrdreg s24  }
0xb1: {  	[dreg:$0x4] =	wrdreg s18  }
0xb2: {  	[dreg:$0x5] =	wrdreg $0x0  }
0xb3: {  	[dreg:$0x6] =	wrdreg $0x1D7A00  }
0xb4: {  	[dreg:$0x7] =	wrdreg $0x9  }
0xb5: {  	_ =	task.clear_ibuf [dreg:s8], $0x8FFFF;
	_ =	strace $0x90000046  }
0xb6: {  	s29 =	simm.s32 $0x9;
	_ =	strace $0x80000048  }
0xb7: {  	_ =	swait.ge [sflag:s29], $0x1  }
0xb8: {  	[sflag:s29] =	ssyncadd.s32 $0xFFFFFFFF  }
0xb9: {  	_ =	strace $0x90000048  }
0xba: {  	_ =	sfence  }
0xbb: {  	s30 =	sld [smem:$0x0];
	_ =	sdelay $0x2  }
0xbc: {  	s31 =	sshll.u32 s1, $0xD;
	s1 =	sshrl.u32 s1, $0x2  }
0xbd: {  	s3 =	sand.u32 $0x4000, s31;
	s1 =	sadd.s32 s1, s30  }
0xbe: {  	s0 =	sor.u32 s3, s0;
	s1 =	sshll.u32 s1, $0x11  }
0xbf: {  	s0 =	sor.u32 s1, s0  }
0xc0: {  	s0 =	sadd.s32 $0x8F2B, s0  }
0xc1: {  	[sflag:s0] =	ssyncadd.remote.s32 $0x1  }
0xc2: {  	_ =	sfence.sel $0xFFFF  }
0xc3: {  	[dreg:$0x0] =	wrdreg $0xFFFFFFFF;
	(pc) =	sbr.abs _section_cstart, $3  }
0xc4: {  	[dreg:$0x1] =	wrdreg $0xFFFFFFFF  }
0xc5: {  	_ =	task.clear_ibuf [dreg:s8], $0x2FFFF;
	_ =	strace $0x9FFFFFFF  }
0xc6: {  	(tm) =	ssettm $0x7FFFFFFF  }
0xc7: {  	_ =	shalt  }
tec
execute0_lowered:
.L_overlay_start_1:
0x0: {  	(tag) =	ssettag $0x1  }
0x1: {  	s1 =	rddreg [dreg:$0x0]  }
0x2: {  	s0 =	rddreg [dreg:$0x1]  }
0x3: {  	s2 =	rddreg [dreg:$0x2];
	s13 =	stileid.u32  }
0x4: {  	s3 =	rddreg [dreg:$0x3];
	s10 =	smul.u32 $0x50000, s13  }
0x5: {  	s4 =	rddreg [dreg:$0x4];
	s8 =	smul.u32 $0x14000, s13  }
0x6: {  	s6 =	srdreg.scid;
	s5 =	simm.s32 $0x0;
	s10 =	sshrl.u32 s10, $0x2  }
0x7: {  	[smem:$0x7FF] =	sst s5;
	s15 =	sadd.s32 s8, s3;
	s10 =	sadd.s32 s10, s3  }
0x8: {  	_ =	strace $0x80000047;
	[dreg:$0x6] =	wrdreg s15;
	s23 =	sadd.s32 $0x1000, s10  }
0x9: {  	s7 =	sand.u32 $0x1, s6;
	s24 =	sadd.s32 $0x2000, s10;
	[dreg:$0x7] =	wrdreg s23  }
0xa: {  	s6 =	sadd.s32 $0x2800, s0;
	s25 =	sadd.s32 $0x3000, s10;
	[dreg:$0x8] =	wrdreg s24  }
0xb: {  	s9 =	smul.u32 $0x140000, s7;
	s28 =	sadd.s32 $0x4000, s10;
	[dreg:$0x9] =	wrdreg s25  }
0xc: {  	s11 =	ssub.s32 $0x2, s7;
	s29 =	sadd.s32 $0x5000, s10;
	[dreg:$0xa] =	wrdreg s28  }
0xd: {  	s26 =	smul.u32 $0x2800, s7;
	s31 =	sadd.s32 $0x6000, s10;
	[dreg:$0xb] =	wrdreg s29  }
0xe: {  	s21 =	sshll.u32 s7, $0x4;
	s14 =	sadd.s32 $0x7000, s10;
	[dreg:$0xc] =	wrdreg s31  }
0xf: {  	s12 =	sshrl.u32 s11, $0x1;
	s16 =	sadd.s32 $0x8000, s10;
	[dreg:$0xd] =	wrdreg s14  }
0x10: {  	s9 =	sadd.s32 s8, s9;
	s17 =	sadd.s32 $0x9000, s10;
	[dreg:$0xe] =	wrdreg s16  }
0x11: {  	s9 =	sshrl.u32 s9, $0x3;
	s18 =	sadd.s32 $0xA000, s10;
	[dreg:$0xf] =	wrdreg s17  }
0x12: {  	s19 =	sadd.s32 $0xB000, s10;
	s20 =	sadd.s32 $0xC000, s10;
	[dreg:$0x10] =	wrdreg s18  }
0x13: {  	s22 =	sadd.s32 $0xD000, s10;
	s0 =	sadd.s32 s9, s0;
	[dreg:$0x11] =	wrdreg s19  }
0x14: {  	s9 =	ssub.s32 s11, s12;
	s11 =	smul.u32 $0x280, s13;
	[dreg:$0x13] =	wrdreg s20  }
0x15: {  	[dreg:$0x14] =	wrdreg s22;
	s23 =	sadd.s32 $0xE000, s10;
	s24 =	sadd.s32 $0xF000, s10  }
0x16: {  	s25 =	sadd.s32 $0x10000, s10;
	s28 =	sadd.s32 $0x12000, s10;
	[dreg:$0x15] =	wrdreg s23  }
0x17: {  	s29 =	sadd.s32 $0x13000, s10;
	s12 =	simm.s32 $0x147D0;
	[dreg:$0x16] =	wrdreg s24  }
0x18: {  	s14 =	simm.s32 $0x14FA0;
	s17 =	simm.s32 $0x1;
	[dreg:$0x17] =	wrdreg s25  }
0x19: {  	s18 =	simm.s32 $0x140A0;
	s19 =	simm.s32 $0x19FA0;
	[dreg:$0x19] =	wrdreg s28  }
0x1a: {  	s20 =	simm.s32 $0x14F00;
	s22 =	simm.s32 $0x3;
	[dreg:$0x1a] =	wrdreg s29  }
0x1b: {  	s0 =	sadd.s32 $0x16200, s0;
	s31 =	smax.u32 s9, $0x1;
	s9 =	simm.s32 $0x4  }
0x1c: {  	s8 =	sadd.s32 s11, s26;
	s26 =	sadd.s32 $0x11000, s10;
	[dreg:$0x1c] =	wrdreg s0  }
0x1d: {  	s16 =	sadd.s32 s11, s4;
	[dreg:$0x1d] =	wrdreg s31;
	s10 =	simm.s32 $0x2  }
0x1e: {  	s11 =	simm.s32 $0x14000;
	s8 =	sshrl.u32 s8, $0x3;
	[dreg:$0x18] =	wrdreg s26  }
0x1f: {  	[dreg:$0x1b] =	wrdreg s16;
	s2 =	sadd.s32 s2, s8;
	s8 =	simm.s32 $0x1DA20  }
0x20: {  	[dreg:$0x12] =	wrdreg s2;
	s2 =	sor.u32 s13, s21;
	s13 =	simm.s32 $0x50  }
0x21: {  	v0 =	vimm.f32 $0.0e+00;
	v1 =	vimm.f32 $1.000000000e+00;
	s21 =	simm.s32 $0x14F50;
	s30 =	smul.u32 $0x7D, s2;
	s2 =	simm.s32 $0x0  }
.LBB2_1:
0x22: {  	[dreg:$0x1e] =	wrdreg s2;
	s0 =	simm.s32 $0x0;
	s7 =	simm.s32 $0x200  }
.LBB2_2:
0x23: {  	p0 =	sne.s32 s7, $0x3E00;
	[tilespmem:s0+$0x1C810] =	vst v0  }
0x24: {  	[tilespmem:s0+$0x1C7A0] =	vst v0  }
0x25: {  	[tilespmem:s0+$0x1C7B0] =	vst v0  }
.Ltmp0:
0x26: {  	[tilespmem:s0+$0x1C7C0] =	vst v0;
	(pc) =	sbr.rel @p0 .LBB2_2-.Ltmp0, $4  }
0x27: {  	[tilespmem:s0+$0x1C7D0] =	vst v0  }
0x28: {  	[tilespmem:s0+$0x1C7E0] =	vst v0  }
0x29: {  	[tilespmem:s0+$0x1C7F0] =	vst v0  }
0x2a: {  	[tilespmem:s0+$0x1C800] =	vst v0;
	s0 =	sshra.s32 s7, $0x2;
	s7 =	sadd.s32 $0x200, s7  }
0x2b: {  	[tilespmem:s0+$0x1C810] =	vst v0  }
0x2c: {  	[tilespmem:s0+$0x1C7A0] =	vst v0  }
0x2d: {  	[tilespmem:s0+$0x1C7B0] =	vst v0  }
0x2e: {  	[tilespmem:s0+$0x1C7C0] =	vst v0  }
0x2f: {  	[tilespmem:s0+$0x1C7D0] =	vst v0  }
0x30: {  	[tilespmem:s0+$0x1C7E0] =	vst v0  }
0x31: {  	[tilespmem:s0+$0x1C7F0] =	vst v0  }
0x32: {  	[tilespmem:s0+$0x1C800] =	vst v0;
	s2 =	simm.s32 $0x1C7A0  }
0x33: {  	[spmem:s15] =	stream.linear.scatter [tilespmem:s2], [sflag:$0x2], $0x1000, $0x38;
	[tilespmem:$0x1DCA0] =	vst v63  }
0x34: {  	s31 =	rddreg [dreg:$0x7]  }
0x35: {  	[spmem:s31] =	stream.linear.scatter [tilespmem:s2], [sflag:$0x2], $0x1000, $0x38;
	[tilespmem:$0x1DCA0] =	vst v63  }
0x36: {  	s7 =	rddreg [dreg:$0x8]  }
0x37: {  	[spmem:s7] =	stream.linear.scatter [tilespmem:s2], [sflag:$0x2], $0x1000, $0x38;
	[tilespmem:$0x1DCA0] =	vst v63  }
0x38: {  	s15 =	rddreg [dreg:$0x9]  }
0x39: {  	[spmem:s15] =	stream.linear.scatter [tilespmem:s2], [sflag:$0x2], $0x1000, $0x38;
	[tilespmem:$0x1DCA0] =	vst v63  }
0x3a: {  	s23 =	rddreg [dreg:$0xa]  }
0x3b: {  	[spmem:s23] =	stream.linear.scatter [tilespmem:s2], [sflag:$0x2], $0x1000, $0x38;
	[tilespmem:$0x1DCA0] =	vst v63  }
0x3c: {  	s24 =	rddreg [dreg:$0xb]  }
0x3d: {  	[spmem:s24] =	stream.linear.scatter [tilespmem:s2], [sflag:$0x2], $0x1000, $0x38;
	[tilespmem:$0x1DCA0] =	vst v63  }
0x3e: {  	s25 =	rddreg [dreg:$0xc]  }
0x3f: {  	[spmem:s25] =	stream.linear.scatter [tilespmem:s2], [sflag:$0x2], $0x1000, $0x38;
	[tilespmem:$0x1DCA0] =	vst v63  }
0x40: {  	s26 =	rddreg [dreg:$0xd]  }
0x41: {  	[spmem:s26] =	stream.linear.scatter [tilespmem:s2], [sflag:$0x2], $0x1000, $0x38;
	[tilespmem:$0x1DCA0] =	vst v63  }
0x42: {  	s28 =	rddreg [dreg:$0xe]  }
0x43: {  	[spmem:s28] =	stream.linear.scatter [tilespmem:s2], [sflag:$0x2], $0x1000, $0x38;
	[tilespmem:$0x1DCA0] =	vst v63  }
0x44: {  	s29 =	rddreg [dreg:$0xf]  }
0x45: {  	[spmem:s29] =	stream.linear.scatter [tilespmem:s2], [sflag:$0x2], $0x1000, $0x38;
	[tilespmem:$0x1DCA0] =	vst v63  }
0x46: {  	s31 =	rddreg [dreg:$0x10]  }
0x47: {  	[spmem:s31] =	stream.linear.scatter [tilespmem:s2], [sflag:$0x2], $0x1000, $0x38;
	[tilespmem:$0x1DCA0] =	vst v63  }
0x48: {  	s7 =	rddreg [dreg:$0x11]  }
0x49: {  	[spmem:s7] =	stream.linear.scatter [tilespmem:s2], [sflag:$0x2], $0x1000, $0x38;
	[tilespmem:$0x1DCA0] =	vst v63  }
0x4a: {  	s15 =	rddreg [dreg:$0x13]  }
0x4b: {  	[spmem:s15] =	stream.linear.scatter [tilespmem:s2], [sflag:$0x2], $0x1000, $0x38;
	[tilespmem:$0x1DCA0] =	vst v63  }
0x4c: {  	s23 =	rddreg [dreg:$0x14]  }
0x4d: {  	[spmem:s23] =	stream.linear.scatter [tilespmem:s2], [sflag:$0x2], $0x1000, $0x38;
	[tilespmem:$0x1DCA0] =	vst v63  }
0x4e: {  	s24 =	rddreg [dreg:$0x15]  }
0x4f: {  	[spmem:s24] =	stream.linear.scatter [tilespmem:s2], [sflag:$0x2], $0x1000, $0x38;
	[tilespmem:$0x1DCA0] =	vst v63  }
0x50: {  	s25 =	rddreg [dreg:$0x16]  }
0x51: {  	[spmem:s25] =	stream.linear.scatter [tilespmem:s2], [sflag:$0x2], $0x1000, $0x38;
	[tilespmem:$0x1DCA0] =	vst v63  }
0x52: {  	s26 =	rddreg [dreg:$0x17]  }
0x53: {  	[spmem:s26] =	stream.linear.scatter [tilespmem:s2], [sflag:$0x2], $0x1000, $0x38;
	[tilespmem:$0x1DCA0] =	vst v63  }
0x54: {  	s28 =	rddreg [dreg:$0x18]  }
0x55: {  	[spmem:s28] =	stream.linear.scatter [tilespmem:s2], [sflag:$0x2], $0x1000, $0x38;
	[tilespmem:$0x1DCA0] =	vst v63  }
0x56: {  	s29 =	rddreg [dreg:$0x19]  }
0x57: {  	[spmem:s29] =	stream.linear.scatter [tilespmem:s2], [sflag:$0x2], $0x1000, $0x38;
	[tilespmem:$0x1DCA0] =	vst v63  }
0x58: {  	s31 =	rddreg [dreg:$0x1a]  }
0x59: {  	[spmem:s31] =	stream.linear.scatter [tilespmem:s2], [sflag:$0x2], $0x1000, $0x38;
	[tilespmem:$0x1DCA0] =	vst v63  }
0x5a: {  	[tilespmem:$0x1DA20] =	vst v0  }
0x5b: {  	[tilespmem:$0x1DA30] =	vst v0  }
0x5c: {  	[tilespmem:$0x1DA40] =	vst v0  }
0x5d: {  	[tilespmem:$0x1DA50] =	vst v0  }
0x5e: {  	[tilespmem:$0x1DA60] =	vst v0  }
0x5f: {  	[tilespmem:$0x1DA70] =	vst v0  }
0x60: {  	[tilespmem:$0x1DA80] =	vst v0  }
0x61: {  	[tilespmem:$0x1DA90] =	vst v0  }
0x62: {  	[tilespmem:$0x1DAA0] =	vst v0  }
0x63: {  	[tilespmem:$0x1DAB0] =	vst v0  }
0x64: {  	[tilespmem:$0x1DAC0] =	vst v0  }
0x65: {  	[tilespmem:$0x1DAD0] =	vst v0  }
0x66: {  	[tilespmem:$0x1DAE0] =	vst v0  }
0x67: {  	[tilespmem:$0x1DAF0] =	vst v0  }
0x68: {  	[tilespmem:$0x1DB00] =	vst v0  }
0x69: {  	[tilespmem:$0x1DB10] =	vst v0  }
0x6a: {  	[tilespmem:$0x1DB20] =	vst v0  }
0x6b: {  	[tilespmem:$0x1DB30] =	vst v0  }
0x6c: {  	[tilespmem:$0x1DB40] =	vst v0  }
0x6d: {  	[tilespmem:$0x1DB50] =	vst v0  }
0x6e: {  	[tilespmem:$0x1DB60] =	vst v0  }
0x6f: {  	[tilespmem:$0x1DB70] =	vst v0  }
0x70: {  	[tilespmem:$0x1DB80] =	vst v0  }
0x71: {  	[tilespmem:$0x1DB90] =	vst v0  }
0x72: {  	[tilespmem:$0x1DBA0] =	vst v0  }
0x73: {  	[tilespmem:$0x1DBB0] =	vst v0  }
0x74: {  	[tilespmem:$0x1DBC0] =	vst v0  }
0x75: {  	[tilespmem:$0x1DBD0] =	vst v0  }
0x76: {  	[tilespmem:$0x1DBE0] =	vst v0  }
0x77: {  	[tilespmem:$0x1DBF0] =	vst v0  }
0x78: {  	[tilespmem:$0x1DC00] =	vst v0  }
0x79: {  	[tilespmem:$0x1DC10] =	vst v0  }
0x7a: {  	[tilespmem:$0x1DC20] =	vst v0  }
0x7b: {  	[tilespmem:$0x1DC30] =	vst v0  }
0x7c: {  	[tilespmem:$0x1DC40] =	vst v0  }
0x7d: {  	[tilespmem:$0x1DC50] =	vst v0  }
0x7e: {  	[tilespmem:$0x1DC60] =	vst v0  }
0x7f: {  	[tilespmem:$0x1DC70] =	vst v0  }
0x80: {  	[tilespmem:$0x1DC80] =	vst v0  }
0x81: {  	[tilespmem:$0x1DC90] =	vst v0  }
0x82: {  	[spmem:s16] =	stream.linear.scatter [tilespmem:s8], [sflag:$0x4], $0x280, $0x38;
	[tilespmem:$0x1DCA0] =	vst v63  }
0x83: {  	_ =	swait.ge [sflag:s9], $0x280  }
0x84: {  	[sflag:s9] =	ssyncset.done $0x0  }
0x85: {  	[sflag:s9] =	ssyncadd.s32 $0xFFFFFD80  }
0x86: {  	_ =	swait.ge [sflag:s10], $0x1000  }
0x87: {  	[sflag:s10] =	ssyncset.done $0x0  }
0x88: {  	[sflag:s10] =	ssyncadd.s32 $0xFFFFF000  }
0x89: {  	_ =	swait.ge [sflag:s10], $0x1000  }
0x8a: {  	[sflag:s10] =	ssyncset.done $0x0  }
0x8b: {  	[sflag:s10] =	ssyncadd.s32 $0xFFFFF000  }
0x8c: {  	_ =	swait.ge [sflag:s10], $0x1000  }
0x8d: {  	[sflag:s10] =	ssyncset.done $0x0  }
0x8e: {  	[sflag:s10] =	ssyncadd.s32 $0xFFFFF000  }
0x8f: {  	_ =	swait.ge [sflag:s10], $0x1000  }
0x90: {  	[sflag:s10] =	ssyncset.done $0x0  }
0x91: {  	[sflag:s10] =	ssyncadd.s32 $0xFFFFF000  }
0x92: {  	_ =	swait.ge [sflag:s10], $0x1000  }
0x93: {  	[sflag:s10] =	ssyncset.done $0x0  }
0x94: {  	[sflag:s10] =	ssyncadd.s32 $0xFFFFF000  }
0x95: {  	_ =	swait.ge [sflag:s10], $0x1000  }
0x96: {  	[sflag:s10] =	ssyncset.done $0x0  }
0x97: {  	[sflag:s10] =	ssyncadd.s32 $0xFFFFF000  }
0x98: {  	_ =	swait.ge [sflag:s10], $0x1000  }
0x99: {  	[sflag:s10] =	ssyncset.done $0x0  }
0x9a: {  	[sflag:s10] =	ssyncadd.s32 $0xFFFFF000  }
0x9b: {  	_ =	swait.ge [sflag:s10], $0x1000  }
0x9c: {  	[sflag:s10] =	ssyncset.done $0x0  }
0x9d: {  	[sflag:s10] =	ssyncadd.s32 $0xFFFFF000  }
0x9e: {  	_ =	swait.ge [sflag:s10], $0x1000  }
0x9f: {  	[sflag:s10] =	ssyncset.done $0x0  }
0xa0: {  	[sflag:s10] =	ssyncadd.s32 $0xFFFFF000  }
0xa1: {  	_ =	swait.ge [sflag:s10], $0x1000  }
0xa2: {  	[sflag:s10] =	ssyncset.done $0x0  }
0xa3: {  	[sflag:s10] =	ssyncadd.s32 $0xFFFFF000  }
0xa4: {  	_ =	swait.ge [sflag:s10], $0x1000  }
0xa5: {  	[sflag:s10] =	ssyncset.done $0x0  }
0xa6: {  	[sflag:s10] =	ssyncadd.s32 $0xFFFFF000  }
0xa7: {  	_ =	swait.ge [sflag:s10], $0x1000  }
0xa8: {  	[sflag:s10] =	ssyncset.done $0x0  }
0xa9: {  	[sflag:s10] =	ssyncadd.s32 $0xFFFFF000  }
0xaa: {  	_ =	swait.ge [sflag:s10], $0x1000  }
0xab: {  	[sflag:s10] =	ssyncset.done $0x0  }
0xac: {  	[sflag:s10] =	ssyncadd.s32 $0xFFFFF000  }
0xad: {  	_ =	swait.ge [sflag:s10], $0x1000  }
0xae: {  	[sflag:s10] =	ssyncset.done $0x0  }
0xaf: {  	[sflag:s10] =	ssyncadd.s32 $0xFFFFF000  }
0xb0: {  	_ =	swait.ge [sflag:s10], $0x1000  }
0xb1: {  	[sflag:s10] =	ssyncset.done $0x0  }
0xb2: {  	[sflag:s10] =	ssyncadd.s32 $0xFFFFF000  }
0xb3: {  	_ =	swait.ge [sflag:s10], $0x1000  }
0xb4: {  	[sflag:s10] =	ssyncset.done $0x0  }
0xb5: {  	[sflag:s10] =	ssyncadd.s32 $0xFFFFF000  }
0xb6: {  	_ =	swait.ge [sflag:s10], $0x1000  }
0xb7: {  	[sflag:s10] =	ssyncset.done $0x0  }
0xb8: {  	[sflag:s10] =	ssyncadd.s32 $0xFFFFF000  }
0xb9: {  	_ =	swait.ge [sflag:s10], $0x1000  }
0xba: {  	[sflag:s10] =	ssyncset.done $0x0  }
0xbb: {  	[sflag:s10] =	ssyncadd.s32 $0xFFFFF000  }
0xbc: {  	_ =	swait.ge [sflag:s10], $0x1000  }
0xbd: {  	[sflag:s10] =	ssyncset.done $0x0  }
0xbe: {  	[sflag:s10] =	ssyncadd.s32 $0xFFFFF000  }
0xbf: {  	_ =	swait.ge [sflag:s10], $0x1000  }
0xc0: {  	[sflag:s10] =	ssyncset.done $0x0  }
0xc1: {  	[sflag:s10] =	ssyncadd.s32 $0xFFFFF000  }
0xc2: {  	[bflag:$0x0] =	sbarrier.arrive $0xFFFF  }
0xc3: {  	[tilespmem:$0x1DA20] =	vst v1  }
0xc4: {  	[tilespmem:$0x1DA30] =	vst v1  }
0xc5: {  	[tilespmem:$0x1DA40] =	vst v1  }
0xc6: {  	[tilespmem:$0x1DA50] =	vst v1  }
0xc7: {  	s24 =	simm.s32 $0x0;
	[tilespmem:$0x1DA60] =	vst v1  }
.LBB2_4:
0xc8: {  	s0 =	smul.u32 $0x19, s24;
	_ =	sdelay $0x1  }
0xc9: {  	s0 =	sadd.s32 s30, s0  }
0xca: {  	s0 =	smul.u32 $0x50, s0;
	_ =	sdelay $0x1  }
0xcb: {  	s0 =	sshrl.u32 s0, $0x3  }
0xcc: {  	s0 =	sadd.s32 s6, s0  }
0xcd: {  	[tilespmem:s11], [sflag:$0x4] =	stream.linear.gather [hbm4b:s0+s5], $0x7D0, $0x38;
	[tilespmem:$0x1DCA0] =	vst v63  }
0xce: {  	_ =	swait.ge [sflag:s9], $0x7D0  }
0xcf: {  	[sflag:s9] =	ssyncset.done $0x0  }
0xd0: {  	s0 =	sadd.s32 $0x9C40, s0;
	[sflag:s9] =	ssyncadd.s32 $0xFFFFF830  }
0xd1: {  	[tilespmem:s12], [sflag:$0x4] =	stream.linear.gather [hbm4b:s0+s5], $0x7D0, $0x38;
	[tilespmem:$0x1DCA0] =	vst v63  }
0xd2: {  	_ =	swait.ge [sflag:s9], $0x7D0  }
0xd3: {  	[sflag:s9] =	ssyncset.done $0x0  }
0xd4: {  	s15 =	simm.s32 $0x3;
	[sflag:s9] =	ssyncadd.s32 $0xFFFFF830  }
0xd5: {  	[tilespmem:s14], [sflag:$0x1] =	stream.indirect.gather [hbm4b:s1+s13], $0x80, s11, s13, $0xb8;
	[tilespmem:$0x1DCA0] =	vst v63  }
0xd6: {  	s7 =	simm.s32 $0x14050;
	s2 =	simm.s32 $0x177A0;
	s0 =	smul.u32 $0xAB, s15  }
0xd7: {  	[tilespmem:s2], [sflag:$0x1] =	stream.indirect.gather [hbm4b:s1+s13], $0x80, s7, s13, $0xb8;
	[tilespmem:$0x1DCA0] =	vst v63  }
0xd8: {  	s7 =	sadd.s32 $0xFFFFFEAA, s0  }
0xd9: {  	_ =	swait.ge [sflag:s17], $0x2800;
	s7 =	sshrl.u32 s7, $0x9  }
0xda: {  	[sflag:s17] =	ssyncset.done $0x0;
	s7 =	sand.u32 $0x7F, s7  }
0xdb: {  	[sflag:s17] =	ssyncadd.s32 $0xFFFFD800;
	s7 =	smul.u32 $0x3, s7  }
0xdc: {  	[spmem:s3] =	stream.indirect.scatter.add.f32 [tilespmem:s14], [sflag:$0x2], $0x80, s12, s13, $0xb8;
	[tilespmem:$0x1DCA0] =	vst v63  }
0xdd: {  	s26 =	simm.s32 $0x4;
	s0 =	sshrl.u32 s0, $0x9;
	s7 =	ssub.s32 $0x3, s7  }
0xde: {  	[spmem:s4] =	stream.indirect.scatter.add.f32 [tilespmem:s8], [sflag:$0x3], $0x1, s12, s13, $0xb8;
	[tilespmem:$0x1DCA0] =	vst v63  }
0xdf: {  	s29 =	smul.u32 $0xAB, s26;
	s0 =	sand.u32 $0x7F, s0;
	s7 =	sadd.s32 $0xFFFFFFFE, s7  }
0xe0: {  	s25 =	simm.s32 $0x140F0;
	s0 =	smul.u32 $0x3, s0;
	s7 =	sand.u32 $0xFF, s7  }
0xe1: {  	[tilespmem:s19], [sflag:$0x1] =	stream.indirect.gather [hbm4b:s1+s13], $0x80, s18, s13, $0xb8;
	[tilespmem:$0x1DCA0] =	vst v63  }
0xe2: {  	s23 =	simm.s32 $0x14820;
	s28 =	simm.s32 $0x14870;
	s7 =	smul.u32 $0xA000, s7  }
0xe3: {  	s16 =	sadd.s32 $0xFFFFFEAA, s29;
	s29 =	sshrl.u32 s29, $0x9;
	_ =	swait.ge [sflag:s17], $0x2800  }
0xe4: {  	s0 =	ssub.s32 $0x3, s0;
	s7 =	sshrl.u32 s7, $0x2;
	[sflag:s17] =	ssyncset.done $0x0  }
0xe5: {  	s0 =	sand.u32 $0xFF, s0;
	s7 =	sadd.s32 $0x14FA0, s7;
	[sflag:s17] =	ssyncadd.s32 $0xFFFFD800  }
0xe6: {  	[spmem:s3] =	stream.indirect.scatter.add.f32 [tilespmem:s7], [sflag:$0x2], $0x80, s23, s13, $0xb8;
	[tilespmem:$0x1DCA0] =	vst v63  }
0xe7: {  	s31 =	simm.s32 $0x140F0;
	s29 =	sand.u32 $0x7F, s29;
	s0 =	smul.u32 $0xA000, s0  }
0xe8: {  	[spmem:s4] =	stream.indirect.scatter.add.f32 [tilespmem:s8], [sflag:$0x3], $0x1, s23, s13, $0xb8;
	[tilespmem:$0x1DCA0] =	vst v63  }
0xe9: {  	s29 =	smul.u32 $0x3, s29;
	s0 =	sshrl.u32 s0, $0x2;
	_ =	swait.ge [sflag:s10], $0x2800  }
0xea: {  	s0 =	sadd.s32 $0x14FA0, s0;
	s23 =	sshrl.u32 s16, $0x9;
	[sflag:s10] =	ssyncset.done $0x0  }
0xeb: {  	s7 =	simm.s32 $0x5;
	s23 =	sand.u32 $0x7F, s23;
	[sflag:s10] =	ssyncadd.s32 $0xFFFFD800  }
.LBB2_5:
0xec: {  	s23 =	smul.u32 $0x3, s23;
	s25 =	sadd.s32 $0x50, s25  }
0xed: {  	s2 =	smov.u32 s7;
	s15 =	sadd.s32 $0x1, s7;
	s16 =	smov.u32 s28  }
0xee: {  	[tilespmem:s0], [sflag:$0x1] =	stream.indirect.gather [hbm4b:s1+s13], $0x80, s31, s13, $0xb8;
	[tilespmem:$0x1DCA0] =	vst v63  }
0xef: {  	p0 =	sne.s32 s7, $0x18;
	s7 =	ssub.s32 s26, s29;
	s0 =	ssub.s32 s26, s23  }
0xf0: {  	s7 =	sand.u32 $0xFF, s7;
	s26 =	smov.u32 s2;
	s0 =	sadd.s32 $0xFFFFFFFE, s0  }
0xf1: {  	s31 =	smov.u32 s25;
	s2 =	smul.u32 $0xA000, s7;
	s0 =	sand.u32 $0xFF, s0  }
0xf2: {  	s0 =	smul.u32 $0xA000, s0  }
0xf3: {  	s2 =	sshrl.u32 s2, $0x2;
	_ =	swait.ge [sflag:s17], $0x2800  }
0xf4: {  	s0 =	sshrl.u32 s0, $0x2;
	[sflag:s17] =	ssyncset.done $0x0  }
0xf5: {  	s7 =	smul.u32 $0xAB, s26;
	s0 =	sadd.s32 $0x14FA0, s0;
	[sflag:s17] =	ssyncadd.s32 $0xFFFFD800  }
0xf6: {  	[spmem:s3] =	stream.indirect.scatter.add.f32 [tilespmem:s0], [sflag:$0x2], $0x80, s28, s13, $0xb8;
	[tilespmem:$0x1DCA0] =	vst v63  }
0xf7: {  	s0 =	sadd.s32 $0x14FA0, s2  }
.Ltmp1:
0xf8: {  	s28 =	sadd.s32 $0x50, s28;
	s2 =	sadd.s32 $0xFFFFFEAA, s7;
	(pc) =	sbr.rel @p0 .LBB2_5-.Ltmp1, $4  }
0xf9: {  	[spmem:s4] =	stream.indirect.scatter.add.f32 [tilespmem:s8], [sflag:$0x3], $0x1, s16, s13, $0xb8;
	[tilespmem:$0x1DCA0] =	vst v63  }
0xfa: {  	s7 =	sshrl.u32 s7, $0x9;
	s2 =	sshrl.u32 s2, $0x9;
	_ =	swait.ge [sflag:s10], $0x2800  }
0xfb: {  	s7 =	sand.u32 $0x7F, s7;
	s23 =	sand.u32 $0x7F, s2;
	[sflag:s10] =	ssyncset.done $0x0  }
0xfc: {  	s29 =	smul.u32 $0x3, s7;
	s7 =	smov.u32 s15;
	[sflag:s10] =	ssyncadd.s32 $0xFFFFD800  }
0xfd: {  	s2 =	smul.u32 $0x3, s23  }
0xfe: {  	[tilespmem:s0], [sflag:$0x1] =	stream.indirect.gather [hbm4b:s1+s13], $0x80, s31, s13, $0xb8;
	[tilespmem:$0x1DCA0] =	vst v63  }
0xff: {  	s23 =	ssub.s32 s26, s2  }
0x100: {  	s0 =	sadd.s32 $0xFFFFFFFE, s23  }
0x101: {  	s0 =	sand.u32 $0xFF, s0  }
0x102: {  	s0 =	smul.u32 $0xA000, s0  }
0x103: {  	_ =	swait.ge [sflag:s17], $0x2800  }
0x104: {  	s26 =	ssub.s32 s26, s29;
	[sflag:s17] =	ssyncset.done $0x0;
	s0 =	sshrl.u32 s0, $0x2  }
0x105: {  	s2 =	sand.u32 $0xFF, s26;
	[sflag:s17] =	ssyncadd.s32 $0xFFFFD800;
	s0 =	sadd.s32 $0x14FA0, s0  }
0x106: {  	[spmem:s3] =	stream.indirect.scatter.add.f32 [tilespmem:s0], [sflag:$0x2], $0x80, s28, s13, $0xb8;
	[tilespmem:$0x1DCA0] =	vst v63  }
0x107: {  	s29 =	smul.u32 $0xA000, s2  }
0x108: {  	[spmem:s4] =	stream.indirect.scatter.add.f32 [tilespmem:s8], [sflag:$0x3], $0x1, s28, s13, $0xb8;
	[tilespmem:$0x1DCA0] =	vst v63  }
0x109: {  	_ =	swait.ge [sflag:s10], $0x2800  }
0x10a: {  	s0 =	sshrl.u32 s29, $0x2;
	[sflag:s10] =	ssyncset.done $0x0  }
0x10b: {  	s31 =	sadd.s32 $0x50, s25;
	s0 =	sadd.s32 $0x14FA0, s0;
	[sflag:s10] =	ssyncadd.s32 $0xFFFFD800  }
0x10c: {  	[tilespmem:s0], [sflag:$0x1] =	stream.indirect.gather [hbm4b:s1+s13], $0x80, s31, s13, $0xb8;
	[tilespmem:$0x1DCA0] =	vst v63  }
0x10d: {  	_ =	swait.ge [sflag:s17], $0x2800  }
0x10e: {  	[sflag:s17] =	ssyncset.done $0x0  }
0x10f: {  	[sflag:s17] =	ssyncadd.s32 $0xFFFFD800  }
0x110: {  	[spmem:s3] =	stream.indirect.scatter.add.f32 [tilespmem:s19], [sflag:$0x2], $0x80, s20, s13, $0xb8;
	[tilespmem:$0x1DCA0] =	vst v63  }
0x111: {  	_ = 	snop  }
0x112: {  	[spmem:s4] =	stream.indirect.scatter.add.f32 [tilespmem:s8], [sflag:$0x3], $0x1, s20, s13, $0xb8;
	[tilespmem:$0x1DCA0] =	vst v63  }
0x113: {  	_ =	swait.ge [sflag:s10], $0x2800  }
0x114: {  	[sflag:s10] =	ssyncset.done $0x0  }
0x115: {  	[sflag:s10] =	ssyncadd.s32 $0xFFFFD800  }
0x116: {  	_ =	swait.ge [sflag:s17], $0x2800  }
0x117: {  	[sflag:s17] =	ssyncset.done $0x0  }
0x118: {  	[sflag:s17] =	ssyncadd.s32 $0xFFFFD800  }
0x119: {  	[spmem:s3] =	stream.indirect.scatter.add.f32 [tilespmem:s14], [sflag:$0x2], $0x80, s21, s13, $0xb8;
	[tilespmem:$0x1DCA0] =	vst v63  }
0x11a: {  	_ = 	snop  }
0x11b: {  	[spmem:s4] =	stream.indirect.scatter.add.f32 [tilespmem:s8], [sflag:$0x3], $0x1, s21, s13, $0xb8;
	[tilespmem:$0x1DCA0] =	vst v63  }
0x11c: {  	_ =	swait.ge [sflag:s10], $0x2800  }
0x11d: {  	[sflag:s10] =	ssyncset.done $0x0  }
0x11e: {  	[sflag:s10] =	ssyncadd.s32 $0xFFFFD800  }
0x11f: {  	_ =	swait.ge [sflag:s10], $0x2800  }
0x120: {  	[sflag:s10] =	ssyncset.done $0x0  }
0x121: {  	[sflag:s10] =	ssyncadd.s32 $0xFFFFD800  }
0x122: {  	_ =	swait.ge [sflag:s22], $0x50  }
0x123: {  	[sflag:s22] =	ssyncset.done $0x0  }
0x124: {  	[sflag:s22] =	ssyncadd.s32 $0xFFFFFFB0  }
0x125: {  	_ =	swait.ge [sflag:s22], $0x50  }
0x126: {  	[sflag:s22] =	ssyncset.done $0x0  }
0x127: {  	[sflag:s22] =	ssyncadd.s32 $0xFFFFFFB0  }
0x128: {  	_ =	swait.ge [sflag:s22], $0x50  }
0x129: {  	[sflag:s22] =	ssyncset.done $0x0  }
0x12a: {  	[sflag:s22] =	ssyncadd.s32 $0xFFFFFFB0  }
0x12b: {  	_ =	swait.ge [sflag:s22], $0x50  }
0x12c: {  	[sflag:s22] =	ssyncset.done $0x0  }
0x12d: {  	[sflag:s22] =	ssyncadd.s32 $0xFFFFFFB0  }
0x12e: {  	_ =	swait.ge [sflag:s22], $0x50  }
0x12f: {  	[sflag:s22] =	ssyncset.done $0x0  }
0x130: {  	[sflag:s22] =	ssyncadd.s32 $0xFFFFFFB0  }
0x131: {  	_ =	swait.ge [sflag:s22], $0x50  }
0x132: {  	[sflag:s22] =	ssyncset.done $0x0  }
0x133: {  	[sflag:s22] =	ssyncadd.s32 $0xFFFFFFB0  }
0x134: {  	_ =	swait.ge [sflag:s22], $0x50  }
0x135: {  	[sflag:s22] =	ssyncset.done $0x0  }
0x136: {  	[sflag:s22] =	ssyncadd.s32 $0xFFFFFFB0  }
0x137: {  	_ =	swait.ge [sflag:s22], $0x50  }
0x138: {  	[sflag:s22] =	ssyncset.done $0x0  }
0x139: {  	[sflag:s22] =	ssyncadd.s32 $0xFFFFFFB0  }
0x13a: {  	_ =	swait.ge [sflag:s22], $0x50  }
0x13b: {  	[sflag:s22] =	ssyncset.done $0x0  }
0x13c: {  	[sflag:s22] =	ssyncadd.s32 $0xFFFFFFB0  }
0x13d: {  	_ =	swait.ge [sflag:s22], $0x50  }
0x13e: {  	[sflag:s22] =	ssyncset.done $0x0  }
0x13f: {  	[sflag:s22] =	ssyncadd.s32 $0xFFFFFFB0  }
0x140: {  	_ =	swait.ge [sflag:s22], $0x50  }
0x141: {  	[sflag:s22] =	ssyncset.done $0x0  }
0x142: {  	[sflag:s22] =	ssyncadd.s32 $0xFFFFFFB0  }
0x143: {  	_ =	swait.ge [sflag:s22], $0x50  }
0x144: {  	[sflag:s22] =	ssyncset.done $0x0  }
0x145: {  	[sflag:s22] =	ssyncadd.s32 $0xFFFFFFB0  }
0x146: {  	_ =	swait.ge [sflag:s22], $0x50  }
0x147: {  	[sflag:s22] =	ssyncset.done $0x0  }
0x148: {  	[sflag:s22] =	ssyncadd.s32 $0xFFFFFFB0  }
0x149: {  	_ =	swait.ge [sflag:s22], $0x50  }
0x14a: {  	[sflag:s22] =	ssyncset.done $0x0  }
0x14b: {  	[sflag:s22] =	ssyncadd.s32 $0xFFFFFFB0  }
0x14c: {  	_ =	swait.ge [sflag:s22], $0x50  }
0x14d: {  	[sflag:s22] =	ssyncset.done $0x0  }
0x14e: {  	[sflag:s22] =	ssyncadd.s32 $0xFFFFFFB0  }
0x14f: {  	_ =	swait.ge [sflag:s22], $0x50  }
0x150: {  	[sflag:s22] =	ssyncset.done $0x0  }
0x151: {  	[sflag:s22] =	ssyncadd.s32 $0xFFFFFFB0  }
0x152: {  	_ =	swait.ge [sflag:s22], $0x50  }
0x153: {  	[sflag:s22] =	ssyncset.done $0x0  }
0x154: {  	[sflag:s22] =	ssyncadd.s32 $0xFFFFFFB0  }
0x155: {  	_ =	swait.ge [sflag:s22], $0x50  }
0x156: {  	[sflag:s22] =	ssyncset.done $0x0  }
0x157: {  	[sflag:s22] =	ssyncadd.s32 $0xFFFFFFB0  }
0x158: {  	_ =	swait.ge [sflag:s22], $0x50  }
0x159: {  	[sflag:s22] =	ssyncset.done $0x0  }
0x15a: {  	[sflag:s22] =	ssyncadd.s32 $0xFFFFFFB0  }
0x15b: {  	_ =	swait.ge [sflag:s22], $0x50  }
0x15c: {  	[sflag:s22] =	ssyncset.done $0x0  }
0x15d: {  	[sflag:s22] =	ssyncadd.s32 $0xFFFFFFB0  }
0x15e: {  	_ =	swait.ge [sflag:s22], $0x50  }
0x15f: {  	[sflag:s22] =	ssyncset.done $0x0  }
0x160: {  	[sflag:s22] =	ssyncadd.s32 $0xFFFFFFB0  }
0x161: {  	_ =	swait.ge [sflag:s22], $0x50  }
0x162: {  	[sflag:s22] =	ssyncset.done $0x0  }
0x163: {  	[sflag:s22] =	ssyncadd.s32 $0xFFFFFFB0  }
0x164: {  	_ =	swait.ge [sflag:s22], $0x50  }
0x165: {  	[sflag:s22] =	ssyncset.done $0x0  }
0x166: {  	s24 =	sadd.s32 $0x1, s24;
	[sflag:s22] =	ssyncadd.s32 $0xFFFFFFB0  }
0x167: {  	p0 =	sne.s32 s24, $0x5;
	_ =	swait.ge [sflag:s22], $0x50  }
.Ltmp2:
0x168: {  	[sflag:s22] =	ssyncset.done $0x0;
	(pc) =	sbr.rel @p0 .LBB2_4-.Ltmp2, $4  }
0x169: {  	[sflag:s22] =	ssyncadd.s32 $0xFFFFFFB0  }
0x16a: {  	_ =	swait.ge [sflag:s22], $0x50  }
0x16b: {  	[sflag:s22] =	ssyncset.done $0x0  }
0x16c: {  	[sflag:s22] =	ssyncadd.s32 $0xFFFFFFB0  }
0x16d: {  	s0 =	stileid.u32;
	[bflag:$0x0] =	sbarrier.arrive $0xFFFF  }
0x16e: {  	s0 =	sshll.u32 s0, $0x6;
	s15 =	rddreg [dreg:$0x6]  }
0x16f: {  	s7 =	rddreg [dreg:$0x1c];
	s0 =	sor.u32 $0x1C04, s0;
	s2 =	sshrl.u32 s15, $0x3  }
0x170: {  	[hbm:s7], [sflag:s0] =	dma.local [spmem:s2], $0x2800  }
0x171: {  	_ =	swait.ge [sflag:s9], $0x2800  }
0x172: {  	[sflag:s9] =	ssyncset.done $0x0;
	s16 =	rddreg [dreg:$0x1b]  }
0x173: {  	s28 =	rddreg [dreg:$0x12];
	[sflag:s9] =	ssyncadd.s32 $0xFFFFD800;
	s26 =	sshrl.u32 s16, $0x3  }
0x174: {  	[hbm:s28], [sflag:s0] =	dma.local [spmem:s26], $0x50  }
0x175: {  	_ =	swait.ge [sflag:s9], $0x50  }
0x176: {  	s29 =	rddreg [dreg:$0x1e]  }
0x177: {  	s31 =	rddreg [dreg:$0x1d];
	s2 =	sadd.s32 $0x1, s29  }
0x178: {  	p0 =	sne.s32 s2, s31  }
.Ltmp3:
0x179: {  	_ = 	snop;
	(pc) =	sbr.rel @p0 .LBB2_1-.Ltmp3, $3  }
0x17a: {  	_ =	sdelay $0x1  }
0x17b: {  	[sflag:s9] =	ssyncset.done $0x0  }
0x17c: {  	[sflag:s9] =	ssyncadd.s32 $0xFFFFFFB0  }
0x17d: {  	_ =	sfence.sel $0x180000  }
0x17e: {  	[bflag:$0x0] =	sbarrier.arrive $0xFFFF  }
0x17f: {  	_ =	strace $0x90000047  }
0x180: {  	s0 =	stileid.u32;
	[bflag:$0x2] =	sbarrier.arrive $0xFFFF  }
0x181: {  	p0 =	sne.s32 s0, $0x0;
	s0 =	rddreg [dreg:$0x5]  }
0x182: {  	s0 =	sadd.s32 @!p0 $0x100000, s0  }
0x183: {  	[sflag:s0] =	ssyncadd.tile.s32 @!p0 $0x1;
	_ =	shalt  }
.Lfunc_end2:
_tile_overlayer_lowered:
.L_overlay_start_2:
0x184: {  	(tag) =	ssettag $0x2  }
0x185: {  	s0 =	rddreg [dreg:$0x0];
	s2 =	stileid.u32  }
0x186: {  	s1 =	rddreg [dreg:$0x1];
	p0 =	sne.s32 s2, $0x0  }
0x187: {  	s3 =	rddreg [dreg:$0x2];
	[bflag:$0x3] =	sbarrier.arrive $0xFFFF;
	s2 =	simm.s32 @!p0 $0x1C04  }
0x188: {  	[timem:s3], [sflag:s2] =	dma.local @!p0 [hbm:s0], s1  }
0x189: {  	s0 =	simm.s32 @!p0 $0x4  }
0x18a: {  	_ =	swait.ge @!p0 [sflag:s0], s1  }
0x18b: {  	s1 =	ssub.s32 @!p0 $0x0, s1;
	[sflag:s0] =	ssyncset.done @!p0 $0x0  }
0x18c: {  	[sflag:s0] =	ssyncadd.s32 @!p0 s1  }
0x18d: {  	[bflag:$0x3] =	sbarrier.arrive $0xFFFF  }
0x18e: {  	_ =	shalt  }

</sc_bundles>
